<compile_context>
chip_gen: v7x
topology: tpu7x:2x2x1
jax: 0.10.2.dev20260603
libtpu: 0.0.44.dev20260713+nightly
codegen_flags: <defaults>
</compile_context>

<pallas_src>
import functools

import jax
import jax.numpy as jnp
from jax import lax
from jax.experimental import pallas as pl
from jax.experimental.pallas import tpu as pltpu
from jax.experimental.pallas import tpu_sc as plsc

NC = 2
NS = 16
L = 16
NW = NC * NS
NSEG = 64
BLK = 2000
H = BLK // 2


def _sc_kernel(n_edges):
    ept = n_edges // NW
    nblk = ept // BLK
    mesh = plsc.VectorSubcoreMesh(core_axis_name="c", subcore_axis_name="s")

    @functools.partial(
        pl.kernel,
        out_type=jax.ShapeDtypeStruct((NC, NSEG), jnp.float32),
        mesh=mesh,
        scratch_types=[
            [pltpu.VMEM((BLK,), jnp.int32) for _ in range(2)],
            [pltpu.VMEM((BLK,), jnp.int32) for _ in range(2)],
            [pltpu.VMEM((BLK,), jnp.int32) for _ in range(2)],
            pltpu.VMEM((BLK, 4), jnp.float32),
            pltpu.VMEM((BLK, 4), jnp.float32),
            pltpu.VMEM((128,), jnp.float32),
            pltpu.VMEM((NS * NSEG,), jnp.float32),
            pltpu.VMEM((NSEG,), jnp.float32),
            pltpu.VMEM((NS, NSEG), jnp.float32),
            pltpu.VMEM_SHARED((NS, NSEG), jnp.float32),
            [pltpu.SemaphoreType.DMA for _ in range(3)],
            [pltpu.SemaphoreType.DMA for _ in range(4)],
        ],
        compiler_params=pltpu.CompilerParams(
            needs_layout_passes=False, use_tc_tiling_on_sc=False),
    )
    def k(tab, mp, mb, sg, out, idx_i, idx_j, bat, rows_i, rows_j, sig_v,
          acc, part, red, shared, sem_i, sem_g):
        c = lax.axis_index("c")
        s = lax.axis_index("s")
        wid = c * NS + s
        tile_base = wid * ept

        pltpu.sync_copy(sg, sig_v)

        zero = jnp.zeros((L,), jnp.float32)

        def zbody(kk, _):
            acc[pl.ds(kk * L, L)] = zero
            return 0

        lax.fori_loop(0, (NS * NSEG) // L, zbody, 0)

        iota = lax.iota(jnp.int32, L)
        lane_base = iota * NSEG
        c0 = jnp.full((L,), 0, jnp.int32)
        c1 = jnp.full((L,), 1, jnp.int32)
        c2 = jnp.full((L,), 2, jnp.int32)
        c3 = jnp.full((L,), 3, jnp.int32)

        def compute(u, vlo, vhi):
            ri = rows_i
            rj = rows_j
            bt = bat[u]

            def v_body(v, _):
                e = v * L + iota
                xi = plsc.load_gather(ri, [e, c0])
                yi = plsc.load_gather(ri, [e, c1])
                zi = plsc.load_gather(ri, [e, c2])
                ti = plsc.load_gather(ri, [e, c3])
                xj = plsc.load_gather(rj, [e, c0])
                yj = plsc.load_gather(rj, [e, c1])
                zj = plsc.load_gather(rj, [e, c2])
                tj = plsc.load_gather(rj, [e, c3])
                dx = xi - xj
                dy = yi - yj
                dz = zi - zj
                d2 = dx * dx + dy * dy + dz * dz + 1e-12
                d6 = d2 * d2 * d2
                sidx = (ti * 10.0 + tj).astype(jnp.int32)
                s6 = plsc.load_gather(sig_v, [sidx])
                y = s6 / d6
                seg = bt[pl.ds(v * L, L)]
                plsc.addupdate_scatter(acc, [lane_base + seg], y)
                return 0

            lax.fori_loop(vlo, vhi, v_body, 0, unroll=2)

        pltpu.sync_copy(mp.at[0, pl.ds(tile_base, BLK)], idx_i[0])
        pltpu.sync_copy(mp.at[1, pl.ds(tile_base, BLK)], idx_j[0])
        pltpu.sync_copy(mb.at[pl.ds(tile_base, BLK)], bat[0])

        CH = (0, 672, 1344, 2000)

        def blk_body(p, _):
            for b2 in range(2):
                b = 2 * p + b2
                u = b2
                nu = 1 - b2
                ii = idx_i[u]
                jj = idx_j[u]

                def gather_chunk(k, sa, sb):
                    lo = CH[k]
                    n = CH[k + 1] - CH[k]
                    gi = pltpu.async_copy(tab.at[ii.at[pl.ds(lo, n)]],
                                          rows_i.at[pl.ds(lo, n)], sa)
                    gj = pltpu.async_copy(tab.at[jj.at[pl.ds(lo, n)]],
                                          rows_j.at[pl.ds(lo, n)], sb)
                    return (gi, gj)

                gA = gather_chunk(0, sem_g[0], sem_g[1])
                bn = jnp.minimum(b + 1, nblk - 1)
                base = tile_base + bn * BLK
                h1 = pltpu.async_copy(mp.at[0, pl.ds(base, BLK)], idx_i[nu],
                                      sem_i[0])
                h2 = pltpu.async_copy(mp.at[1, pl.ds(base, BLK)], idx_j[nu],
                                      sem_i[1])
                h3 = pltpu.async_copy(mb.at[pl.ds(base, BLK)], bat[nu],
                                      sem_i[2])
                gA[0].wait()
                gA[1].wait()
                h1.wait()
                h2.wait()
                h3.wait()
                gB = gather_chunk(1, sem_g[2], sem_g[3])
                compute(u, CH[0] // L, CH[1] // L)
                gB[0].wait()
                gB[1].wait()
                gC = gather_chunk(2, sem_g[0], sem_g[1])
                compute(u, CH[1] // L, CH[2] // L)
                gC[0].wait()
                gC[1].wait()
                compute(u, CH[2] // L, CH[3] // L)
            return 0

        lax.fori_loop(0, nblk // 2, blk_body, 0)

        for ch in range(NSEG // L):
            tot = zero
            for l in range(NS):
                tot = tot + acc[pl.ds(l * NSEG + ch * L, L)]
            part[pl.ds(ch * L, L)] = tot

        pltpu.sync_copy(part, shared.at[s])
        plsc.subcore_barrier()

        @pl.when(s == 0)
        def _():
            pltpu.sync_copy(shared, red)
            for ch in range(NSEG // L):
                tot2 = jnp.zeros((L,), jnp.float32)
                for l in range(NS):
                    tot2 = tot2 + red[l, pl.ds(ch * L, L)]
                part[pl.ds(ch * L, L)] = tot2
            pltpu.sync_copy(part, out.at[c])

    return k


def kernel(pos, sigma, mapping, mapping_batch, atom_types):
    n_edges = mapping.shape[1]
    node_tab = jnp.concatenate(
        [pos, atom_types.astype(jnp.float32)[:, None]], axis=1)
    s2 = sigma.astype(jnp.float32)
    s2 = s2 * s2
    s6 = (s2 * s2 * s2).reshape(-1)
    sig6 = jnp.pad(s6, (0, 128 - s6.shape[0]))
    mp = mapping.astype(jnp.int32)
    mb = mapping_batch.astype(jnp.int32)
    out = _sc_kernel(n_edges)(node_tab, mp, mb, sig6)
    return out[0] + out[1]

# --- scband reference (transcript-rebuilt; emitter-appended) ---
"""Pipeline reference for scband-repulsion-64132451664647 (READ-ONLY COPY).

The authoritative reference and input builder live on the scoring server;
editing this copy changes nothing except your own understanding.
"""

import jax, jax.numpy as jnp
import numpy as np

N_NODES = 100000
N_EDGES = 6400000
N_FRAMES = 64
N_TYPES = 10

def setup_inputs(seed: int = 0) -> dict:
    key = jax.random.key(seed)
    k1, k2, k3, k4, k5 = jax.random.split(key, 5)
    pos = jax.random.normal(k1, (N_NODES, 3), dtype=jnp.float32)
    mapping = jax.random.randint(k2, (2, N_EDGES), 0, N_NODES, dtype=jnp.int64)
    mapping_batch = jnp.sort(jax.random.randint(k3, (N_EDGES,), 0, N_FRAMES, dtype=jnp.int64))
    atom_types = jax.random.randint(k4, (N_NODES,), 0, N_TYPES, dtype=jnp.int64)
    # learned/registered buffer: sigma table indexed by (type_i, type_j)
    sigma = jax.random.uniform(k5, (N_TYPES, N_TYPES), dtype=jnp.float32, minval=0.3, maxval=0.6)
    return {"pos": pos, "sigma": sigma, "mapping": mapping, "mapping_batch": mapping_batch, "atom_types": atom_types}

def reference(pos, sigma, mapping, mapping_batch, atom_types):
    # gather interaction types for each pair (order = 2)
    t0 = jnp.take(atom_types, mapping[0], axis=0)
    t1 = jnp.take(atom_types, mapping[1], axis=0)
    sig = sigma[t0, t1]
    # compute_distances (no pbc/cell -> no cell shifts)
    dr = jnp.take(pos, mapping[0], axis=0) - jnp.take(pos, mapping[1], axis=0)
    x = jnp.sqrt(jnp.sum(dr * dr, axis=-1) + 1e-12)
    # Repulsion.compute: (sigma/x)^6
    rr = (sig / x) * (sig / x)
    y = rr * rr * rr
    # scatter(y, mapping_batch, reduce='sum') -> per-frame energy
    energy = jax.ops.segment_sum(y, mapping_batch, num_segments=N_FRAMES)
    return energy

if __name__ == "__main__":
    import jax
    _d = setup_inputs()
    print(jax.jit(kernel)(*tuple(_d.values())))

</pallas_src>

<mosaic_0001>
#map = affine_map<(d0, d1) -> (0, 0)>
#map1 = affine_map<(d0, d1) -> (0)>
module attributes {stable_mosaic.version = 14 : i64} {
  func.func @k(%arg0: i32, %arg1: i32, %arg2: memref<100000x4xf32, #tpu.memory_space<hbm>>, %arg3: memref<2x6400000xi32, #tpu.memory_space<hbm>>, %arg4: memref<6400000xi32, #tpu.memory_space<hbm>>, %arg5: memref<128xf32, #tpu.memory_space<hbm>>, %arg6: memref<2x64xf32, #tpu.memory_space<hbm>>, %arg7: memref<2000xi32, #tpu.memory_space<vmem>>, %arg8: memref<2000xi32, #tpu.memory_space<vmem>>, %arg9: memref<2000xi32, #tpu.memory_space<vmem>>, %arg10: memref<2000xi32, #tpu.memory_space<vmem>>, %arg11: memref<2000xi32, #tpu.memory_space<vmem>>, %arg12: memref<2000xi32, #tpu.memory_space<vmem>>, %arg13: memref<2000x4xf32, #tpu.memory_space<vmem>>, %arg14: memref<2000x4xf32, #tpu.memory_space<vmem>>, %arg15: memref<128xf32, #tpu.memory_space<vmem>>, %arg16: memref<1024xf32, #tpu.memory_space<vmem>>, %arg17: memref<64xf32, #tpu.memory_space<vmem>>, %arg18: memref<16x64xf32, #tpu.memory_space<vmem>>, %arg19: memref<16x64xf32, #tpu.memory_space<vmem_shared>>, %arg20: memref<!tpu.dma_semaphore, #tpu.memory_space<semaphore_mem>>, %arg21: memref<!tpu.dma_semaphore, #tpu.memory_space<semaphore_mem>>, %arg22: memref<!tpu.dma_semaphore, #tpu.memory_space<semaphore_mem>>, %arg23: memref<!tpu.dma_semaphore, #tpu.memory_space<semaphore_mem>>, %arg24: memref<!tpu.dma_semaphore, #tpu.memory_space<semaphore_mem>>, %arg25: memref<!tpu.dma_semaphore, #tpu.memory_space<semaphore_mem>>, %arg26: memref<!tpu.dma_semaphore, #tpu.memory_space<semaphore_mem>>) attributes {dimension_semantics = [#tpu.dimension_semantics<core_parallel>, #tpu.dimension_semantics<subcore_parallel>], iteration_bounds = array<i64: 2, 16>, scalar_prefetch = 0 : i64, scratch_operands = 20 : i64, tpu.core_type = #tpu.core_type<sc_vector_subcore>, window_params = [{transform_indices = #map}, {transform_indices = #map}, {transform_indices = #map1}, {transform_indices = #map1}, {transform_indices = #map}]} {
    %mul3A = arith.constant 16 : i32
    %mul3A_0 = arith.muli %arg0, %mul3A : i32
    %add3A = arith.addi %mul3A_0, %arg1 : i32
    %mul3A_1 = arith.constant 200000 : i32
    %mul3A_2 = arith.muli %add3A, %mul3A_1 : i32
    "tpu.region"() ({
      %run_scoped3A_229 = tpu.sem_alloc : memref<!tpu.dma_semaphore, #tpu.memory_space<semaphore_mem>>
      tpu.enqueue_dma source(%arg5 : memref<128xf32, #tpu.memory_space<hbm>>) target(%arg15 : memref<128xf32, #tpu.memory_space<vmem>>) target_semaphore(%run_scoped3A_229 : memref<!tpu.dma_semaphore, #tpu.memory_space<semaphore_mem>>)
      tpu.wait_dma2 semaphore(%run_scoped3A_229 : memref<!tpu.dma_semaphore, #tpu.memory_space<semaphore_mem>>) src(%arg5 : memref<128xf32, #tpu.memory_space<hbm>>) dst(%arg15 : memref<128xf32, #tpu.memory_space<vmem>>)
      tpu.yield
    }) : () -> ()
    %broadcast_in_dim3A = arith.constant 0.000000e+00 : f32
    %broadcast_in_dim3A_3 = vector.broadcast %broadcast_in_dim3A : f32 to vector<16xf32>
    %scan3A = arith.constant 0 : i32
    %scan3A_4 = arith.constant 0 : i32
    %scan3A_5 = arith.constant 64 : i32
    %scan3A_6 = arith.addi %scan3A_4, %scan3A_5 : i32
    %scan3A_7 = arith.constant 1 : i32
    %scan3A_8 = scf.for %scan3A_229 = %scan3A_4 to %scan3A_6 step %scan3A_7 iter_args(%scan3A_230 = %scan3A) -> (i32)  : i32 {
      %mul3A_231 = arith.constant 16 : i32
      %mul3A_232 = arith.muli %scan3A_229, %mul3A_231 : i32
      %swap3A_233 = arith.index_cast %mul3A_232 : i32 to index
      %swap3A_234 = tpu.vector_load %arg16[%swap3A_233] {strides = array<i32>} : memref<1024xf32, #tpu.memory_space<vmem>>, vector<16xf32>,
      tpu.vector_store %arg16[%swap3A_233], %broadcast_in_dim3A_3 {strides = array<i32>} : memref<1024xf32, #tpu.memory_space<vmem>>, vector<16xf32>,
      %scan3A_235 = arith.constant 0 : i32
      scf.yield %scan3A_235 : i32
    }
    %scan3A_9 = arith.constant 64 : i32
    %iota3A = tpu.iota {dimensions = array<i32: 0>} : vector<16xi32>
    %mul3A_10 = arith.constant 64 : i32
    %mul3A_11 = vector.broadcast %mul3A_10 : i32 to vector<16xi32>
    %mul3A_12 = arith.muli %iota3A, %mul3A_11 : vector<16xi32>
    %broadcast_in_dim3A_13 = arith.constant 0 : i32
    %broadcast_in_dim3A_14 = vector.broadcast %broadcast_in_dim3A_13 : i32 to vector<16xi32>
    %broadcast_in_dim3A_15 = arith.constant 1 : i32
    %broadcast_in_dim3A_16 = vector.broadcast %broadcast_in_dim3A_15 : i32 to vector<16xi32>
    %broadcast_in_dim3A_17 = arith.constant 2 : i32
    %broadcast_in_dim3A_18 = vector.broadcast %broadcast_in_dim3A_17 : i32 to vector<16xi32>
    %broadcast_in_dim3A_19 = arith.constant 3 : i32
    %broadcast_in_dim3A_20 = vector.broadcast %broadcast_in_dim3A_19 : i32 to vector<16xi32>
    %run_scoped3A = arith.constant 0 : i32
    "tpu.region"() ({
      %run_scoped3A_229 = tpu.sem_alloc : memref<!tpu.dma_semaphore, #tpu.memory_space<semaphore_mem>>
      %dma_start3A = tpu.memref_slice %arg3[%run_scoped3A, %mul3A_2] : memref<2x6400000xi32, #tpu.memory_space<hbm>> -> memref<1x2000xi32, #tpu.memory_space<hbm>>
      %dma_start3A_230 = tpu.memref_squeeze %dma_start3A : memref<1x2000xi32, #tpu.memory_space<hbm>> -> memref<2000xi32, #tpu.memory_space<hbm>>
      %dma_start3A_231 = tpu.memref_slice %arg3[%run_scoped3A, %mul3A_2] : memref<2x6400000xi32, #tpu.memory_space<hbm>> -> memref<1x2000xi32, #tpu.memory_space<hbm>>
      %dma_start3A_232 = tpu.memref_squeeze %dma_start3A_231 : memref<1x2000xi32, #tpu.memory_space<hbm>> -> memref<2000xi32, #tpu.memory_space<hbm>>
      tpu.enqueue_dma source(%dma_start3A_232 : memref<2000xi32, #tpu.memory_space<hbm>>) target(%arg7 : memref<2000xi32, #tpu.memory_space<vmem>>) target_semaphore(%run_scoped3A_229 : memref<!tpu.dma_semaphore, #tpu.memory_space<semaphore_mem>>)
      %dma_wait3A = tpu.memref_slice %arg3[%run_scoped3A, %mul3A_2] : memref<2x6400000xi32, #tpu.memory_space<hbm>> -> memref<1x2000xi32, #tpu.memory_space<hbm>>
      %dma_wait3A_233 = tpu.memref_squeeze %dma_wait3A : memref<1x2000xi32, #tpu.memory_space<hbm>> -> memref<2000xi32, #tpu.memory_space<hbm>>
      %dma_wait3A_234 = tpu.memref_slice %arg3[%run_scoped3A, %mul3A_2] : memref<2x6400000xi32, #tpu.memory_space<hbm>> -> memref<1x2000xi32, #tpu.memory_space<hbm>>
      %dma_wait3A_235 = tpu.memref_squeeze %dma_wait3A_234 : memref<1x2000xi32, #tpu.memory_space<hbm>> -> memref<2000xi32, #tpu.memory_space<hbm>>
      tpu.wait_dma2 semaphore(%run_scoped3A_229 : memref<!tpu.dma_semaphore, #tpu.memory_space<semaphore_mem>>) src(%dma_wait3A_235 : memref<2000xi32, #tpu.memory_space<hbm>>) dst(%arg7 : memref<2000xi32, #tpu.memory_space<vmem>>)
      tpu.yield
    }) : () -> ()
    %run_scoped3A_21 = arith.constant 1 : i32
    "tpu.region"() ({
      %run_scoped3A_229 = tpu.sem_alloc : memref<!tpu.dma_semaphore, #tpu.memory_space<semaphore_mem>>
      %dma_start3A = tpu.memref_slice %arg3[%run_scoped3A_21, %mul3A_2] : memref<2x6400000xi32, #tpu.memory_space<hbm>> -> memref<1x2000xi32, #tpu.memory_space<hbm>>
      %dma_start3A_230 = tpu.memref_squeeze %dma_start3A : memref<1x2000xi32, #tpu.memory_space<hbm>> -> memref<2000xi32, #tpu.memory_space<hbm>>
      %dma_start3A_231 = tpu.memref_slice %arg3[%run_scoped3A_21, %mul3A_2] : memref<2x6400000xi32, #tpu.memory_space<hbm>> -> memref<1x2000xi32, #tpu.memory_space<hbm>>
      %dma_start3A_232 = tpu.memref_squeeze %dma_start3A_231 : memref<1x2000xi32, #tpu.memory_space<hbm>> -> memref<2000xi32, #tpu.memory_space<hbm>>
      tpu.enqueue_dma source(%dma_start3A_232 : memref<2000xi32, #tpu.memory_space<hbm>>) target(%arg9 : memref<2000xi32, #tpu.memory_space<vmem>>) target_semaphore(%run_scoped3A_229 : memref<!tpu.dma_semaphore, #tpu.memory_space<semaphore_mem>>)
      %dma_wait3A = tpu.memref_slice %arg3[%run_scoped3A_21, %mul3A_2] : memref<2x6400000xi32, #tpu.memory_space<hbm>> -> memref<1x2000xi32, #tpu.memory_space<hbm>>
      %dma_wait3A_233 = tpu.memref_squeeze %dma_wait3A : memref<1x2000xi32, #tpu.memory_space<hbm>> -> memref<2000xi32, #tpu.memory_space<hbm>>
      %dma_wait3A_234 = tpu.memref_slice %arg3[%run_scoped3A_21, %mul3A_2] : memref<2x6400000xi32, #tpu.memory_space<hbm>> -> memref<1x2000xi32, #tpu.memory_space<hbm>>
      %dma_wait3A_235 = tpu.memref_squeeze %dma_wait3A_234 : memref<1x2000xi32, #tpu.memory_space<hbm>> -> memref<2000xi32, #tpu.memory_space<hbm>>
      tpu.wait_dma2 semaphore(%run_scoped3A_229 : memref<!tpu.dma_semaphore, #tpu.memory_space<semaphore_mem>>) src(%dma_wait3A_235 : memref<2000xi32, #tpu.memory_space<hbm>>) dst(%arg9 : memref<2000xi32, #tpu.memory_space<vmem>>)
      tpu.yield
    }) : () -> ()
    "tpu.region"() ({
      %run_scoped3A_229 = tpu.sem_alloc : memref<!tpu.dma_semaphore, #tpu.memory_space<semaphore_mem>>
      %dma_start3A = tpu.memref_slice %arg4[%mul3A_2] : memref<6400000xi32, #tpu.memory_space<hbm>> -> memref<2000xi32, #tpu.memory_space<hbm>>
      %dma_start3A_230 = tpu.memref_slice %arg4[%mul3A_2] : memref<6400000xi32, #tpu.memory_space<hbm>> -> memref<2000xi32, #tpu.memory_space<hbm>>
      tpu.enqueue_dma source(%dma_start3A_230 : memref<2000xi32, #tpu.memory_space<hbm>>) target(%arg11 : memref<2000xi32, #tpu.memory_space<vmem>>) target_semaphore(%run_scoped3A_229 : memref<!tpu.dma_semaphore, #tpu.memory_space<semaphore_mem>>)
      %dma_wait3A = tpu.memref_slice %arg4[%mul3A_2] : memref<6400000xi32, #tpu.memory_space<hbm>> -> memref<2000xi32, #tpu.memory_space<hbm>>
      %dma_wait3A_231 = tpu.memref_slice %arg4[%mul3A_2] : memref<6400000xi32, #tpu.memory_space<hbm>> -> memref<2000xi32, #tpu.memory_space<hbm>>
      tpu.wait_dma2 semaphore(%run_scoped3A_229 : memref<!tpu.dma_semaphore, #tpu.memory_space<semaphore_mem>>) src(%dma_wait3A_231 : memref<2000xi32, #tpu.memory_space<hbm>>) dst(%arg11 : memref<2000xi32, #tpu.memory_space<vmem>>)
      tpu.yield
    }) : () -> ()
    %scan3A_22 = arith.constant 0 : i32
    %scan3A_23 = arith.constant 0 : i32
    %scan3A_24 = arith.constant 50 : i32
    %scan3A_25 = arith.addi %scan3A_23, %scan3A_24 : i32
    %scan3A_26 = arith.constant 1 : i32
    %scan3A_27 = scf.for %scan3A_229 = %scan3A_23 to %scan3A_25 step %scan3A_26 iter_args(%scan3A_230 = %scan3A_22) -> (i32)  : i32 {
      %mul3A_231 = arith.constant 2 : i32
      %mul3A_232 = arith.muli %mul3A_231, %scan3A_229 : i32
      %add3A_233 = arith.constant 0 : i32
      %add3A_234 = arith.addi %mul3A_232, %add3A_233 : i32
      %dma_start3A = arith.constant 0 : i32
      %dma_start3A_235 = arith.constant 0 : i32
      %dma_start3A_236 = tpu.memref_slice %arg13[%dma_start3A, %dma_start3A_235] : memref<2000x4xf32, #tpu.memory_space<vmem>> -> memref<672x4xf32, #tpu.memory_space<vmem>>
      %dma_start3A_237 = arith.constant 0 : i32
      %dma_start3A_238 = tpu.memref_slice %arg7[%dma_start3A_237] : memref<2000xi32, #tpu.memory_space<vmem>> -> memref<672xi32, #tpu.memory_space<vmem>>
      %dma_start3A_239 = arith.constant 0 : i32
      %dma_start3A_240 = arith.constant 0 : i32
      %dma_start3A_241 = tpu.memref_slice %arg2[%dma_start3A_239, %dma_start3A_240] : memref<100000x4xf32, #tpu.memory_space<hbm>> -> memref<100000x4xf32, #tpu.memory_space<hbm>>
      tpu.enqueue_indirect_dma source(%dma_start3A_241 : memref<100000x4xf32, #tpu.memory_space<hbm>>) target(%dma_start3A_236 : memref<672x4xf32, #tpu.memory_space<vmem>>) offsets(%dma_start3A_238 : memref<672xi32, #tpu.memory_space<vmem>>) semaphore(%arg23 : memref<!tpu.dma_semaphore, #tpu.memory_space<semaphore_mem>>)
      %dma_start3A_242 = arith.constant 0 : i32
      %dma_start3A_243 = arith.constant 0 : i32
      %dma_start3A_244 = tpu.memref_slice %arg14[%dma_start3A_242, %dma_start3A_243] : memref<2000x4xf32, #tpu.memory_space<vmem>> -> memref<672x4xf32, #tpu.memory_space<vmem>>
      %dma_start3A_245 = arith.constant 0 : i32
      %dma_start3A_246 = tpu.memref_slice %arg9[%dma_start3A_245] : memref<2000xi32, #tpu.memory_space<vmem>> -> memref<672xi32, #tpu.memory_space<vmem>>
      %dma_start3A_247 = arith.constant 0 : i32
      %dma_start3A_248 = arith.constant 0 : i32
      %dma_start3A_249 = tpu.memref_slice %arg2[%dma_start3A_247, %dma_start3A_248] : memref<100000x4xf32, #tpu.memory_space<hbm>> -> memref<100000x4xf32, #tpu.memory_space<hbm>>
      tpu.enqueue_indirect_dma source(%dma_start3A_249 : memref<100000x4xf32, #tpu.memory_space<hbm>>) target(%dma_start3A_244 : memref<672x4xf32, #tpu.memory_space<vmem>>) offsets(%dma_start3A_246 : memref<672xi32, #tpu.memory_space<vmem>>) semaphore(%arg24 : memref<!tpu.dma_semaphore, #tpu.memory_space<semaphore_mem>>)
      %add3A_250 = arith.constant 1 : i32
      %add3A_251 = arith.addi %add3A_234, %add3A_250 : i32
      %min3A = arith.constant 99 : i32
      %min3A_252 = arith.minsi %add3A_251, %min3A : i32
      %mul3A_253 = arith.constant 2000 : i32
      %mul3A_254 = arith.muli %min3A_252, %mul3A_253 : i32
      %add3A_255 = arith.addi %mul3A_2, %mul3A_254 : i32
      %dma_start3A_256 = arith.constant 0 : i32
      %dma_start3A_257 = tpu.memref_slice %arg3[%dma_start3A_256, %add3A_255] : memref<2x6400000xi32, #tpu.memory_space<hbm>> -> memref<1x2000xi32, #tpu.memory_space<hbm>>
      %dma_start3A_258 = tpu.memref_squeeze %dma_start3A_257 : memref<1x2000xi32, #tpu.memory_space<hbm>> -> memref<2000xi32, #tpu.memory_space<hbm>>
      %dma_start3A_259 = tpu.memref_slice %arg3[%dma_start3A_256, %add3A_255] : memref<2x6400000xi32, #tpu.memory_space<hbm>> -> memref<1x2000xi32, #tpu.memory_space<hbm>>
      %dma_start3A_260 = tpu.memref_squeeze %dma_start3A_259 : memref<1x2000xi32, #tpu.memory_space<hbm>> -> memref<2000xi32, #tpu.memory_space<hbm>>
      tpu.enqueue_dma source(%dma_start3A_260 : memref<2000xi32, #tpu.memory_space<hbm>>) target(%arg8 : memref<2000xi32, #tpu.memory_space<vmem>>) target_semaphore(%arg20 : memref<!tpu.dma_semaphore, #tpu.memory_space<semaphore_mem>>)
      %dma_start3A_261 = arith.constant 1 : i32
      %dma_start3A_262 = tpu.memref_slice %arg3[%dma_start3A_261, %add3A_255] : memref<2x6400000xi32, #tpu.memory_space<hbm>> -> memref<1x2000xi32, #tpu.memory_space<hbm>>
      %dma_start3A_263 = tpu.memref_squeeze %dma_start3A_262 : memref<1x2000xi32, #tpu.memory_space<hbm>> -> memref<2000xi32, #tpu.memory_space<hbm>>
      %dma_start3A_264 = tpu.memref_slice %arg3[%dma_start3A_261, %add3A_255] : memref<2x6400000xi32, #tpu.memory_space<hbm>> -> memref<1x2000xi32, #tpu.memory_space<hbm>>
      %dma_start3A_265 = tpu.memref_squeeze %dma_start3A_264 : memref<1x2000xi32, #tpu.memory_space<hbm>> -> memref<2000xi32, #tpu.memory_space<hbm>>
      tpu.enqueue_dma source(%dma_start3A_265 : memref<2000xi32, #tpu.memory_space<hbm>>) target(%arg10 : memref<2000xi32, #tpu.memory_space<vmem>>) target_semaphore(%arg21 : memref<!tpu.dma_semaphore, #tpu.memory_space<semaphore_mem>>)
      %dma_start3A_266 = tpu.memref_slice %arg4[%add3A_255] : memref<6400000xi32, #tpu.memory_space<hbm>> -> memref<2000xi32, #tpu.memory_space<hbm>>
      %dma_start3A_267 = tpu.memref_slice %arg4[%add3A_255] : memref<6400000xi32, #tpu.memory_space<hbm>> -> memref<2000xi32, #tpu.memory_space<hbm>>
      tpu.enqueue_dma source(%dma_start3A_267 : memref<2000xi32, #tpu.memory_space<hbm>>) target(%arg12 : memref<2000xi32, #tpu.memory_space<vmem>>) target_semaphore(%arg22 : memref<!tpu.dma_semaphore, #tpu.memory_space<semaphore_mem>>)
      %dma_wait3A = arith.constant 0 : i32
      %dma_wait3A_268 = arith.constant 0 : i32
      %dma_wait3A_269 = tpu.memref_slice %arg13[%dma_wait3A, %dma_wait3A_268] : memref<2000x4xf32, #tpu.memory_space<vmem>> -> memref<672x4xf32, #tpu.memory_space<vmem>>
      %dma_wait3A_270 = arith.constant 0 : i32
      %dma_wait3A_271 = tpu.memref_slice %arg7[%dma_wait3A_270] : memref<2000xi32, #tpu.memory_space<vmem>> -> memref<672xi32, #tpu.memory_space<vmem>>
      %dma_wait3A_272 = arith.constant 0 : i32
      %dma_wait3A_273 = arith.constant 0 : i32
      %dma_wait3A_274 = tpu.memref_slice %arg2[%dma_wait3A_272, %dma_wait3A_273] : memref<100000x4xf32, #tpu.memory_space<hbm>> -> memref<100000x4xf32, #tpu.memory_space<hbm>>
      tpu.wait_indirect_dma semaphore(%arg23 : memref<!tpu.dma_semaphore, #tpu.memory_space<semaphore_mem>>) src(%dma_wait3A_274 : memref<100000x4xf32, #tpu.memory_space<hbm>>) dst(%dma_wait3A_269 : memref<672x4xf32, #tpu.memory_space<vmem>>)
      %dma_wait3A_275 = arith.constant 0 : i32
      %dma_wait3A_276 = arith.constant 0 : i32
      %dma_wait3A_277 = tpu.memref_slice %arg14[%dma_wait3A_275, %dma_wait3A_276] : memref<2000x4xf32, #tpu.memory_space<vmem>> -> memref<672x4xf32, #tpu.memory_space<vmem>>
      %dma_wait3A_278 = arith.constant 0 : i32
      %dma_wait3A_279 = tpu.memref_slice %arg9[%dma_wait3A_278] : memref<2000xi32, #tpu.memory_space<vmem>> -> memref<672xi32, #tpu.memory_space<vmem>>
      %dma_wait3A_280 = arith.constant 0 : i32
      %dma_wait3A_281 = arith.constant 0 : i32
      %dma_wait3A_282 = tpu.memref_slice %arg2[%dma_wait3A_280, %dma_wait3A_281] : memref<100000x4xf32, #tpu.memory_space<hbm>> -> memref<100000x4xf32, #tpu.memory_space<hbm>>
      tpu.wait_indirect_dma semaphore(%arg24 : memref<!tpu.dma_semaphore, #tpu.memory_space<semaphore_mem>>) src(%dma_wait3A_282 : memref<100000x4xf32, #tpu.memory_space<hbm>>) dst(%dma_wait3A_277 : memref<672x4xf32, #tpu.memory_space<vmem>>)
      %dma_wait3A_283 = arith.constant 0 : i32
      %dma_wait3A_284 = tpu.memref_slice %arg3[%dma_wait3A_283, %add3A_255] : memref<2x6400000xi32, #tpu.memory_space<hbm>> -> memref<1x2000xi32, #tpu.memory_space<hbm>>
      %dma_wait3A_285 = tpu.memref_squeeze %dma_wait3A_284 : memref<1x2000xi32, #tpu.memory_space<hbm>> -> memref<2000xi32, #tpu.memory_space<hbm>>
      %dma_wait3A_286 = tpu.memref_slice %arg3[%dma_wait3A_283, %add3A_255] : memref<2x6400000xi32, #tpu.memory_space<hbm>> -> memref<1x2000xi32, #tpu.memory_space<hbm>>
      %dma_wait3A_287 = tpu.memref_squeeze %dma_wait3A_286 : memref<1x2000xi32, #tpu.memory_space<hbm>> -> memref<2000xi32, #tpu.memory_space<hbm>>
      tpu.wait_dma2 semaphore(%arg20 : memref<!tpu.dma_semaphore, #tpu.memory_space<semaphore_mem>>) src(%dma_wait3A_287 : memref<2000xi32, #tpu.memory_space<hbm>>) dst(%arg8 : memref<2000xi32, #tpu.memory_space<vmem>>)
      %dma_wait3A_288 = arith.constant 1 : i32
      %dma_wait3A_289 = tpu.memref_slice %arg3[%dma_wait3A_288, %add3A_255] : memref<2x6400000xi32, #tpu.memory_space<hbm>> -> memref<1x2000xi32, #tpu.memory_space<hbm>>
      %dma_wait3A_290 = tpu.memref_squeeze %dma_wait3A_289 : memref<1x2000xi32, #tpu.memory_space<hbm>> -> memref<2000xi32, #tpu.memory_space<hbm>>
      %dma_wait3A_291 = tpu.memref_slice %arg3[%dma_wait3A_288, %add3A_255] : memref<2x6400000xi32, #tpu.memory_space<hbm>> -> memref<1x2000xi32, #tpu.memory_space<hbm>>
      %dma_wait3A_292 = tpu.memref_squeeze %dma_wait3A_291 : memref<1x2000xi32, #tpu.memory_space<hbm>> -> memref<2000xi32, #tpu.memory_space<hbm>>
      tpu.wait_dma2 semaphore(%arg21 : memref<!tpu.dma_semaphore, #tpu.memory_space<semaphore_mem>>) src(%dma_wait3A_292 : memref<2000xi32, #tpu.memory_space<hbm>>) dst(%arg10 : memref<2000xi32, #tpu.memory_space<vmem>>)
      %dma_wait3A_293 = tpu.memref_slice %arg4[%add3A_255] : memref<6400000xi32, #tpu.memory_space<hbm>> -> memref<2000xi32, #tpu.memory_space<hbm>>
      %dma_wait3A_294 = tpu.memref_slice %arg4[%add3A_255] : memref<6400000xi32, #tpu.memory_space<hbm>> -> memref<2000xi32, #tpu.memory_space<hbm>>
      tpu.wait_dma2 semaphore(%arg22 : memref<!tpu.dma_semaphore, #tpu.memory_space<semaphore_mem>>) src(%dma_wait3A_294 : memref<2000xi32, #tpu.memory_space<hbm>>) dst(%arg12 : memref<2000xi32, #tpu.memory_space<vmem>>)
      %dma_start3A_295 = arith.constant 672 : i32
      %dma_start3A_296 = arith.constant 0 : i32
      %dma_start3A_297 = tpu.memref_slice %arg13[%dma_start3A_295, %dma_start3A_296] : memref<2000x4xf32, #tpu.memory_space<vmem>> -> memref<672x4xf32, #tpu.memory_space<vmem>>
      %dma_start3A_298 = arith.constant 672 : i32
      %dma_start3A_299 = tpu.memref_slice %arg7[%dma_start3A_298] : memref<2000xi32, #tpu.memory_space<vmem>> -> memref<672xi32, #tpu.memory_space<vmem>>
      %dma_start3A_300 = arith.constant 0 : i32
      %dma_start3A_301 = arith.constant 0 : i32
      %dma_start3A_302 = tpu.memref_slice %arg2[%dma_start3A_300, %dma_start3A_301] : memref<100000x4xf32, #tpu.memory_space<hbm>> -> memref<100000x4xf32, #tpu.memory_space<hbm>>
      tpu.enqueue_indirect_dma source(%dma_start3A_302 : memref<100000x4xf32, #tpu.memory_space<hbm>>) target(%dma_start3A_297 : memref<672x4xf32, #tpu.memory_space<vmem>>) offsets(%dma_start3A_299 : memref<672xi32, #tpu.memory_space<vmem>>) semaphore(%arg25 : memref<!tpu.dma_semaphore, #tpu.memory_space<semaphore_mem>>)
      %dma_start3A_303 = arith.constant 672 : i32
      %dma_start3A_304 = arith.constant 0 : i32
      %dma_start3A_305 = tpu.memref_slice %arg14[%dma_start3A_303, %dma_start3A_304] : memref<2000x4xf32, #tpu.memory_space<vmem>> -> memref<672x4xf32, #tpu.memory_space<vmem>>
      %dma_start3A_306 = arith.constant 672 : i32
      %dma_start3A_307 = tpu.memref_slice %arg9[%dma_start3A_306] : memref<2000xi32, #tpu.memory_space<vmem>> -> memref<672xi32, #tpu.memory_space<vmem>>
      %dma_start3A_308 = arith.constant 0 : i32
      %dma_start3A_309 = arith.constant 0 : i32
      %dma_start3A_310 = tpu.memref_slice %arg2[%dma_start3A_308, %dma_start3A_309] : memref<100000x4xf32, #tpu.memory_space<hbm>> -> memref<100000x4xf32, #tpu.memory_space<hbm>>
      tpu.enqueue_indirect_dma source(%dma_start3A_310 : memref<100000x4xf32, #tpu.memory_space<hbm>>) target(%dma_start3A_305 : memref<672x4xf32, #tpu.memory_space<vmem>>) offsets(%dma_start3A_307 : memref<672xi32, #tpu.memory_space<vmem>>) semaphore(%arg26 : memref<!tpu.dma_semaphore, #tpu.memory_space<semaphore_mem>>)
      %scan3A_311 = arith.constant 0 : i32
      %scan3A_312 = arith.constant 0 : i32
      %scan3A_313 = arith.constant 42 : i32
      %scan3A_314 = arith.addi %scan3A_312, %scan3A_313 : i32
      %scan3A_315 = arith.constant 2 : i32
      %scan3A_316 = scf.for %scan3A_610 = %scan3A_312 to %scan3A_314 step %scan3A_315 iter_args(%scan3A_611 = %scan3A_311) -> (i32)  : i32 {
        %mul3A_612 = arith.constant 16 : i32
        %mul3A_613 = arith.muli %scan3A_610, %mul3A_612 : i32
        %add3A_614 = vector.broadcast %mul3A_613 : i32 to vector<16xi32>
        %add3A_615 = arith.addi %add3A_614, %iota3A : vector<16xi32>
        %gather3A_616 = tpu.vector_load_idx %arg13[%add3A_615, %broadcast_in_dim3A_14] : memref<2000x4xf32, #tpu.memory_space<vmem>>[vector<16xi32>, vector<16xi32>], vector<16xf32>,
        %gather3A_617 = tpu.vector_load_idx %arg13[%add3A_615, %broadcast_in_dim3A_16] : memref<2000x4xf32, #tpu.memory_space<vmem>>[vector<16xi32>, vector<16xi32>], vector<16xf32>,
        %gather3A_618 = tpu.vector_load_idx %arg13[%add3A_615, %broadcast_in_dim3A_18] : memref<2000x4xf32, #tpu.memory_space<vmem>>[vector<16xi32>, vector<16xi32>], vector<16xf32>,
        %gather3A_619 = tpu.vector_load_idx %arg13[%add3A_615, %broadcast_in_dim3A_20] : memref<2000x4xf32, #tpu.memory_space<vmem>>[vector<16xi32>, vector<16xi32>], vector<16xf32>,
        %gather3A_620 = tpu.vector_load_idx %arg14[%add3A_615, %broadcast_in_dim3A_14] : memref<2000x4xf32, #tpu.memory_space<vmem>>[vector<16xi32>, vector<16xi32>], vector<16xf32>,
        %gather3A_621 = tpu.vector_load_idx %arg14[%add3A_615, %broadcast_in_dim3A_16] : memref<2000x4xf32, #tpu.memory_space<vmem>>[vector<16xi32>, vector<16xi32>], vector<16xf32>,
        %gather3A_622 = tpu.vector_load_idx %arg14[%add3A_615, %broadcast_in_dim3A_18] : memref<2000x4xf32, #tpu.memory_space<vmem>>[vector<16xi32>, vector<16xi32>], vector<16xf32>,
        %gather3A_623 = tpu.vector_load_idx %arg14[%add3A_615, %broadcast_in_dim3A_20] : memref<2000x4xf32, #tpu.memory_space<vmem>>[vector<16xi32>, vector<16xi32>], vector<16xf32>,
        %sub3A_624 = arith.subf %gather3A_616, %gather3A_620 : vector<16xf32>
        %sub3A_625 = arith.subf %gather3A_617, %gather3A_621 : vector<16xf32>
        %sub3A_626 = arith.subf %gather3A_618, %gather3A_622 : vector<16xf32>
        %mul3A_627 = arith.mulf %sub3A_624, %sub3A_624 : vector<16xf32>
        %mul3A_628 = arith.mulf %sub3A_625, %sub3A_625 : vector<16xf32>
        %add3A_629 = arith.addf %mul3A_627, %mul3A_628 : vector<16xf32>
        %mul3A_630 = arith.mulf %sub3A_626, %sub3A_626 : vector<16xf32>
        %add3A_631 = arith.addf %add3A_629, %mul3A_630 : vector<16xf32>
        %add3A_632 = arith.constant 9.99999996E-13 : f32
        %add3A_633 = vector.broadcast %add3A_632 : f32 to vector<16xf32>
        %add3A_634 = arith.addf %add3A_631, %add3A_633 : vector<16xf32>
        %mul3A_635 = arith.mulf %add3A_634, %add3A_634 : vector<16xf32>
        %mul3A_636 = arith.mulf %mul3A_635, %add3A_634 : vector<16xf32>
        %mul3A_637 = arith.constant 1.000000e+01 : f32
        %mul3A_638 = vector.broadcast %mul3A_637 : f32 to vector<16xf32>
        %mul3A_639 = arith.mulf %gather3A_619, %mul3A_638 : vector<16xf32>
        %add3A_640 = arith.addf %mul3A_639, %gather3A_623 : vector<16xf32>
        %convert_element_type3A_641 = arith.fptosi %add3A_640 : vector<16xf32> to vector<16xi32>
        %gather3A_642 = tpu.vector_load_idx %arg15[%convert_element_type3A_641] : memref<128xf32, #tpu.memory_space<vmem>>[vector<16xi32>], vector<16xf32>,
        %div3A_643 = arith.divf %gather3A_642, %mul3A_636 : vector<16xf32>
        %mul3A_644 = arith.constant 16 : i32
        %mul3A_645 = arith.muli %scan3A_610, %mul3A_644 : i32
        %get3A_646 = arith.index_cast %mul3A_645 : i32 to index
        %get3A_647 = tpu.vector_load %arg11[%get3A_646] {strides = array<i32>} : memref<2000xi32, #tpu.memory_space<vmem>>, vector<16xi32>,
        %add3A_648 = arith.addi %mul3A_12, %get3A_647 : vector<16xi32>
        tpu.vector_store_idx %arg16[%add3A_648], %div3A_643 {add = true} : memref<1024xf32, #tpu.memory_space<vmem>>[vector<16xi32>], vector<16xf32>,
        %scan3A_649 = arith.constant 0 : i32
        %scan3A_650 = arith.constant 1 : i32
        %scan3A_651 = arith.addi %scan3A_610, %scan3A_650 : i32
        %mul3A_652 = arith.constant 16 : i32
        %mul3A_653 = arith.muli %scan3A_651, %mul3A_652 : i32
        %add3A_654 = vector.broadcast %mul3A_653 : i32 to vector<16xi32>
        %add3A_655 = arith.addi %add3A_654, %iota3A : vector<16xi32>
        %gather3A_656 = tpu.vector_load_idx %arg13[%add3A_655, %broadcast_in_dim3A_14] : memref<2000x4xf32, #tpu.memory_space<vmem>>[vector<16xi32>, vector<16xi32>], vector<16xf32>,
        %gather3A_657 = tpu.vector_load_idx %arg13[%add3A_655, %broadcast_in_dim3A_16] : memref<2000x4xf32, #tpu.memory_space<vmem>>[vector<16xi32>, vector<16xi32>], vector<16xf32>,
        %gather3A_658 = tpu.vector_load_idx %arg13[%add3A_655, %broadcast_in_dim3A_18] : memref<2000x4xf32, #tpu.memory_space<vmem>>[vector<16xi32>, vector<16xi32>], vector<16xf32>,
        %gather3A_659 = tpu.vector_load_idx %arg13[%add3A_655, %broadcast_in_dim3A_20] : memref<2000x4xf32, #tpu.memory_space<vmem>>[vector<16xi32>, vector<16xi32>], vector<16xf32>,
        %gather3A_660 = tpu.vector_load_idx %arg14[%add3A_655, %broadcast_in_dim3A_14] : memref<2000x4xf32, #tpu.memory_space<vmem>>[vector<16xi32>, vector<16xi32>], vector<16xf32>,
        %gather3A_661 = tpu.vector_load_idx %arg14[%add3A_655, %broadcast_in_dim3A_16] : memref<2000x4xf32, #tpu.memory_space<vmem>>[vector<16xi32>, vector<16xi32>], vector<16xf32>,
        %gather3A_662 = tpu.vector_load_idx %arg14[%add3A_655, %broadcast_in_dim3A_18] : memref<2000x4xf32, #tpu.memory_space<vmem>>[vector<16xi32>, vector<16xi32>], vector<16xf32>,
        %gather3A_663 = tpu.vector_load_idx %arg14[%add3A_655, %broadcast_in_dim3A_20] : memref<2000x4xf32, #tpu.memory_space<vmem>>[vector<16xi32>, vector<16xi32>], vector<16xf32>,
        %sub3A_664 = arith.subf %gather3A_656, %gather3A_660 : vector<16xf32>
        %sub3A_665 = arith.subf %gather3A_657, %gather3A_661 : vector<16xf32>
        %sub3A_666 = arith.subf %gather3A_658, %gather3A_662 : vector<16xf32>
        %mul3A_667 = arith.mulf %sub3A_664, %sub3A_664 : vector<16xf32>
        %mul3A_668 = arith.mulf %sub3A_665, %sub3A_665 : vector<16xf32>
        %add3A_669 = arith.addf %mul3A_667, %mul3A_668 : vector<16xf32>
        %mul3A_670 = arith.mulf %sub3A_666, %sub3A_666 : vector<16xf32>
        %add3A_671 = arith.addf %add3A_669, %mul3A_670 : vector<16xf32>
        %add3A_672 = arith.constant 9.99999996E-13 : f32
        %add3A_673 = vector.broadcast %add3A_672 : f32 to vector<16xf32>
        %add3A_674 = arith.addf %add3A_671, %add3A_673 : vector<16xf32>
        %mul3A_675 = arith.mulf %add3A_674, %add3A_674 : vector<16xf32>
        %mul3A_676 = arith.mulf %mul3A_675, %add3A_674 : vector<16xf32>
        %mul3A_677 = arith.constant 1.000000e+01 : f32
        %mul3A_678 = vector.broadcast %mul3A_677 : f32 to vector<16xf32>
        %mul3A_679 = arith.mulf %gather3A_659, %mul3A_678 : vector<16xf32>
        %add3A_680 = arith.addf %mul3A_679, %gather3A_663 : vector<16xf32>
        %convert_element_type3A_681 = arith.fptosi %add3A_680 : vector<16xf32> to vector<16xi32>
        %gather3A_682 = tpu.vector_load_idx %arg15[%convert_element_type3A_681] : memref<128xf32, #tpu.memory_space<vmem>>[vector<16xi32>], vector<16xf32>,
        %div3A_683 = arith.divf %gather3A_682, %mul3A_676 : vector<16xf32>
        %mul3A_684 = arith.constant 16 : i32
        %mul3A_685 = arith.muli %scan3A_651, %mul3A_684 : i32
        %get3A_686 = arith.index_cast %mul3A_685 : i32 to index
        %get3A_687 = tpu.vector_load %arg11[%get3A_686] {strides = array<i32>} : memref<2000xi32, #tpu.memory_space<vmem>>, vector<16xi32>,
        %add3A_688 = arith.addi %mul3A_12, %get3A_687 : vector<16xi32>
        tpu.vector_store_idx %arg16[%add3A_688], %div3A_683 {add = true} : memref<1024xf32, #tpu.memory_space<vmem>>[vector<16xi32>], vector<16xf32>,
        %scan3A_689 = arith.constant 0 : i32
        scf.yield %scan3A_689 : i32
      }
      %scan3A_317 = arith.constant 42 : i32
      %dma_wait3A_318 = arith.constant 672 : i32
      %dma_wait3A_319 = arith.constant 0 : i32
      %dma_wait3A_320 = tpu.memref_slice %arg13[%dma_wait3A_318, %dma_wait3A_319] : memref<2000x4xf32, #tpu.memory_space<vmem>> -> memref<672x4xf32, #tpu.memory_space<vmem>>
      %dma_wait3A_321 = arith.constant 672 : i32
      %dma_wait3A_322 = tpu.memref_slice %arg7[%dma_wait3A_321] : memref<2000xi32, #tpu.memory_space<vmem>> -> memref<672xi32, #tpu.memory_space<vmem>>
      %dma_wait3A_323 = arith.constant 0 : i32
      %dma_wait3A_324 = arith.constant 0 : i32
      %dma_wait3A_325 = tpu.memref_slice %arg2[%dma_wait3A_323, %dma_wait3A_324] : memref<100000x4xf32, #tpu.memory_space<hbm>> -> memref<100000x4xf32, #tpu.memory_space<hbm>>
      tpu.wait_indirect_dma semaphore(%arg25 : memref<!tpu.dma_semaphore, #tpu.memory_space<semaphore_mem>>) src(%dma_wait3A_325 : memref<100000x4xf32, #tpu.memory_space<hbm>>) dst(%dma_wait3A_320 : memref<672x4xf32, #tpu.memory_space<vmem>>)
      %dma_wait3A_326 = arith.constant 672 : i32
      %dma_wait3A_327 = arith.constant 0 : i32
      %dma_wait3A_328 = tpu.memref_slice %arg14[%dma_wait3A_326, %dma_wait3A_327] : memref<2000x4xf32, #tpu.memory_space<vmem>> -> memref<672x4xf32, #tpu.memory_space<vmem>>
      %dma_wait3A_329 = arith.constant 672 : i32
      %dma_wait3A_330 = tpu.memref_slice %arg9[%dma_wait3A_329] : memref<2000xi32, #tpu.memory_space<vmem>> -> memref<672xi32, #tpu.memory_space<vmem>>
      %dma_wait3A_331 = arith.constant 0 : i32
      %dma_wait3A_332 = arith.constant 0 : i32
      %dma_wait3A_333 = tpu.memref_slice %arg2[%dma_wait3A_331, %dma_wait3A_332] : memref<100000x4xf32, #tpu.memory_space<hbm>> -> memref<100000x4xf32, #tpu.memory_space<hbm>>
      tpu.wait_indirect_dma semaphore(%arg26 : memref<!tpu.dma_semaphore, #tpu.memory_space<semaphore_mem>>) src(%dma_wait3A_333 : memref<100000x4xf32, #tpu.memory_space<hbm>>) dst(%dma_wait3A_328 : memref<672x4xf32, #tpu.memory_space<vmem>>)
      %dma_start3A_334 = arith.constant 1344 : i32
      %dma_start3A_335 = arith.constant 0 : i32
      %dma_start3A_336 = tpu.memref_slice %arg13[%dma_start3A_334, %dma_start3A_335] : memref<2000x4xf32, #tpu.memory_space<vmem>> -> memref<656x4xf32, #tpu.memory_space<vmem>>
      %dma_start3A_337 = arith.constant 1344 : i32
      %dma_start3A_338 = tpu.memref_slice %arg7[%dma_start3A_337] : memref<2000xi32, #tpu.memory_space<vmem>> -> memref<656xi32, #tpu.memory_space<vmem>>
      %dma_start3A_339 = arith.constant 0 : i32
      %dma_start3A_340 = arith.constant 0 : i32
      %dma_start3A_341 = tpu.memref_slice %arg2[%dma_start3A_339, %dma_start3A_340] : memref<100000x4xf32, #tpu.memory_space<hbm>> -> memref<100000x4xf32, #tpu.memory_space<hbm>>
      tpu.enqueue_indirect_dma source(%dma_start3A_341 : memref<100000x4xf32, #tpu.memory_space<hbm>>) target(%dma_start3A_336 : memref<656x4xf32, #tpu.memory_space<vmem>>) offsets(%dma_start3A_338 : memref<656xi32, #tpu.memory_space<vmem>>) semaphore(%arg23 : memref<!tpu.dma_semaphore, #tpu.memory_space<semaphore_mem>>)
      %dma_start3A_342 = arith.constant 1344 : i32
      %dma_start3A_343 = arith.constant 0 : i32
      %dma_start3A_344 = tpu.memref_slice %arg14[%dma_start3A_342, %dma_start3A_343] : memref<2000x4xf32, #tpu.memory_space<vmem>> -> memref<656x4xf32, #tpu.memory_space<vmem>>
      %dma_start3A_345 = arith.constant 1344 : i32
      %dma_start3A_346 = tpu.memref_slice %arg9[%dma_start3A_345] : memref<2000xi32, #tpu.memory_space<vmem>> -> memref<656xi32, #tpu.memory_space<vmem>>
      %dma_start3A_347 = arith.constant 0 : i32
      %dma_start3A_348 = arith.constant 0 : i32
      %dma_start3A_349 = tpu.memref_slice %arg2[%dma_start3A_347, %dma_start3A_348] : memref<100000x4xf32, #tpu.memory_space<hbm>> -> memref<100000x4xf32, #tpu.memory_space<hbm>>
      tpu.enqueue_indirect_dma source(%dma_start3A_349 : memref<100000x4xf32, #tpu.memory_space<hbm>>) target(%dma_start3A_344 : memref<656x4xf32, #tpu.memory_space<vmem>>) offsets(%dma_start3A_346 : memref<656xi32, #tpu.memory_space<vmem>>) semaphore(%arg24 : memref<!tpu.dma_semaphore, #tpu.memory_space<semaphore_mem>>)
      %scan3A_350 = arith.constant 0 : i32
      %scan3A_351 = arith.constant 42 : i32
      %scan3A_352 = arith.constant 42 : i32
      %scan3A_353 = arith.addi %scan3A_351, %scan3A_352 : i32
      %scan3A_354 = arith.constant 2 : i32
      %scan3A_355 = scf.for %scan3A_610 = %scan3A_351 to %scan3A_353 step %scan3A_354 iter_args(%scan3A_611 = %scan3A_350) -> (i32)  : i32 {
        %mul3A_612 = arith.constant 16 : i32
        %mul3A_613 = arith.muli %scan3A_610, %mul3A_612 : i32
        %add3A_614 = vector.broadcast %mul3A_613 : i32 to vector<16xi32>
        %add3A_615 = arith.addi %add3A_614, %iota3A : vector<16xi32>
        %gather3A_616 = tpu.vector_load_idx %arg13[%add3A_615, %broadcast_in_dim3A_14] : memref<2000x4xf32, #tpu.memory_space<vmem>>[vector<16xi32>, vector<16xi32>], vector<16xf32>,
        %gather3A_617 = tpu.vector_load_idx %arg13[%add3A_615, %broadcast_in_dim3A_16] : memref<2000x4xf32, #tpu.memory_space<vmem>>[vector<16xi32>, vector<16xi32>], vector<16xf32>,
        %gather3A_618 = tpu.vector_load_idx %arg13[%add3A_615, %broadcast_in_dim3A_18] : memref<2000x4xf32, #tpu.memory_space<vmem>>[vector<16xi32>, vector<16xi32>], vector<16xf32>,
        %gather3A_619 = tpu.vector_load_idx %arg13[%add3A_615, %broadcast_in_dim3A_20] : memref<2000x4xf32, #tpu.memory_space<vmem>>[vector<16xi32>, vector<16xi32>], vector<16xf32>,
        %gather3A_620 = tpu.vector_load_idx %arg14[%add3A_615, %broadcast_in_dim3A_14] : memref<2000x4xf32, #tpu.memory_space<vmem>>[vector<16xi32>, vector<16xi32>], vector<16xf32>,
        %gather3A_621 = tpu.vector_load_idx %arg14[%add3A_615, %broadcast_in_dim3A_16] : memref<2000x4xf32, #tpu.memory_space<vmem>>[vector<16xi32>, vector<16xi32>], vector<16xf32>,
        %gather3A_622 = tpu.vector_load_idx %arg14[%add3A_615, %broadcast_in_dim3A_18] : memref<2000x4xf32, #tpu.memory_space<vmem>>[vector<16xi32>, vector<16xi32>], vector<16xf32>,
        %gather3A_623 = tpu.vector_load_idx %arg14[%add3A_615, %broadcast_in_dim3A_20] : memref<2000x4xf32, #tpu.memory_space<vmem>>[vector<16xi32>, vector<16xi32>], vector<16xf32>,
        %sub3A_624 = arith.subf %gather3A_616, %gather3A_620 : vector<16xf32>
        %sub3A_625 = arith.subf %gather3A_617, %gather3A_621 : vector<16xf32>
        %sub3A_626 = arith.subf %gather3A_618, %gather3A_622 : vector<16xf32>
        %mul3A_627 = arith.mulf %sub3A_624, %sub3A_624 : vector<16xf32>
        %mul3A_628 = arith.mulf %sub3A_625, %sub3A_625 : vector<16xf32>
        %add3A_629 = arith.addf %mul3A_627, %mul3A_628 : vector<16xf32>
        %mul3A_630 = arith.mulf %sub3A_626, %sub3A_626 : vector<16xf32>
        %add3A_631 = arith.addf %add3A_629, %mul3A_630 : vector<16xf32>
        %add3A_632 = arith.constant 9.99999996E-13 : f32
        %add3A_633 = vector.broadcast %add3A_632 : f32 to vector<16xf32>
        %add3A_634 = arith.addf %add3A_631, %add3A_633 : vector<16xf32>
        %mul3A_635 = arith.mulf %add3A_634, %add3A_634 : vector<16xf32>
        %mul3A_636 = arith.mulf %mul3A_635, %add3A_634 : vector<16xf32>
        %mul3A_637 = arith.constant 1.000000e+01 : f32
        %mul3A_638 = vector.broadcast %mul3A_637 : f32 to vector<16xf32>
        %mul3A_639 = arith.mulf %gather3A_619, %mul3A_638 : vector<16xf32>
        %add3A_640 = arith.addf %mul3A_639, %gather3A_623 : vector<16xf32>
        %convert_element_type3A_641 = arith.fptosi %add3A_640 : vector<16xf32> to vector<16xi32>
        %gather3A_642 = tpu.vector_load_idx %arg15[%convert_element_type3A_641] : memref<128xf32, #tpu.memory_space<vmem>>[vector<16xi32>], vector<16xf32>,
        %div3A_643 = arith.divf %gather3A_642, %mul3A_636 : vector<16xf32>
        %mul3A_644 = arith.constant 16 : i32
        %mul3A_645 = arith.muli %scan3A_610, %mul3A_644 : i32
        %get3A_646 = arith.index_cast %mul3A_645 : i32 to index
        %get3A_647 = tpu.vector_load %arg11[%get3A_646] {strides = array<i32>} : memref<2000xi32, #tpu.memory_space<vmem>>, vector<16xi32>,
        %add3A_648 = arith.addi %mul3A_12, %get3A_647 : vector<16xi32>
        tpu.vector_store_idx %arg16[%add3A_648], %div3A_643 {add = true} : memref<1024xf32, #tpu.memory_space<vmem>>[vector<16xi32>], vector<16xf32>,
        %scan3A_649 = arith.constant 0 : i32
        %scan3A_650 = arith.constant 1 : i32
        %scan3A_651 = arith.addi %scan3A_610, %scan3A_650 : i32
        %mul3A_652 = arith.constant 16 : i32
        %mul3A_653 = arith.muli %scan3A_651, %mul3A_652 : i32
        %add3A_654 = vector.broadcast %mul3A_653 : i32 to vector<16xi32>
        %add3A_655 = arith.addi %add3A_654, %iota3A : vector<16xi32>
        %gather3A_656 = tpu.vector_load_idx %arg13[%add3A_655, %broadcast_in_dim3A_14] : memref<2000x4xf32, #tpu.memory_space<vmem>>[vector<16xi32>, vector<16xi32>], vector<16xf32>,
        %gather3A_657 = tpu.vector_load_idx %arg13[%add3A_655, %broadcast_in_dim3A_16] : memref<2000x4xf32, #tpu.memory_space<vmem>>[vector<16xi32>, vector<16xi32>], vector<16xf32>,
        %gather3A_658 = tpu.vector_load_idx %arg13[%add3A_655, %broadcast_in_dim3A_18] : memref<2000x4xf32, #tpu.memory_space<vmem>>[vector<16xi32>, vector<16xi32>], vector<16xf32>,
        %gather3A_659 = tpu.vector_load_idx %arg13[%add3A_655, %broadcast_in_dim3A_20] : memref<2000x4xf32, #tpu.memory_space<vmem>>[vector<16xi32>, vector<16xi32>], vector<16xf32>,
        %gather3A_660 = tpu.vector_load_idx %arg14[%add3A_655, %broadcast_in_dim3A_14] : memref<2000x4xf32, #tpu.memory_space<vmem>>[vector<16xi32>, vector<16xi32>], vector<16xf32>,
        %gather3A_661 = tpu.vector_load_idx %arg14[%add3A_655, %broadcast_in_dim3A_16] : memref<2000x4xf32, #tpu.memory_space<vmem>>[vector<16xi32>, vector<16xi32>], vector<16xf32>,
        %gather3A_662 = tpu.vector_load_idx %arg14[%add3A_655, %broadcast_in_dim3A_18] : memref<2000x4xf32, #tpu.memory_space<vmem>>[vector<16xi32>, vector<16xi32>], vector<16xf32>,
        %gather3A_663 = tpu.vector_load_idx %arg14[%add3A_655, %broadcast_in_dim3A_20] : memref<2000x4xf32, #tpu.memory_space<vmem>>[vector<16xi32>, vector<16xi32>], vector<16xf32>,
        %sub3A_664 = arith.subf %gather3A_656, %gather3A_660 : vector<16xf32>
        %sub3A_665 = arith.subf %gather3A_657, %gather3A_661 : vector<16xf32>
        %sub3A_666 = arith.subf %gather3A_658, %gather3A_662 : vector<16xf32>
        %mul3A_667 = arith.mulf %sub3A_664, %sub3A_664 : vector<16xf32>
        %mul3A_668 = arith.mulf %sub3A_665, %sub3A_665 : vector<16xf32>
        %add3A_669 = arith.addf %mul3A_667, %mul3A_668 : vector<16xf32>
        %mul3A_670 = arith.mulf %sub3A_666, %sub3A_666 : vector<16xf32>
        %add3A_671 = arith.addf %add3A_669, %mul3A_670 : vector<16xf32>
        %add3A_672 = arith.constant 9.99999996E-13 : f32
        %add3A_673 = vector.broadcast %add3A_672 : f32 to vector<16xf32>
        %add3A_674 = arith.addf %add3A_671, %add3A_673 : vector<16xf32>
        %mul3A_675 = arith.mulf %add3A_674, %add3A_674 : vector<16xf32>
        %mul3A_676 = arith.mulf %mul3A_675, %add3A_674 : vector<16xf32>
        %mul3A_677 = arith.constant 1.000000e+01 : f32
        %mul3A_678 = vector.broadcast %mul3A_677 : f32 to vector<16xf32>
        %mul3A_679 = arith.mulf %gather3A_659, %mul3A_678 : vector<16xf32>
        %add3A_680 = arith.addf %mul3A_679, %gather3A_663 : vector<16xf32>
        %convert_element_type3A_681 = arith.fptosi %add3A_680 : vector<16xf32> to vector<16xi32>
        %gather3A_682 = tpu.vector_load_idx %arg15[%convert_element_type3A_681] : memref<128xf32, #tpu.memory_space<vmem>>[vector<16xi32>], vector<16xf32>,
        %div3A_683 = arith.divf %gather3A_682, %mul3A_676 : vector<16xf32>
        %mul3A_684 = arith.constant 16 : i32
        %mul3A_685 = arith.muli %scan3A_651, %mul3A_684 : i32
        %get3A_686 = arith.index_cast %mul3A_685 : i32 to index
        %get3A_687 = tpu.vector_load %arg11[%get3A_686] {strides = array<i32>} : memref<2000xi32, #tpu.memory_space<vmem>>, vector<16xi32>,
        %add3A_688 = arith.addi %mul3A_12, %get3A_687 : vector<16xi32>
        tpu.vector_store_idx %arg16[%add3A_688], %div3A_683 {add = true} : memref<1024xf32, #tpu.memory_space<vmem>>[vector<16xi32>], vector<16xf32>,
        %scan3A_689 = arith.constant 0 : i32
        scf.yield %scan3A_689 : i32
      }
      %scan3A_356 = arith.constant 42 : i32
      %dma_wait3A_357 = arith.constant 1344 : i32
      %dma_wait3A_358 = arith.constant 0 : i32
      %dma_wait3A_359 = tpu.memref_slice %arg13[%dma_wait3A_357, %dma_wait3A_358] : memref<2000x4xf32, #tpu.memory_space<vmem>> -> memref<656x4xf32, #tpu.memory_space<vmem>>
      %dma_wait3A_360 = arith.constant 1344 : i32
      %dma_wait3A_361 = tpu.memref_slice %arg7[%dma_wait3A_360] : memref<2000xi32, #tpu.memory_space<vmem>> -> memref<656xi32, #tpu.memory_space<vmem>>
      %dma_wait3A_362 = arith.constant 0 : i32
      %dma_wait3A_363 = arith.constant 0 : i32
      %dma_wait3A_364 = tpu.memref_slice %arg2[%dma_wait3A_362, %dma_wait3A_363] : memref<100000x4xf32, #tpu.memory_space<hbm>> -> memref<100000x4xf32, #tpu.memory_space<hbm>>
      tpu.wait_indirect_dma semaphore(%arg23 : memref<!tpu.dma_semaphore, #tpu.memory_space<semaphore_mem>>) src(%dma_wait3A_364 : memref<100000x4xf32, #tpu.memory_space<hbm>>) dst(%dma_wait3A_359 : memref<656x4xf32, #tpu.memory_space<vmem>>)
      %dma_wait3A_365 = arith.constant 1344 : i32
      %dma_wait3A_366 = arith.constant 0 : i32
      %dma_wait3A_367 = tpu.memref_slice %arg14[%dma_wait3A_365, %dma_wait3A_366] : memref<2000x4xf32, #tpu.memory_space<vmem>> -> memref<656x4xf32, #tpu.memory_space<vmem>>
      %dma_wait3A_368 = arith.constant 1344 : i32
      %dma_wait3A_369 = tpu.memref_slice %arg9[%dma_wait3A_368] : memref<2000xi32, #tpu.memory_space<vmem>> -> memref<656xi32, #tpu.memory_space<vmem>>
      %dma_wait3A_370 = arith.constant 0 : i32
      %dma_wait3A_371 = arith.constant 0 : i32
      %dma_wait3A_372 = tpu.memref_slice %arg2[%dma_wait3A_370, %dma_wait3A_371] : memref<100000x4xf32, #tpu.memory_space<hbm>> -> memref<100000x4xf32, #tpu.memory_space<hbm>>
      tpu.wait_indirect_dma semaphore(%arg24 : memref<!tpu.dma_semaphore, #tpu.memory_space<semaphore_mem>>) src(%dma_wait3A_372 : memref<100000x4xf32, #tpu.memory_space<hbm>>) dst(%dma_wait3A_367 : memref<656x4xf32, #tpu.memory_space<vmem>>)
      %scan3A_373 = arith.constant 0 : i32
      %scan3A_374 = arith.constant 84 : i32
      %scan3A_375 = arith.constant 40 : i32
      %scan3A_376 = arith.addi %scan3A_374, %scan3A_375 : i32
      %scan3A_377 = arith.constant 2 : i32
      %scan3A_378 = scf.for %scan3A_610 = %scan3A_374 to %scan3A_376 step %scan3A_377 iter_args(%scan3A_611 = %scan3A_373) -> (i32)  : i32 {
        %mul3A_612 = arith.constant 16 : i32
        %mul3A_613 = arith.muli %scan3A_610, %mul3A_612 : i32
        %add3A_614 = vector.broadcast %mul3A_613 : i32 to vector<16xi32>
        %add3A_615 = arith.addi %add3A_614, %iota3A : vector<16xi32>
        %gather3A_616 = tpu.vector_load_idx %arg13[%add3A_615, %broadcast_in_dim3A_14] : memref<2000x4xf32, #tpu.memory_space<vmem>>[vector<16xi32>, vector<16xi32>], vector<16xf32>,
        %gather3A_617 = tpu.vector_load_idx %arg13[%add3A_615, %broadcast_in_dim3A_16] : memref<2000x4xf32, #tpu.memory_space<vmem>>[vector<16xi32>, vector<16xi32>], vector<16xf32>,
        %gather3A_618 = tpu.vector_load_idx %arg13[%add3A_615, %broadcast_in_dim3A_18] : memref<2000x4xf32, #tpu.memory_space<vmem>>[vector<16xi32>, vector<16xi32>], vector<16xf32>,
        %gather3A_619 = tpu.vector_load_idx %arg13[%add3A_615, %broadcast_in_dim3A_20] : memref<2000x4xf32, #tpu.memory_space<vmem>>[vector<16xi32>, vector<16xi32>], vector<16xf32>,
        %gather3A_620 = tpu.vector_load_idx %arg14[%add3A_615, %broadcast_in_dim3A_14] : memref<2000x4xf32, #tpu.memory_space<vmem>>[vector<16xi32>, vector<16xi32>], vector<16xf32>,
        %gather3A_621 = tpu.vector_load_idx %arg14[%add3A_615, %broadcast_in_dim3A_16] : memref<2000x4xf32, #tpu.memory_space<vmem>>[vector<16xi32>, vector<16xi32>], vector<16xf32>,
        %gather3A_622 = tpu.vector_load_idx %arg14[%add3A_615, %broadcast_in_dim3A_18] : memref<2000x4xf32, #tpu.memory_space<vmem>>[vector<16xi32>, vector<16xi32>], vector<16xf32>,
        %gather3A_623 = tpu.vector_load_idx %arg14[%add3A_615, %broadcast_in_dim3A_20] : memref<2000x4xf32, #tpu.memory_space<vmem>>[vector<16xi32>, vector<16xi32>], vector<16xf32>,
        %sub3A_624 = arith.subf %gather3A_616, %gather3A_620 : vector<16xf32>
        %sub3A_625 = arith.subf %gather3A_617, %gather3A_621 : vector<16xf32>
        %sub3A_626 = arith.subf %gather3A_618, %gather3A_622 : vector<16xf32>
        %mul3A_627 = arith.mulf %sub3A_624, %sub3A_624 : vector<16xf32>
        %mul3A_628 = arith.mulf %sub3A_625, %sub3A_625 : vector<16xf32>
        %add3A_629 = arith.addf %mul3A_627, %mul3A_628 : vector<16xf32>
        %mul3A_630 = arith.mulf %sub3A_626, %sub3A_626 : vector<16xf32>
        %add3A_631 = arith.addf %add3A_629, %mul3A_630 : vector<16xf32>
        %add3A_632 = arith.constant 9.99999996E-13 : f32
        %add3A_633 = vector.broadcast %add3A_632 : f32 to vector<16xf32>
        %add3A_634 = arith.addf %add3A_631, %add3A_633 : vector<16xf32>
        %mul3A_635 = arith.mulf %add3A_634, %add3A_634 : vector<16xf32>
        %mul3A_636 = arith.mulf %mul3A_635, %add3A_634 : vector<16xf32>
        %mul3A_637 = arith.constant 1.000000e+01 : f32
        %mul3A_638 = vector.broadcast %mul3A_637 : f32 to vector<16xf32>
        %mul3A_639 = arith.mulf %gather3A_619, %mul3A_638 : vector<16xf32>
        %add3A_640 = arith.addf %mul3A_639, %gather3A_623 : vector<16xf32>
        %convert_element_type3A_641 = arith.fptosi %add3A_640 : vector<16xf32> to vector<16xi32>
        %gather3A_642 = tpu.vector_load_idx %arg15[%convert_element_type3A_641] : memref<128xf32, #tpu.memory_space<vmem>>[vector<16xi32>], vector<16xf32>,
        %div3A_643 = arith.divf %gather3A_642, %mul3A_636 : vector<16xf32>
        %mul3A_644 = arith.constant 16 : i32
        %mul3A_645 = arith.muli %scan3A_610, %mul3A_644 : i32
        %get3A_646 = arith.index_cast %mul3A_645 : i32 to index
        %get3A_647 = tpu.vector_load %arg11[%get3A_646] {strides = array<i32>} : memref<2000xi32, #tpu.memory_space<vmem>>, vector<16xi32>,
        %add3A_648 = arith.addi %mul3A_12, %get3A_647 : vector<16xi32>
        tpu.vector_store_idx %arg16[%add3A_648], %div3A_643 {add = true} : memref<1024xf32, #tpu.memory_space<vmem>>[vector<16xi32>], vector<16xf32>,
        %scan3A_649 = arith.constant 0 : i32
        %scan3A_650 = arith.constant 1 : i32
        %scan3A_651 = arith.addi %scan3A_610, %scan3A_650 : i32
        %mul3A_652 = arith.constant 16 : i32
        %mul3A_653 = arith.muli %scan3A_651, %mul3A_652 : i32
        %add3A_654 = vector.broadcast %mul3A_653 : i32 to vector<16xi32>
        %add3A_655 = arith.addi %add3A_654, %iota3A : vector<16xi32>
        %gather3A_656 = tpu.vector_load_idx %arg13[%add3A_655, %broadcast_in_dim3A_14] : memref<2000x4xf32, #tpu.memory_space<vmem>>[vector<16xi32>, vector<16xi32>], vector<16xf32>,
        %gather3A_657 = tpu.vector_load_idx %arg13[%add3A_655, %broadcast_in_dim3A_16] : memref<2000x4xf32, #tpu.memory_space<vmem>>[vector<16xi32>, vector<16xi32>], vector<16xf32>,
        %gather3A_658 = tpu.vector_load_idx %arg13[%add3A_655, %broadcast_in_dim3A_18] : memref<2000x4xf32, #tpu.memory_space<vmem>>[vector<16xi32>, vector<16xi32>], vector<16xf32>,
        %gather3A_659 = tpu.vector_load_idx %arg13[%add3A_655, %broadcast_in_dim3A_20] : memref<2000x4xf32, #tpu.memory_space<vmem>>[vector<16xi32>, vector<16xi32>], vector<16xf32>,
        %gather3A_660 = tpu.vector_load_idx %arg14[%add3A_655, %broadcast_in_dim3A_14] : memref<2000x4xf32, #tpu.memory_space<vmem>>[vector<16xi32>, vector<16xi32>], vector<16xf32>,
        %gather3A_661 = tpu.vector_load_idx %arg14[%add3A_655, %broadcast_in_dim3A_16] : memref<2000x4xf32, #tpu.memory_space<vmem>>[vector<16xi32>, vector<16xi32>], vector<16xf32>,
        %gather3A_662 = tpu.vector_load_idx %arg14[%add3A_655, %broadcast_in_dim3A_18] : memref<2000x4xf32, #tpu.memory_space<vmem>>[vector<16xi32>, vector<16xi32>], vector<16xf32>,
        %gather3A_663 = tpu.vector_load_idx %arg14[%add3A_655, %broadcast_in_dim3A_20] : memref<2000x4xf32, #tpu.memory_space<vmem>>[vector<16xi32>, vector<16xi32>], vector<16xf32>,
        %sub3A_664 = arith.subf %gather3A_656, %gather3A_660 : vector<16xf32>
        %sub3A_665 = arith.subf %gather3A_657, %gather3A_661 : vector<16xf32>
        %sub3A_666 = arith.subf %gather3A_658, %gather3A_662 : vector<16xf32>
        %mul3A_667 = arith.mulf %sub3A_664, %sub3A_664 : vector<16xf32>
        %mul3A_668 = arith.mulf %sub3A_665, %sub3A_665 : vector<16xf32>
        %add3A_669 = arith.addf %mul3A_667, %mul3A_668 : vector<16xf32>
        %mul3A_670 = arith.mulf %sub3A_666, %sub3A_666 : vector<16xf32>
        %add3A_671 = arith.addf %add3A_669, %mul3A_670 : vector<16xf32>
        %add3A_672 = arith.constant 9.99999996E-13 : f32
        %add3A_673 = vector.broadcast %add3A_672 : f32 to vector<16xf32>
        %add3A_674 = arith.addf %add3A_671, %add3A_673 : vector<16xf32>
        %mul3A_675 = arith.mulf %add3A_674, %add3A_674 : vector<16xf32>
        %mul3A_676 = arith.mulf %mul3A_675, %add3A_674 : vector<16xf32>
        %mul3A_677 = arith.constant 1.000000e+01 : f32
        %mul3A_678 = vector.broadcast %mul3A_677 : f32 to vector<16xf32>
        %mul3A_679 = arith.mulf %gather3A_659, %mul3A_678 : vector<16xf32>
        %add3A_680 = arith.addf %mul3A_679, %gather3A_663 : vector<16xf32>
        %convert_element_type3A_681 = arith.fptosi %add3A_680 : vector<16xf32> to vector<16xi32>
        %gather3A_682 = tpu.vector_load_idx %arg15[%convert_element_type3A_681] : memref<128xf32, #tpu.memory_space<vmem>>[vector<16xi32>], vector<16xf32>,
        %div3A_683 = arith.divf %gather3A_682, %mul3A_676 : vector<16xf32>
        %mul3A_684 = arith.constant 16 : i32
        %mul3A_685 = arith.muli %scan3A_651, %mul3A_684 : i32
        %get3A_686 = arith.index_cast %mul3A_685 : i32 to index
        %get3A_687 = tpu.vector_load %arg11[%get3A_686] {strides = array<i32>} : memref<2000xi32, #tpu.memory_space<vmem>>, vector<16xi32>,
        %add3A_688 = arith.addi %mul3A_12, %get3A_687 : vector<16xi32>
        tpu.vector_store_idx %arg16[%add3A_688], %div3A_683 {add = true} : memref<1024xf32, #tpu.memory_space<vmem>>[vector<16xi32>], vector<16xf32>,
        %scan3A_689 = arith.constant 0 : i32
        scf.yield %scan3A_689 : i32
      }
      %scan3A_379 = arith.constant 40 : i32
      %scan3A_380 = arith.addi %scan3A_374, %scan3A_379 : i32
      %mul3A_381 = arith.constant 16 : i32
      %mul3A_382 = arith.muli %scan3A_380, %mul3A_381 : i32
      %add3A_383 = vector.broadcast %mul3A_382 : i32 to vector<16xi32>
      %add3A_384 = arith.addi %add3A_383, %iota3A : vector<16xi32>
      %gather3A = tpu.vector_load_idx %arg13[%add3A_384, %broadcast_in_dim3A_14] : memref<2000x4xf32, #tpu.memory_space<vmem>>[vector<16xi32>, vector<16xi32>], vector<16xf32>,
      %gather3A_385 = tpu.vector_load_idx %arg13[%add3A_384, %broadcast_in_dim3A_16] : memref<2000x4xf32, #tpu.memory_space<vmem>>[vector<16xi32>, vector<16xi32>], vector<16xf32>,
      %gather3A_386 = tpu.vector_load_idx %arg13[%add3A_384, %broadcast_in_dim3A_18] : memref<2000x4xf32, #tpu.memory_space<vmem>>[vector<16xi32>, vector<16xi32>], vector<16xf32>,
      %gather3A_387 = tpu.vector_load_idx %arg13[%add3A_384, %broadcast_in_dim3A_20] : memref<2000x4xf32, #tpu.memory_space<vmem>>[vector<16xi32>, vector<16xi32>], vector<16xf32>,
      %gather3A_388 = tpu.vector_load_idx %arg14[%add3A_384, %broadcast_in_dim3A_14] : memref<2000x4xf32, #tpu.memory_space<vmem>>[vector<16xi32>, vector<16xi32>], vector<16xf32>,
      %gather3A_389 = tpu.vector_load_idx %arg14[%add3A_384, %broadcast_in_dim3A_16] : memref<2000x4xf32, #tpu.memory_space<vmem>>[vector<16xi32>, vector<16xi32>], vector<16xf32>,
      %gather3A_390 = tpu.vector_load_idx %arg14[%add3A_384, %broadcast_in_dim3A_18] : memref<2000x4xf32, #tpu.memory_space<vmem>>[vector<16xi32>, vector<16xi32>], vector<16xf32>,
      %gather3A_391 = tpu.vector_load_idx %arg14[%add3A_384, %broadcast_in_dim3A_20] : memref<2000x4xf32, #tpu.memory_space<vmem>>[vector<16xi32>, vector<16xi32>], vector<16xf32>,
      %sub3A = arith.subf %gather3A, %gather3A_388 : vector<16xf32>
      %sub3A_392 = arith.subf %gather3A_385, %gather3A_389 : vector<16xf32>
      %sub3A_393 = arith.subf %gather3A_386, %gather3A_390 : vector<16xf32>
      %mul3A_394 = arith.mulf %sub3A, %sub3A : vector<16xf32>
      %mul3A_395 = arith.mulf %sub3A_392, %sub3A_392 : vector<16xf32>
      %add3A_396 = arith.addf %mul3A_394, %mul3A_395 : vector<16xf32>
      %mul3A_397 = arith.mulf %sub3A_393, %sub3A_393 : vector<16xf32>
      %add3A_398 = arith.addf %add3A_396, %mul3A_397 : vector<16xf32>
      %add3A_399 = arith.constant 9.99999996E-13 : f32
      %add3A_400 = vector.broadcast %add3A_399 : f32 to vector<16xf32>
      %add3A_401 = arith.addf %add3A_398, %add3A_400 : vector<16xf32>
      %mul3A_402 = arith.mulf %add3A_401, %add3A_401 : vector<16xf32>
      %mul3A_403 = arith.mulf %mul3A_402, %add3A_401 : vector<16xf32>
      %mul3A_404 = arith.constant 1.000000e+01 : f32
      %mul3A_405 = vector.broadcast %mul3A_404 : f32 to vector<16xf32>
      %mul3A_406 = arith.mulf %gather3A_387, %mul3A_405 : vector<16xf32>
      %add3A_407 = arith.addf %mul3A_406, %gather3A_391 : vector<16xf32>
      %convert_element_type3A_408 = arith.fptosi %add3A_407 : vector<16xf32> to vector<16xi32>
      %gather3A_409 = tpu.vector_load_idx %arg15[%convert_element_type3A_408] : memref<128xf32, #tpu.memory_space<vmem>>[vector<16xi32>], vector<16xf32>,
      %div3A = arith.divf %gather3A_409, %mul3A_403 : vector<16xf32>
      %mul3A_410 = arith.constant 16 : i32
      %mul3A_411 = arith.muli %scan3A_380, %mul3A_410 : i32
      %get3A_412 = arith.index_cast %mul3A_411 : i32 to index
      %get3A_413 = tpu.vector_load %arg11[%get3A_412] {strides = array<i32>} : memref<2000xi32, #tpu.memory_space<vmem>>, vector<16xi32>,
      %add3A_414 = arith.addi %mul3A_12, %get3A_413 : vector<16xi32>
      tpu.vector_store_idx %arg16[%add3A_414], %div3A {add = true} : memref<1024xf32, #tpu.memory_space<vmem>>[vector<16xi32>], vector<16xf32>,
      %scan3A_415 = arith.constant 0 : i32
      %scan3A_416 = arith.constant 41 : i32
      %mul3A_417 = arith.constant 2 : i32
      %mul3A_418 = arith.muli %mul3A_417, %scan3A_229 : i32
      %add3A_419 = arith.constant 1 : i32
      %add3A_420 = arith.addi %mul3A_418, %add3A_419 : i32
      %dma_start3A_421 = arith.constant 0 : i32
      %dma_start3A_422 = arith.constant 0 : i32
      %dma_start3A_423 = tpu.memref_slice %arg13[%dma_start3A_421, %dma_start3A_422] : memref<2000x4xf32, #tpu.memory_space<vmem>> -> memref<672x4xf32, #tpu.memory_space<vmem>>
      %dma_start3A_424 = arith.constant 0 : i32
      %dma_start3A_425 = tpu.memref_slice %arg8[%dma_start3A_424] : memref<2000xi32, #tpu.memory_space<vmem>> -> memref<672xi32, #tpu.memory_space<vmem>>
      %dma_start3A_426 = arith.constant 0 : i32
      %dma_start3A_427 = arith.constant 0 : i32
      %dma_start3A_428 = tpu.memref_slice %arg2[%dma_start3A_426, %dma_start3A_427] : memref<100000x4xf32, #tpu.memory_space<hbm>> -> memref<100000x4xf32, #tpu.memory_space<hbm>>
      tpu.enqueue_indirect_dma source(%dma_start3A_428 : memref<100000x4xf32, #tpu.memory_space<hbm>>) target(%dma_start3A_423 : memref<672x4xf32, #tpu.memory_space<vmem>>) offsets(%dma_start3A_425 : memref<672xi32, #tpu.memory_space<vmem>>) semaphore(%arg23 : memref<!tpu.dma_semaphore, #tpu.memory_space<semaphore_mem>>)
      %dma_start3A_429 = arith.constant 0 : i32
      %dma_start3A_430 = arith.constant 0 : i32
      %dma_start3A_431 = tpu.memref_slice %arg14[%dma_start3A_429, %dma_start3A_430] : memref<2000x4xf32, #tpu.memory_space<vmem>> -> memref<672x4xf32, #tpu.memory_space<vmem>>
      %dma_start3A_432 = arith.constant 0 : i32
      %dma_start3A_433 = tpu.memref_slice %arg10[%dma_start3A_432] : memref<2000xi32, #tpu.memory_space<vmem>> -> memref<672xi32, #tpu.memory_space<vmem>>
      %dma_start3A_434 = arith.constant 0 : i32
      %dma_start3A_435 = arith.constant 0 : i32
      %dma_start3A_436 = tpu.memref_slice %arg2[%dma_start3A_434, %dma_start3A_435] : memref<100000x4xf32, #tpu.memory_space<hbm>> -> memref<100000x4xf32, #tpu.memory_space<hbm>>
      tpu.enqueue_indirect_dma source(%dma_start3A_436 : memref<100000x4xf32, #tpu.memory_space<hbm>>) target(%dma_start3A_431 : memref<672x4xf32, #tpu.memory_space<vmem>>) offsets(%dma_start3A_433 : memref<672xi32, #tpu.memory_space<vmem>>) semaphore(%arg24 : memref<!tpu.dma_semaphore, #tpu.memory_space<semaphore_mem>>)
      %add3A_437 = arith.constant 1 : i32
      %add3A_438 = arith.addi %add3A_420, %add3A_437 : i32
      %min3A_439 = arith.constant 99 : i32
      %min3A_440 = arith.minsi %add3A_438, %min3A_439 : i32
      %mul3A_441 = arith.constant 2000 : i32
      %mul3A_442 = arith.muli %min3A_440, %mul3A_441 : i32
      %add3A_443 = arith.addi %mul3A_2, %mul3A_442 : i32
      %dma_start3A_444 = arith.constant 0 : i32
      %dma_start3A_445 = tpu.memref_slice %arg3[%dma_start3A_444, %add3A_443] : memref<2x6400000xi32, #tpu.memory_space<hbm>> -> memref<1x2000xi32, #tpu.memory_space<hbm>>
      %dma_start3A_446 = tpu.memref_squeeze %dma_start3A_445 : memref<1x2000xi32, #tpu.memory_space<hbm>> -> memref<2000xi32, #tpu.memory_space<hbm>>
      %dma_start3A_447 = tpu.memref_slice %arg3[%dma_start3A_444, %add3A_443] : memref<2x6400000xi32, #tpu.memory_space<hbm>> -> memref<1x2000xi32, #tpu.memory_space<hbm>>
      %dma_start3A_448 = tpu.memref_squeeze %dma_start3A_447 : memref<1x2000xi32, #tpu.memory_space<hbm>> -> memref<2000xi32, #tpu.memory_space<hbm>>
      tpu.enqueue_dma source(%dma_start3A_448 : memref<2000xi32, #tpu.memory_space<hbm>>) target(%arg7 : memref<2000xi32, #tpu.memory_space<vmem>>) target_semaphore(%arg20 : memref<!tpu.dma_semaphore, #tpu.memory_space<semaphore_mem>>)
      %dma_start3A_449 = arith.constant 1 : i32
      %dma_start3A_450 = tpu.memref_slice %arg3[%dma_start3A_449, %add3A_443] : memref<2x6400000xi32, #tpu.memory_space<hbm>> -> memref<1x2000xi32, #tpu.memory_space<hbm>>
      %dma_start3A_451 = tpu.memref_squeeze %dma_start3A_450 : memref<1x2000xi32, #tpu.memory_space<hbm>> -> memref<2000xi32, #tpu.memory_space<hbm>>
      %dma_start3A_452 = tpu.memref_slice %arg3[%dma_start3A_449, %add3A_443] : memref<2x6400000xi32, #tpu.memory_space<hbm>> -> memref<1x2000xi32, #tpu.memory_space<hbm>>
      %dma_start3A_453 = tpu.memref_squeeze %dma_start3A_452 : memref<1x2000xi32, #tpu.memory_space<hbm>> -> memref<2000xi32, #tpu.memory_space<hbm>>
      tpu.enqueue_dma source(%dma_start3A_453 : memref<2000xi32, #tpu.memory_space<hbm>>) target(%arg9 : memref<2000xi32, #tpu.memory_space<vmem>>) target_semaphore(%arg21 : memref<!tpu.dma_semaphore, #tpu.memory_space<semaphore_mem>>)
      %dma_start3A_454 = tpu.memref_slice %arg4[%add3A_443] : memref<6400000xi32, #tpu.memory_space<hbm>> -> memref<2000xi32, #tpu.memory_space<hbm>>
      %dma_start3A_455 = tpu.memref_slice %arg4[%add3A_443] : memref<6400000xi32, #tpu.memory_space<hbm>> -> memref<2000xi32, #tpu.memory_space<hbm>>
      tpu.enqueue_dma source(%dma_start3A_455 : memref<2000xi32, #tpu.memory_space<hbm>>) target(%arg11 : memref<2000xi32, #tpu.memory_space<vmem>>) target_semaphore(%arg22 : memref<!tpu.dma_semaphore, #tpu.memory_space<semaphore_mem>>)
      %dma_wait3A_456 = arith.constant 0 : i32
      %dma_wait3A_457 = arith.constant 0 : i32
      %dma_wait3A_458 = tpu.memref_slice %arg13[%dma_wait3A_456, %dma_wait3A_457] : memref<2000x4xf32, #tpu.memory_space<vmem>> -> memref<672x4xf32, #tpu.memory_space<vmem>>
      %dma_wait3A_459 = arith.constant 0 : i32
      %dma_wait3A_460 = tpu.memref_slice %arg8[%dma_wait3A_459] : memref<2000xi32, #tpu.memory_space<vmem>> -> memref<672xi32, #tpu.memory_space<vmem>>
      %dma_wait3A_461 = arith.constant 0 : i32
      %dma_wait3A_462 = arith.constant 0 : i32
      %dma_wait3A_463 = tpu.memref_slice %arg2[%dma_wait3A_461, %dma_wait3A_462] : memref<100000x4xf32, #tpu.memory_space<hbm>> -> memref<100000x4xf32, #tpu.memory_space<hbm>>
      tpu.wait_indirect_dma semaphore(%arg23 : memref<!tpu.dma_semaphore, #tpu.memory_space<semaphore_mem>>) src(%dma_wait3A_463 : memref<100000x4xf32, #tpu.memory_space<hbm>>) dst(%dma_wait3A_458 : memref<672x4xf32, #tpu.memory_space<vmem>>)
      %dma_wait3A_464 = arith.constant 0 : i32
      %dma_wait3A_465 = arith.constant 0 : i32
      %dma_wait3A_466 = tpu.memref_slice %arg14[%dma_wait3A_464, %dma_wait3A_465] : memref<2000x4xf32, #tpu.memory_space<vmem>> -> memref<672x4xf32, #tpu.memory_space<vmem>>
      %dma_wait3A_467 = arith.constant 0 : i32
      %dma_wait3A_468 = tpu.memref_slice %arg10[%dma_wait3A_467] : memref<2000xi32, #tpu.memory_space<vmem>> -> memref<672xi32, #tpu.memory_space<vmem>>
      %dma_wait3A_469 = arith.constant 0 : i32
      %dma_wait3A_470 = arith.constant 0 : i32
      %dma_wait3A_471 = tpu.memref_slice %arg2[%dma_wait3A_469, %dma_wait3A_470] : memref<100000x4xf32, #tpu.memory_space<hbm>> -> memref<100000x4xf32, #tpu.memory_space<hbm>>
      tpu.wait_indirect_dma semaphore(%arg24 : memref<!tpu.dma_semaphore, #tpu.memory_space<semaphore_mem>>) src(%dma_wait3A_471 : memref<100000x4xf32, #tpu.memory_space<hbm>>) dst(%dma_wait3A_466 : memref<672x4xf32, #tpu.memory_space<vmem>>)
      %dma_wait3A_472 = arith.constant 0 : i32
      %dma_wait3A_473 = tpu.memref_slice %arg3[%dma_wait3A_472, %add3A_443] : memref<2x6400000xi32, #tpu.memory_space<hbm>> -> memref<1x2000xi32, #tpu.memory_space<hbm>>
      %dma_wait3A_474 = tpu.memref_squeeze %dma_wait3A_473 : memref<1x2000xi32, #tpu.memory_space<hbm>> -> memref<2000xi32, #tpu.memory_space<hbm>>
      %dma_wait3A_475 = tpu.memref_slice %arg3[%dma_wait3A_472, %add3A_443] : memref<2x6400000xi32, #tpu.memory_space<hbm>> -> memref<1x2000xi32, #tpu.memory_space<hbm>>
      %dma_wait3A_476 = tpu.memref_squeeze %dma_wait3A_475 : memref<1x2000xi32, #tpu.memory_space<hbm>> -> memref<2000xi32, #tpu.memory_space<hbm>>
      tpu.wait_dma2 semaphore(%arg20 : memref<!tpu.dma_semaphore, #tpu.memory_space<semaphore_mem>>) src(%dma_wait3A_476 : memref<2000xi32, #tpu.memory_space<hbm>>) dst(%arg7 : memref<2000xi32, #tpu.memory_space<vmem>>)
      %dma_wait3A_477 = arith.constant 1 : i32
      %dma_wait3A_478 = tpu.memref_slice %arg3[%dma_wait3A_477, %add3A_443] : memref<2x6400000xi32, #tpu.memory_space<hbm>> -> memref<1x2000xi32, #tpu.memory_space<hbm>>
      %dma_wait3A_479 = tpu.memref_squeeze %dma_wait3A_478 : memref<1x2000xi32, #tpu.memory_space<hbm>> -> memref<2000xi32, #tpu.memory_space<hbm>>
      %dma_wait3A_480 = tpu.memref_slice %arg3[%dma_wait3A_477, %add3A_443] : memref<2x6400000xi32, #tpu.memory_space<hbm>> -> memref<1x2000xi32, #tpu.memory_space<hbm>>
      %dma_wait3A_481 = tpu.memref_squeeze %dma_wait3A_480 : memref<1x2000xi32, #tpu.memory_space<hbm>> -> memref<2000xi32, #tpu.memory_space<hbm>>
      tpu.wait_dma2 semaphore(%arg21 : memref<!tpu.dma_semaphore, #tpu.memory_space<semaphore_mem>>) src(%dma_wait3A_481 : memref<2000xi32, #tpu.memory_space<hbm>>) dst(%arg9 : memref<2000xi32, #tpu.memory_space<vmem>>)
      %dma_wait3A_482 = tpu.memref_slice %arg4[%add3A_443] : memref<6400000xi32, #tpu.memory_space<hbm>> -> memref<2000xi32, #tpu.memory_space<hbm>>
      %dma_wait3A_483 = tpu.memref_slice %arg4[%add3A_443] : memref<6400000xi32, #tpu.memory_space<hbm>> -> memref<2000xi32, #tpu.memory_space<hbm>>
      tpu.wait_dma2 semaphore(%arg22 : memref<!tpu.dma_semaphore, #tpu.memory_space<semaphore_mem>>) src(%dma_wait3A_483 : memref<2000xi32, #tpu.memory_space<hbm>>) dst(%arg11 : memref<2000xi32, #tpu.memory_space<vmem>>)
      %dma_start3A_484 = arith.constant 672 : i32
      %dma_start3A_485 = arith.constant 0 : i32
      %dma_start3A_486 = tpu.memref_slice %arg13[%dma_start3A_484, %dma_start3A_485] : memref<2000x4xf32, #tpu.memory_space<vmem>> -> memref<672x4xf32, #tpu.memory_space<vmem>>
      %dma_start3A_487 = arith.constant 672 : i32
      %dma_start3A_488 = tpu.memref_slice %arg8[%dma_start3A_487] : memref<2000xi32, #tpu.memory_space<vmem>> -> memref<672xi32, #tpu.memory_space<vmem>>
      %dma_start3A_489 = arith.constant 0 : i32
      %dma_start3A_490 = arith.constant 0 : i32
      %dma_start3A_491 = tpu.memref_slice %arg2[%dma_start3A_489, %dma_start3A_490] : memref<100000x4xf32, #tpu.memory_space<hbm>> -> memref<100000x4xf32, #tpu.memory_space<hbm>>
      tpu.enqueue_indirect_dma source(%dma_start3A_491 : memref<100000x4xf32, #tpu.memory_space<hbm>>) target(%dma_start3A_486 : memref<672x4xf32, #tpu.memory_space<vmem>>) offsets(%dma_start3A_488 : memref<672xi32, #tpu.memory_space<vmem>>) semaphore(%arg25 : memref<!tpu.dma_semaphore, #tpu.memory_space<semaphore_mem>>)
      %dma_start3A_492 = arith.constant 672 : i32
      %dma_start3A_493 = arith.constant 0 : i32
      %dma_start3A_494 = tpu.memref_slice %arg14[%dma_start3A_492, %dma_start3A_493] : memref<2000x4xf32, #tpu.memory_space<vmem>> -> memref<672x4xf32, #tpu.memory_space<vmem>>
      %dma_start3A_495 = arith.constant 672 : i32
      %dma_start3A_496 = tpu.memref_slice %arg10[%dma_start3A_495] : memref<2000xi32, #tpu.memory_space<vmem>> -> memref<672xi32, #tpu.memory_space<vmem>>
      %dma_start3A_497 = arith.constant 0 : i32
      %dma_start3A_498 = arith.constant 0 : i32
      %dma_start3A_499 = tpu.memref_slice %arg2[%dma_start3A_497, %dma_start3A_498] : memref<100000x4xf32, #tpu.memory_space<hbm>> -> memref<100000x4xf32, #tpu.memory_space<hbm>>
      tpu.enqueue_indirect_dma source(%dma_start3A_499 : memref<100000x4xf32, #tpu.memory_space<hbm>>) target(%dma_start3A_494 : memref<672x4xf32, #tpu.memory_space<vmem>>) offsets(%dma_start3A_496 : memref<672xi32, #tpu.memory_space<vmem>>) semaphore(%arg26 : memref<!tpu.dma_semaphore, #tpu.memory_space<semaphore_mem>>)
      %scan3A_500 = arith.constant 0 : i32
      %scan3A_501 = arith.constant 0 : i32
      %scan3A_502 = arith.constant 42 : i32
      %scan3A_503 = arith.addi %scan3A_501, %scan3A_502 : i32
      %scan3A_504 = arith.constant 2 : i32
      %scan3A_505 = scf.for %scan3A_610 = %scan3A_501 to %scan3A_503 step %scan3A_504 iter_args(%scan3A_611 = %scan3A_500) -> (i32)  : i32 {
        %mul3A_612 = arith.constant 16 : i32
        %mul3A_613 = arith.muli %scan3A_610, %mul3A_612 : i32
        %add3A_614 = vector.broadcast %mul3A_613 : i32 to vector<16xi32>
        %add3A_615 = arith.addi %add3A_614, %iota3A : vector<16xi32>
        %gather3A_616 = tpu.vector_load_idx %arg13[%add3A_615, %broadcast_in_dim3A_14] : memref<2000x4xf32, #tpu.memory_space<vmem>>[vector<16xi32>, vector<16xi32>], vector<16xf32>,
        %gather3A_617 = tpu.vector_load_idx %arg13[%add3A_615, %broadcast_in_dim3A_16] : memref<2000x4xf32, #tpu.memory_space<vmem>>[vector<16xi32>, vector<16xi32>], vector<16xf32>,
        %gather3A_618 = tpu.vector_load_idx %arg13[%add3A_615, %broadcast_in_dim3A_18] : memref<2000x4xf32, #tpu.memory_space<vmem>>[vector<16xi32>, vector<16xi32>], vector<16xf32>,
        %gather3A_619 = tpu.vector_load_idx %arg13[%add3A_615, %broadcast_in_dim3A_20] : memref<2000x4xf32, #tpu.memory_space<vmem>>[vector<16xi32>, vector<16xi32>], vector<16xf32>,
        %gather3A_620 = tpu.vector_load_idx %arg14[%add3A_615, %broadcast_in_dim3A_14] : memref<2000x4xf32, #tpu.memory_space<vmem>>[vector<16xi32>, vector<16xi32>], vector<16xf32>,
        %gather3A_621 = tpu.vector_load_idx %arg14[%add3A_615, %broadcast_in_dim3A_16] : memref<2000x4xf32, #tpu.memory_space<vmem>>[vector<16xi32>, vector<16xi32>], vector<16xf32>,
        %gather3A_622 = tpu.vector_load_idx %arg14[%add3A_615, %broadcast_in_dim3A_18] : memref<2000x4xf32, #tpu.memory_space<vmem>>[vector<16xi32>, vector<16xi32>], vector<16xf32>,
        %gather3A_623 = tpu.vector_load_idx %arg14[%add3A_615, %broadcast_in_dim3A_20] : memref<2000x4xf32, #tpu.memory_space<vmem>>[vector<16xi32>, vector<16xi32>], vector<16xf32>,
        %sub3A_624 = arith.subf %gather3A_616, %gather3A_620 : vector<16xf32>
        %sub3A_625 = arith.subf %gather3A_617, %gather3A_621 : vector<16xf32>
        %sub3A_626 = arith.subf %gather3A_618, %gather3A_622 : vector<16xf32>
        %mul3A_627 = arith.mulf %sub3A_624, %sub3A_624 : vector<16xf32>
        %mul3A_628 = arith.mulf %sub3A_625, %sub3A_625 : vector<16xf32>
        %add3A_629 = arith.addf %mul3A_627, %mul3A_628 : vector<16xf32>
        %mul3A_630 = arith.mulf %sub3A_626, %sub3A_626 : vector<16xf32>
        %add3A_631 = arith.addf %add3A_629, %mul3A_630 : vector<16xf32>
        %add3A_632 = arith.constant 9.99999996E-13 : f32
        %add3A_633 = vector.broadcast %add3A_632 : f32 to vector<16xf32>
        %add3A_634 = arith.addf %add3A_631, %add3A_633 : vector<16xf32>
        %mul3A_635 = arith.mulf %add3A_634, %add3A_634 : vector<16xf32>
        %mul3A_636 = arith.mulf %mul3A_635, %add3A_634 : vector<16xf32>
        %mul3A_637 = arith.constant 1.000000e+01 : f32
        %mul3A_638 = vector.broadcast %mul3A_637 : f32 to vector<16xf32>
        %mul3A_639 = arith.mulf %gather3A_619, %mul3A_638 : vector<16xf32>
        %add3A_640 = arith.addf %mul3A_639, %gather3A_623 : vector<16xf32>
        %convert_element_type3A_641 = arith.fptosi %add3A_640 : vector<16xf32> to vector<16xi32>
        %gather3A_642 = tpu.vector_load_idx %arg15[%convert_element_type3A_641] : memref<128xf32, #tpu.memory_space<vmem>>[vector<16xi32>], vector<16xf32>,
        %div3A_643 = arith.divf %gather3A_642, %mul3A_636 : vector<16xf32>
        %mul3A_644 = arith.constant 16 : i32
        %mul3A_645 = arith.muli %scan3A_610, %mul3A_644 : i32
        %get3A_646 = arith.index_cast %mul3A_645 : i32 to index
        %get3A_647 = tpu.vector_load %arg12[%get3A_646] {strides = array<i32>} : memref<2000xi32, #tpu.memory_space<vmem>>, vector<16xi32>,
        %add3A_648 = arith.addi %mul3A_12, %get3A_647 : vector<16xi32>
        tpu.vector_store_idx %arg16[%add3A_648], %div3A_643 {add = true} : memref<1024xf32, #tpu.memory_space<vmem>>[vector<16xi32>], vector<16xf32>,
        %scan3A_649 = arith.constant 0 : i32
        %scan3A_650 = arith.constant 1 : i32
        %scan3A_651 = arith.addi %scan3A_610, %scan3A_650 : i32
        %mul3A_652 = arith.constant 16 : i32
        %mul3A_653 = arith.muli %scan3A_651, %mul3A_652 : i32
        %add3A_654 = vector.broadcast %mul3A_653 : i32 to vector<16xi32>
        %add3A_655 = arith.addi %add3A_654, %iota3A : vector<16xi32>
        %gather3A_656 = tpu.vector_load_idx %arg13[%add3A_655, %broadcast_in_dim3A_14] : memref<2000x4xf32, #tpu.memory_space<vmem>>[vector<16xi32>, vector<16xi32>], vector<16xf32>,
        %gather3A_657 = tpu.vector_load_idx %arg13[%add3A_655, %broadcast_in_dim3A_16] : memref<2000x4xf32, #tpu.memory_space<vmem>>[vector<16xi32>, vector<16xi32>], vector<16xf32>,
        %gather3A_658 = tpu.vector_load_idx %arg13[%add3A_655, %broadcast_in_dim3A_18] : memref<2000x4xf32, #tpu.memory_space<vmem>>[vector<16xi32>, vector<16xi32>], vector<16xf32>,
        %gather3A_659 = tpu.vector_load_idx %arg13[%add3A_655, %broadcast_in_dim3A_20] : memref<2000x4xf32, #tpu.memory_space<vmem>>[vector<16xi32>, vector<16xi32>], vector<16xf32>,
        %gather3A_660 = tpu.vector_load_idx %arg14[%add3A_655, %broadcast_in_dim3A_14] : memref<2000x4xf32, #tpu.memory_space<vmem>>[vector<16xi32>, vector<16xi32>], vector<16xf32>,
        %gather3A_661 = tpu.vector_load_idx %arg14[%add3A_655, %broadcast_in_dim3A_16] : memref<2000x4xf32, #tpu.memory_space<vmem>>[vector<16xi32>, vector<16xi32>], vector<16xf32>,
        %gather3A_662 = tpu.vector_load_idx %arg14[%add3A_655, %broadcast_in_dim3A_18] : memref<2000x4xf32, #tpu.memory_space<vmem>>[vector<16xi32>, vector<16xi32>], vector<16xf32>,
        %gather3A_663 = tpu.vector_load_idx %arg14[%add3A_655, %broadcast_in_dim3A_20] : memref<2000x4xf32, #tpu.memory_space<vmem>>[vector<16xi32>, vector<16xi32>], vector<16xf32>,
        %sub3A_664 = arith.subf %gather3A_656, %gather3A_660 : vector<16xf32>
        %sub3A_665 = arith.subf %gather3A_657, %gather3A_661 : vector<16xf32>
        %sub3A_666 = arith.subf %gather3A_658, %gather3A_662 : vector<16xf32>
        %mul3A_667 = arith.mulf %sub3A_664, %sub3A_664 : vector<16xf32>
        %mul3A_668 = arith.mulf %sub3A_665, %sub3A_665 : vector<16xf32>
        %add3A_669 = arith.addf %mul3A_667, %mul3A_668 : vector<16xf32>
        %mul3A_670 = arith.mulf %sub3A_666, %sub3A_666 : vector<16xf32>
        %add3A_671 = arith.addf %add3A_669, %mul3A_670 : vector<16xf32>
        %add3A_672 = arith.constant 9.99999996E-13 : f32
        %add3A_673 = vector.broadcast %add3A_672 : f32 to vector<16xf32>
        %add3A_674 = arith.addf %add3A_671, %add3A_673 : vector<16xf32>
        %mul3A_675 = arith.mulf %add3A_674, %add3A_674 : vector<16xf32>
        %mul3A_676 = arith.mulf %mul3A_675, %add3A_674 : vector<16xf32>
        %mul3A_677 = arith.constant 1.000000e+01 : f32
        %mul3A_678 = vector.broadcast %mul3A_677 : f32 to vector<16xf32>
        %mul3A_679 = arith.mulf %gather3A_659, %mul3A_678 : vector<16xf32>
        %add3A_680 = arith.addf %mul3A_679, %gather3A_663 : vector<16xf32>
        %convert_element_type3A_681 = arith.fptosi %add3A_680 : vector<16xf32> to vector<16xi32>
        %gather3A_682 = tpu.vector_load_idx %arg15[%convert_element_type3A_681] : memref<128xf32, #tpu.memory_space<vmem>>[vector<16xi32>], vector<16xf32>,
        %div3A_683 = arith.divf %gather3A_682, %mul3A_676 : vector<16xf32>
        %mul3A_684 = arith.constant 16 : i32
        %mul3A_685 = arith.muli %scan3A_651, %mul3A_684 : i32
        %get3A_686 = arith.index_cast %mul3A_685 : i32 to index
        %get3A_687 = tpu.vector_load %arg12[%get3A_686] {strides = array<i32>} : memref<2000xi32, #tpu.memory_space<vmem>>, vector<16xi32>,
        %add3A_688 = arith.addi %mul3A_12, %get3A_687 : vector<16xi32>
        tpu.vector_store_idx %arg16[%add3A_688], %div3A_683 {add = true} : memref<1024xf32, #tpu.memory_space<vmem>>[vector<16xi32>], vector<16xf32>,
        %scan3A_689 = arith.constant 0 : i32
        scf.yield %scan3A_689 : i32
      }
      %scan3A_506 = arith.constant 42 : i32
      %dma_wait3A_507 = arith.constant 672 : i32
      %dma_wait3A_508 = arith.constant 0 : i32
      %dma_wait3A_509 = tpu.memref_slice %arg13[%dma_wait3A_507, %dma_wait3A_508] : memref<2000x4xf32, #tpu.memory_space<vmem>> -> memref<672x4xf32, #tpu.memory_space<vmem>>
      %dma_wait3A_510 = arith.constant 672 : i32
      %dma_wait3A_511 = tpu.memref_slice %arg8[%dma_wait3A_510] : memref<2000xi32, #tpu.memory_space<vmem>> -> memref<672xi32, #tpu.memory_space<vmem>>
      %dma_wait3A_512 = arith.constant 0 : i32
      %dma_wait3A_513 = arith.constant 0 : i32
      %dma_wait3A_514 = tpu.memref_slice %arg2[%dma_wait3A_512, %dma_wait3A_513] : memref<100000x4xf32, #tpu.memory_space<hbm>> -> memref<100000x4xf32, #tpu.memory_space<hbm>>
      tpu.wait_indirect_dma semaphore(%arg25 : memref<!tpu.dma_semaphore, #tpu.memory_space<semaphore_mem>>) src(%dma_wait3A_514 : memref<100000x4xf32, #tpu.memory_space<hbm>>) dst(%dma_wait3A_509 : memref<672x4xf32, #tpu.memory_space<vmem>>)
      %dma_wait3A_515 = arith.constant 672 : i32
      %dma_wait3A_516 = arith.constant 0 : i32
      %dma_wait3A_517 = tpu.memref_slice %arg14[%dma_wait3A_515, %dma_wait3A_516] : memref<2000x4xf32, #tpu.memory_space<vmem>> -> memref<672x4xf32, #tpu.memory_space<vmem>>
      %dma_wait3A_518 = arith.constant 672 : i32
      %dma_wait3A_519 = tpu.memref_slice %arg10[%dma_wait3A_518] : memref<2000xi32, #tpu.memory_space<vmem>> -> memref<672xi32, #tpu.memory_space<vmem>>
      %dma_wait3A_520 = arith.constant 0 : i32
      %dma_wait3A_521 = arith.constant 0 : i32
      %dma_wait3A_522 = tpu.memref_slice %arg2[%dma_wait3A_520, %dma_wait3A_521] : memref<100000x4xf32, #tpu.memory_space<hbm>> -> memref<100000x4xf32, #tpu.memory_space<hbm>>
      tpu.wait_indirect_dma semaphore(%arg26 : memref<!tpu.dma_semaphore, #tpu.memory_space<semaphore_mem>>) src(%dma_wait3A_522 : memref<100000x4xf32, #tpu.memory_space<hbm>>) dst(%dma_wait3A_517 : memref<672x4xf32, #tpu.memory_space<vmem>>)
      %dma_start3A_523 = arith.constant 1344 : i32
      %dma_start3A_524 = arith.constant 0 : i32
      %dma_start3A_525 = tpu.memref_slice %arg13[%dma_start3A_523, %dma_start3A_524] : memref<2000x4xf32, #tpu.memory_space<vmem>> -> memref<656x4xf32, #tpu.memory_space<vmem>>
      %dma_start3A_526 = arith.constant 1344 : i32
      %dma_start3A_527 = tpu.memref_slice %arg8[%dma_start3A_526] : memref<2000xi32, #tpu.memory_space<vmem>> -> memref<656xi32, #tpu.memory_space<vmem>>
      %dma_start3A_528 = arith.constant 0 : i32
      %dma_start3A_529 = arith.constant 0 : i32
      %dma_start3A_530 = tpu.memref_slice %arg2[%dma_start3A_528, %dma_start3A_529] : memref<100000x4xf32, #tpu.memory_space<hbm>> -> memref<100000x4xf32, #tpu.memory_space<hbm>>
      tpu.enqueue_indirect_dma source(%dma_start3A_530 : memref<100000x4xf32, #tpu.memory_space<hbm>>) target(%dma_start3A_525 : memref<656x4xf32, #tpu.memory_space<vmem>>) offsets(%dma_start3A_527 : memref<656xi32, #tpu.memory_space<vmem>>) semaphore(%arg23 : memref<!tpu.dma_semaphore, #tpu.memory_space<semaphore_mem>>)
      %dma_start3A_531 = arith.constant 1344 : i32
      %dma_start3A_532 = arith.constant 0 : i32
      %dma_start3A_533 = tpu.memref_slice %arg14[%dma_start3A_531, %dma_start3A_532] : memref<2000x4xf32, #tpu.memory_space<vmem>> -> memref<656x4xf32, #tpu.memory_space<vmem>>
      %dma_start3A_534 = arith.constant 1344 : i32
      %dma_start3A_535 = tpu.memref_slice %arg10[%dma_start3A_534] : memref<2000xi32, #tpu.memory_space<vmem>> -> memref<656xi32, #tpu.memory_space<vmem>>
      %dma_start3A_536 = arith.constant 0 : i32
      %dma_start3A_537 = arith.constant 0 : i32
      %dma_start3A_538 = tpu.memref_slice %arg2[%dma_start3A_536, %dma_start3A_537] : memref<100000x4xf32, #tpu.memory_space<hbm>> -> memref<100000x4xf32, #tpu.memory_space<hbm>>
      tpu.enqueue_indirect_dma source(%dma_start3A_538 : memref<100000x4xf32, #tpu.memory_space<hbm>>) target(%dma_start3A_533 : memref<656x4xf32, #tpu.memory_space<vmem>>) offsets(%dma_start3A_535 : memref<656xi32, #tpu.memory_space<vmem>>) semaphore(%arg24 : memref<!tpu.dma_semaphore, #tpu.memory_space<semaphore_mem>>)
      %scan3A_539 = arith.constant 0 : i32
      %scan3A_540 = arith.constant 42 : i32
      %scan3A_541 = arith.constant 42 : i32
      %scan3A_542 = arith.addi %scan3A_540, %scan3A_541 : i32
      %scan3A_543 = arith.constant 2 : i32
      %scan3A_544 = scf.for %scan3A_610 = %scan3A_540 to %scan3A_542 step %scan3A_543 iter_args(%scan3A_611 = %scan3A_539) -> (i32)  : i32 {
        %mul3A_612 = arith.constant 16 : i32
        %mul3A_613 = arith.muli %scan3A_610, %mul3A_612 : i32
        %add3A_614 = vector.broadcast %mul3A_613 : i32 to vector<16xi32>
        %add3A_615 = arith.addi %add3A_614, %iota3A : vector<16xi32>
        %gather3A_616 = tpu.vector_load_idx %arg13[%add3A_615, %broadcast_in_dim3A_14] : memref<2000x4xf32, #tpu.memory_space<vmem>>[vector<16xi32>, vector<16xi32>], vector<16xf32>,
        %gather3A_617 = tpu.vector_load_idx %arg13[%add3A_615, %broadcast_in_dim3A_16] : memref<2000x4xf32, #tpu.memory_space<vmem>>[vector<16xi32>, vector<16xi32>], vector<16xf32>,
        %gather3A_618 = tpu.vector_load_idx %arg13[%add3A_615, %broadcast_in_dim3A_18] : memref<2000x4xf32, #tpu.memory_space<vmem>>[vector<16xi32>, vector<16xi32>], vector<16xf32>,
        %gather3A_619 = tpu.vector_load_idx %arg13[%add3A_615, %broadcast_in_dim3A_20] : memref<2000x4xf32, #tpu.memory_space<vmem>>[vector<16xi32>, vector<16xi32>], vector<16xf32>,
        %gather3A_620 = tpu.vector_load_idx %arg14[%add3A_615, %broadcast_in_dim3A_14] : memref<2000x4xf32, #tpu.memory_space<vmem>>[vector<16xi32>, vector<16xi32>], vector<16xf32>,
        %gather3A_621 = tpu.vector_load_idx %arg14[%add3A_615, %broadcast_in_dim3A_16] : memref<2000x4xf32, #tpu.memory_space<vmem>>[vector<16xi32>, vector<16xi32>], vector<16xf32>,
        %gather3A_622 = tpu.vector_load_idx %arg14[%add3A_615, %broadcast_in_dim3A_18] : memref<2000x4xf32, #tpu.memory_space<vmem>>[vector<16xi32>, vector<16xi32>], vector<16xf32>,
        %gather3A_623 = tpu.vector_load_idx %arg14[%add3A_615, %broadcast_in_dim3A_20] : memref<2000x4xf32, #tpu.memory_space<vmem>>[vector<16xi32>, vector<16xi32>], vector<16xf32>,
        %sub3A_624 = arith.subf %gather3A_616, %gather3A_620 : vector<16xf32>
        %sub3A_625 = arith.subf %gather3A_617, %gather3A_621 : vector<16xf32>
        %sub3A_626 = arith.subf %gather3A_618, %gather3A_622 : vector<16xf32>
        %mul3A_627 = arith.mulf %sub3A_624, %sub3A_624 : vector<16xf32>
        %mul3A_628 = arith.mulf %sub3A_625, %sub3A_625 : vector<16xf32>
        %add3A_629 = arith.addf %mul3A_627, %mul3A_628 : vector<16xf32>
        %mul3A_630 = arith.mulf %sub3A_626, %sub3A_626 : vector<16xf32>
        %add3A_631 = arith.addf %add3A_629, %mul3A_630 : vector<16xf32>
        %add3A_632 = arith.constant 9.99999996E-13 : f32
        %add3A_633 = vector.broadcast %add3A_632 : f32 to vector<16xf32>
        %add3A_634 = arith.addf %add3A_631, %add3A_633 : vector<16xf32>
        %mul3A_635 = arith.mulf %add3A_634, %add3A_634 : vector<16xf32>
        %mul3A_636 = arith.mulf %mul3A_635, %add3A_634 : vector<16xf32>
        %mul3A_637 = arith.constant 1.000000e+01 : f32
        %mul3A_638 = vector.broadcast %mul3A_637 : f32 to vector<16xf32>
        %mul3A_639 = arith.mulf %gather3A_619, %mul3A_638 : vector<16xf32>
        %add3A_640 = arith.addf %mul3A_639, %gather3A_623 : vector<16xf32>
        %convert_element_type3A_641 = arith.fptosi %add3A_640 : vector<16xf32> to vector<16xi32>
        %gather3A_642 = tpu.vector_load_idx %arg15[%convert_element_type3A_641] : memref<128xf32, #tpu.memory_space<vmem>>[vector<16xi32>], vector<16xf32>,
        %div3A_643 = arith.divf %gather3A_642, %mul3A_636 : vector<16xf32>
        %mul3A_644 = arith.constant 16 : i32
        %mul3A_645 = arith.muli %scan3A_610, %mul3A_644 : i32
        %get3A_646 = arith.index_cast %mul3A_645 : i32 to index
        %get3A_647 = tpu.vector_load %arg12[%get3A_646] {strides = array<i32>} : memref<2000xi32, #tpu.memory_space<vmem>>, vector<16xi32>,
        %add3A_648 = arith.addi %mul3A_12, %get3A_647 : vector<16xi32>
        tpu.vector_store_idx %arg16[%add3A_648], %div3A_643 {add = true} : memref<1024xf32, #tpu.memory_space<vmem>>[vector<16xi32>], vector<16xf32>,
        %scan3A_649 = arith.constant 0 : i32
        %scan3A_650 = arith.constant 1 : i32
        %scan3A_651 = arith.addi %scan3A_610, %scan3A_650 : i32
        %mul3A_652 = arith.constant 16 : i32
        %mul3A_653 = arith.muli %scan3A_651, %mul3A_652 : i32
        %add3A_654 = vector.broadcast %mul3A_653 : i32 to vector<16xi32>
        %add3A_655 = arith.addi %add3A_654, %iota3A : vector<16xi32>
        %gather3A_656 = tpu.vector_load_idx %arg13[%add3A_655, %broadcast_in_dim3A_14] : memref<2000x4xf32, #tpu.memory_space<vmem>>[vector<16xi32>, vector<16xi32>], vector<16xf32>,
        %gather3A_657 = tpu.vector_load_idx %arg13[%add3A_655, %broadcast_in_dim3A_16] : memref<2000x4xf32, #tpu.memory_space<vmem>>[vector<16xi32>, vector<16xi32>], vector<16xf32>,
        %gather3A_658 = tpu.vector_load_idx %arg13[%add3A_655, %broadcast_in_dim3A_18] : memref<2000x4xf32, #tpu.memory_space<vmem>>[vector<16xi32>, vector<16xi32>], vector<16xf32>,
        %gather3A_659 = tpu.vector_load_idx %arg13[%add3A_655, %broadcast_in_dim3A_20] : memref<2000x4xf32, #tpu.memory_space<vmem>>[vector<16xi32>, vector<16xi32>], vector<16xf32>,
        %gather3A_660 = tpu.vector_load_idx %arg14[%add3A_655, %broadcast_in_dim3A_14] : memref<2000x4xf32, #tpu.memory_space<vmem>>[vector<16xi32>, vector<16xi32>], vector<16xf32>,
        %gather3A_661 = tpu.vector_load_idx %arg14[%add3A_655, %broadcast_in_dim3A_16] : memref<2000x4xf32, #tpu.memory_space<vmem>>[vector<16xi32>, vector<16xi32>], vector<16xf32>,
        %gather3A_662 = tpu.vector_load_idx %arg14[%add3A_655, %broadcast_in_dim3A_18] : memref<2000x4xf32, #tpu.memory_space<vmem>>[vector<16xi32>, vector<16xi32>], vector<16xf32>,
        %gather3A_663 = tpu.vector_load_idx %arg14[%add3A_655, %broadcast_in_dim3A_20] : memref<2000x4xf32, #tpu.memory_space<vmem>>[vector<16xi32>, vector<16xi32>], vector<16xf32>,
        %sub3A_664 = arith.subf %gather3A_656, %gather3A_660 : vector<16xf32>
        %sub3A_665 = arith.subf %gather3A_657, %gather3A_661 : vector<16xf32>
        %sub3A_666 = arith.subf %gather3A_658, %gather3A_662 : vector<16xf32>
        %mul3A_667 = arith.mulf %sub3A_664, %sub3A_664 : vector<16xf32>
        %mul3A_668 = arith.mulf %sub3A_665, %sub3A_665 : vector<16xf32>
        %add3A_669 = arith.addf %mul3A_667, %mul3A_668 : vector<16xf32>
        %mul3A_670 = arith.mulf %sub3A_666, %sub3A_666 : vector<16xf32>
        %add3A_671 = arith.addf %add3A_669, %mul3A_670 : vector<16xf32>
        %add3A_672 = arith.constant 9.99999996E-13 : f32
        %add3A_673 = vector.broadcast %add3A_672 : f32 to vector<16xf32>
        %add3A_674 = arith.addf %add3A_671, %add3A_673 : vector<16xf32>
        %mul3A_675 = arith.mulf %add3A_674, %add3A_674 : vector<16xf32>
        %mul3A_676 = arith.mulf %mul3A_675, %add3A_674 : vector<16xf32>
        %mul3A_677 = arith.constant 1.000000e+01 : f32
        %mul3A_678 = vector.broadcast %mul3A_677 : f32 to vector<16xf32>
        %mul3A_679 = arith.mulf %gather3A_659, %mul3A_678 : vector<16xf32>
        %add3A_680 = arith.addf %mul3A_679, %gather3A_663 : vector<16xf32>
        %convert_element_type3A_681 = arith.fptosi %add3A_680 : vector<16xf32> to vector<16xi32>
        %gather3A_682 = tpu.vector_load_idx %arg15[%convert_element_type3A_681] : memref<128xf32, #tpu.memory_space<vmem>>[vector<16xi32>], vector<16xf32>,
        %div3A_683 = arith.divf %gather3A_682, %mul3A_676 : vector<16xf32>
        %mul3A_684 = arith.constant 16 : i32
        %mul3A_685 = arith.muli %scan3A_651, %mul3A_684 : i32
        %get3A_686 = arith.index_cast %mul3A_685 : i32 to index
        %get3A_687 = tpu.vector_load %arg12[%get3A_686] {strides = array<i32>} : memref<2000xi32, #tpu.memory_space<vmem>>, vector<16xi32>,
        %add3A_688 = arith.addi %mul3A_12, %get3A_687 : vector<16xi32>
        tpu.vector_store_idx %arg16[%add3A_688], %div3A_683 {add = true} : memref<1024xf32, #tpu.memory_space<vmem>>[vector<16xi32>], vector<16xf32>,
        %scan3A_689 = arith.constant 0 : i32
        scf.yield %scan3A_689 : i32
      }
      %scan3A_545 = arith.constant 42 : i32
      %dma_wait3A_546 = arith.constant 1344 : i32
      %dma_wait3A_547 = arith.constant 0 : i32
      %dma_wait3A_548 = tpu.memref_slice %arg13[%dma_wait3A_546, %dma_wait3A_547] : memref<2000x4xf32, #tpu.memory_space<vmem>> -> memref<656x4xf32, #tpu.memory_space<vmem>>
      %dma_wait3A_549 = arith.constant 1344 : i32
      %dma_wait3A_550 = tpu.memref_slice %arg8[%dma_wait3A_549] : memref<2000xi32, #tpu.memory_space<vmem>> -> memref<656xi32, #tpu.memory_space<vmem>>
      %dma_wait3A_551 = arith.constant 0 : i32
      %dma_wait3A_552 = arith.constant 0 : i32
      %dma_wait3A_553 = tpu.memref_slice %arg2[%dma_wait3A_551, %dma_wait3A_552] : memref<100000x4xf32, #tpu.memory_space<hbm>> -> memref<100000x4xf32, #tpu.memory_space<hbm>>
      tpu.wait_indirect_dma semaphore(%arg23 : memref<!tpu.dma_semaphore, #tpu.memory_space<semaphore_mem>>) src(%dma_wait3A_553 : memref<100000x4xf32, #tpu.memory_space<hbm>>) dst(%dma_wait3A_548 : memref<656x4xf32, #tpu.memory_space<vmem>>)
      %dma_wait3A_554 = arith.constant 1344 : i32
      %dma_wait3A_555 = arith.constant 0 : i32
      %dma_wait3A_556 = tpu.memref_slice %arg14[%dma_wait3A_554, %dma_wait3A_555] : memref<2000x4xf32, #tpu.memory_space<vmem>> -> memref<656x4xf32, #tpu.memory_space<vmem>>
      %dma_wait3A_557 = arith.constant 1344 : i32
      %dma_wait3A_558 = tpu.memref_slice %arg10[%dma_wait3A_557] : memref<2000xi32, #tpu.memory_space<vmem>> -> memref<656xi32, #tpu.memory_space<vmem>>
      %dma_wait3A_559 = arith.constant 0 : i32
      %dma_wait3A_560 = arith.constant 0 : i32
      %dma_wait3A_561 = tpu.memref_slice %arg2[%dma_wait3A_559, %dma_wait3A_560] : memref<100000x4xf32, #tpu.memory_space<hbm>> -> memref<100000x4xf32, #tpu.memory_space<hbm>>
      tpu.wait_indirect_dma semaphore(%arg24 : memref<!tpu.dma_semaphore, #tpu.memory_space<semaphore_mem>>) src(%dma_wait3A_561 : memref<100000x4xf32, #tpu.memory_space<hbm>>) dst(%dma_wait3A_556 : memref<656x4xf32, #tpu.memory_space<vmem>>)
      %scan3A_562 = arith.constant 0 : i32
      %scan3A_563 = arith.constant 84 : i32
      %scan3A_564 = arith.constant 40 : i32
      %scan3A_565 = arith.addi %scan3A_563, %scan3A_564 : i32
      %scan3A_566 = arith.constant 2 : i32
      %scan3A_567 = scf.for %scan3A_610 = %scan3A_563 to %scan3A_565 step %scan3A_566 iter_args(%scan3A_611 = %scan3A_562) -> (i32)  : i32 {
        %mul3A_612 = arith.constant 16 : i32
        %mul3A_613 = arith.muli %scan3A_610, %mul3A_612 : i32
        %add3A_614 = vector.broadcast %mul3A_613 : i32 to vector<16xi32>
        %add3A_615 = arith.addi %add3A_614, %iota3A : vector<16xi32>
        %gather3A_616 = tpu.vector_load_idx %arg13[%add3A_615, %broadcast_in_dim3A_14] : memref<2000x4xf32, #tpu.memory_space<vmem>>[vector<16xi32>, vector<16xi32>], vector<16xf32>,
        %gather3A_617 = tpu.vector_load_idx %arg13[%add3A_615, %broadcast_in_dim3A_16] : memref<2000x4xf32, #tpu.memory_space<vmem>>[vector<16xi32>, vector<16xi32>], vector<16xf32>,
        %gather3A_618 = tpu.vector_load_idx %arg13[%add3A_615, %broadcast_in_dim3A_18] : memref<2000x4xf32, #tpu.memory_space<vmem>>[vector<16xi32>, vector<16xi32>], vector<16xf32>,
        %gather3A_619 = tpu.vector_load_idx %arg13[%add3A_615, %broadcast_in_dim3A_20] : memref<2000x4xf32, #tpu.memory_space<vmem>>[vector<16xi32>, vector<16xi32>], vector<16xf32>,
        %gather3A_620 = tpu.vector_load_idx %arg14[%add3A_615, %broadcast_in_dim3A_14] : memref<2000x4xf32, #tpu.memory_space<vmem>>[vector<16xi32>, vector<16xi32>], vector<16xf32>,
        %gather3A_621 = tpu.vector_load_idx %arg14[%add3A_615, %broadcast_in_dim3A_16] : memref<2000x4xf32, #tpu.memory_space<vmem>>[vector<16xi32>, vector<16xi32>], vector<16xf32>,
        %gather3A_622 = tpu.vector_load_idx %arg14[%add3A_615, %broadcast_in_dim3A_18] : memref<2000x4xf32, #tpu.memory_space<vmem>>[vector<16xi32>, vector<16xi32>], vector<16xf32>,
        %gather3A_623 = tpu.vector_load_idx %arg14[%add3A_615, %broadcast_in_dim3A_20] : memref<2000x4xf32, #tpu.memory_space<vmem>>[vector<16xi32>, vector<16xi32>], vector<16xf32>,
        %sub3A_624 = arith.subf %gather3A_616, %gather3A_620 : vector<16xf32>
        %sub3A_625 = arith.subf %gather3A_617, %gather3A_621 : vector<16xf32>
        %sub3A_626 = arith.subf %gather3A_618, %gather3A_622 : vector<16xf32>
        %mul3A_627 = arith.mulf %sub3A_624, %sub3A_624 : vector<16xf32>
        %mul3A_628 = arith.mulf %sub3A_625, %sub3A_625 : vector<16xf32>
        %add3A_629 = arith.addf %mul3A_627, %mul3A_628 : vector<16xf32>
        %mul3A_630 = arith.mulf %sub3A_626, %sub3A_626 : vector<16xf32>
        %add3A_631 = arith.addf %add3A_629, %mul3A_630 : vector<16xf32>
        %add3A_632 = arith.constant 9.99999996E-13 : f32
        %add3A_633 = vector.broadcast %add3A_632 : f32 to vector<16xf32>
        %add3A_634 = arith.addf %add3A_631, %add3A_633 : vector<16xf32>
        %mul3A_635 = arith.mulf %add3A_634, %add3A_634 : vector<16xf32>
        %mul3A_636 = arith.mulf %mul3A_635, %add3A_634 : vector<16xf32>
        %mul3A_637 = arith.constant 1.000000e+01 : f32
        %mul3A_638 = vector.broadcast %mul3A_637 : f32 to vector<16xf32>
        %mul3A_639 = arith.mulf %gather3A_619, %mul3A_638 : vector<16xf32>
        %add3A_640 = arith.addf %mul3A_639, %gather3A_623 : vector<16xf32>
        %convert_element_type3A_641 = arith.fptosi %add3A_640 : vector<16xf32> to vector<16xi32>
        %gather3A_642 = tpu.vector_load_idx %arg15[%convert_element_type3A_641] : memref<128xf32, #tpu.memory_space<vmem>>[vector<16xi32>], vector<16xf32>,
        %div3A_643 = arith.divf %gather3A_642, %mul3A_636 : vector<16xf32>
        %mul3A_644 = arith.constant 16 : i32
        %mul3A_645 = arith.muli %scan3A_610, %mul3A_644 : i32
        %get3A_646 = arith.index_cast %mul3A_645 : i32 to index
        %get3A_647 = tpu.vector_load %arg12[%get3A_646] {strides = array<i32>} : memref<2000xi32, #tpu.memory_space<vmem>>, vector<16xi32>,
        %add3A_648 = arith.addi %mul3A_12, %get3A_647 : vector<16xi32>
        tpu.vector_store_idx %arg16[%add3A_648], %div3A_643 {add = true} : memref<1024xf32, #tpu.memory_space<vmem>>[vector<16xi32>], vector<16xf32>,
        %scan3A_649 = arith.constant 0 : i32
        %scan3A_650 = arith.constant 1 : i32
        %scan3A_651 = arith.addi %scan3A_610, %scan3A_650 : i32
        %mul3A_652 = arith.constant 16 : i32
        %mul3A_653 = arith.muli %scan3A_651, %mul3A_652 : i32
        %add3A_654 = vector.broadcast %mul3A_653 : i32 to vector<16xi32>
        %add3A_655 = arith.addi %add3A_654, %iota3A : vector<16xi32>
        %gather3A_656 = tpu.vector_load_idx %arg13[%add3A_655, %broadcast_in_dim3A_14] : memref<2000x4xf32, #tpu.memory_space<vmem>>[vector<16xi32>, vector<16xi32>], vector<16xf32>,
        %gather3A_657 = tpu.vector_load_idx %arg13[%add3A_655, %broadcast_in_dim3A_16] : memref<2000x4xf32, #tpu.memory_space<vmem>>[vector<16xi32>, vector<16xi32>], vector<16xf32>,
        %gather3A_658 = tpu.vector_load_idx %arg13[%add3A_655, %broadcast_in_dim3A_18] : memref<2000x4xf32, #tpu.memory_space<vmem>>[vector<16xi32>, vector<16xi32>], vector<16xf32>,
        %gather3A_659 = tpu.vector_load_idx %arg13[%add3A_655, %broadcast_in_dim3A_20] : memref<2000x4xf32, #tpu.memory_space<vmem>>[vector<16xi32>, vector<16xi32>], vector<16xf32>,
        %gather3A_660 = tpu.vector_load_idx %arg14[%add3A_655, %broadcast_in_dim3A_14] : memref<2000x4xf32, #tpu.memory_space<vmem>>[vector<16xi32>, vector<16xi32>], vector<16xf32>,
        %gather3A_661 = tpu.vector_load_idx %arg14[%add3A_655, %broadcast_in_dim3A_16] : memref<2000x4xf32, #tpu.memory_space<vmem>>[vector<16xi32>, vector<16xi32>], vector<16xf32>,
        %gather3A_662 = tpu.vector_load_idx %arg14[%add3A_655, %broadcast_in_dim3A_18] : memref<2000x4xf32, #tpu.memory_space<vmem>>[vector<16xi32>, vector<16xi32>], vector<16xf32>,
        %gather3A_663 = tpu.vector_load_idx %arg14[%add3A_655, %broadcast_in_dim3A_20] : memref<2000x4xf32, #tpu.memory_space<vmem>>[vector<16xi32>, vector<16xi32>], vector<16xf32>,
        %sub3A_664 = arith.subf %gather3A_656, %gather3A_660 : vector<16xf32>
        %sub3A_665 = arith.subf %gather3A_657, %gather3A_661 : vector<16xf32>
        %sub3A_666 = arith.subf %gather3A_658, %gather3A_662 : vector<16xf32>
        %mul3A_667 = arith.mulf %sub3A_664, %sub3A_664 : vector<16xf32>
        %mul3A_668 = arith.mulf %sub3A_665, %sub3A_665 : vector<16xf32>
        %add3A_669 = arith.addf %mul3A_667, %mul3A_668 : vector<16xf32>
        %mul3A_670 = arith.mulf %sub3A_666, %sub3A_666 : vector<16xf32>
        %add3A_671 = arith.addf %add3A_669, %mul3A_670 : vector<16xf32>
        %add3A_672 = arith.constant 9.99999996E-13 : f32
        %add3A_673 = vector.broadcast %add3A_672 : f32 to vector<16xf32>
        %add3A_674 = arith.addf %add3A_671, %add3A_673 : vector<16xf32>
        %mul3A_675 = arith.mulf %add3A_674, %add3A_674 : vector<16xf32>
        %mul3A_676 = arith.mulf %mul3A_675, %add3A_674 : vector<16xf32>
        %mul3A_677 = arith.constant 1.000000e+01 : f32
        %mul3A_678 = vector.broadcast %mul3A_677 : f32 to vector<16xf32>
        %mul3A_679 = arith.mulf %gather3A_659, %mul3A_678 : vector<16xf32>
        %add3A_680 = arith.addf %mul3A_679, %gather3A_663 : vector<16xf32>
        %convert_element_type3A_681 = arith.fptosi %add3A_680 : vector<16xf32> to vector<16xi32>
        %gather3A_682 = tpu.vector_load_idx %arg15[%convert_element_type3A_681] : memref<128xf32, #tpu.memory_space<vmem>>[vector<16xi32>], vector<16xf32>,
        %div3A_683 = arith.divf %gather3A_682, %mul3A_676 : vector<16xf32>
        %mul3A_684 = arith.constant 16 : i32
        %mul3A_685 = arith.muli %scan3A_651, %mul3A_684 : i32
        %get3A_686 = arith.index_cast %mul3A_685 : i32 to index
        %get3A_687 = tpu.vector_load %arg12[%get3A_686] {strides = array<i32>} : memref<2000xi32, #tpu.memory_space<vmem>>, vector<16xi32>,
        %add3A_688 = arith.addi %mul3A_12, %get3A_687 : vector<16xi32>
        tpu.vector_store_idx %arg16[%add3A_688], %div3A_683 {add = true} : memref<1024xf32, #tpu.memory_space<vmem>>[vector<16xi32>], vector<16xf32>,
        %scan3A_689 = arith.constant 0 : i32
        scf.yield %scan3A_689 : i32
      }
      %scan3A_568 = arith.constant 40 : i32
      %scan3A_569 = arith.addi %scan3A_563, %scan3A_568 : i32
      %mul3A_570 = arith.constant 16 : i32
      %mul3A_571 = arith.muli %scan3A_569, %mul3A_570 : i32
      %add3A_572 = vector.broadcast %mul3A_571 : i32 to vector<16xi32>
      %add3A_573 = arith.addi %add3A_572, %iota3A : vector<16xi32>
      %gather3A_574 = tpu.vector_load_idx %arg13[%add3A_573, %broadcast_in_dim3A_14] : memref<2000x4xf32, #tpu.memory_space<vmem>>[vector<16xi32>, vector<16xi32>], vector<16xf32>,
      %gather3A_575 = tpu.vector_load_idx %arg13[%add3A_573, %broadcast_in_dim3A_16] : memref<2000x4xf32, #tpu.memory_space<vmem>>[vector<16xi32>, vector<16xi32>], vector<16xf32>,
      %gather3A_576 = tpu.vector_load_idx %arg13[%add3A_573, %broadcast_in_dim3A_18] : memref<2000x4xf32, #tpu.memory_space<vmem>>[vector<16xi32>, vector<16xi32>], vector<16xf32>,
      %gather3A_577 = tpu.vector_load_idx %arg13[%add3A_573, %broadcast_in_dim3A_20] : memref<2000x4xf32, #tpu.memory_space<vmem>>[vector<16xi32>, vector<16xi32>], vector<16xf32>,
      %gather3A_578 = tpu.vector_load_idx %arg14[%add3A_573, %broadcast_in_dim3A_14] : memref<2000x4xf32, #tpu.memory_space<vmem>>[vector<16xi32>, vector<16xi32>], vector<16xf32>,
      %gather3A_579 = tpu.vector_load_idx %arg14[%add3A_573, %broadcast_in_dim3A_16] : memref<2000x4xf32, #tpu.memory_space<vmem>>[vector<16xi32>, vector<16xi32>], vector<16xf32>,
      %gather3A_580 = tpu.vector_load_idx %arg14[%add3A_573, %broadcast_in_dim3A_18] : memref<2000x4xf32, #tpu.memory_space<vmem>>[vector<16xi32>, vector<16xi32>], vector<16xf32>,
      %gather3A_581 = tpu.vector_load_idx %arg14[%add3A_573, %broadcast_in_dim3A_20] : memref<2000x4xf32, #tpu.memory_space<vmem>>[vector<16xi32>, vector<16xi32>], vector<16xf32>,
      %sub3A_582 = arith.subf %gather3A_574, %gather3A_578 : vector<16xf32>
      %sub3A_583 = arith.subf %gather3A_575, %gather3A_579 : vector<16xf32>
      %sub3A_584 = arith.subf %gather3A_576, %gather3A_580 : vector<16xf32>
      %mul3A_585 = arith.mulf %sub3A_582, %sub3A_582 : vector<16xf32>
      %mul3A_586 = arith.mulf %sub3A_583, %sub3A_583 : vector<16xf32>
      %add3A_587 = arith.addf %mul3A_585, %mul3A_586 : vector<16xf32>
      %mul3A_588 = arith.mulf %sub3A_584, %sub3A_584 : vector<16xf32>
      %add3A_589 = arith.addf %add3A_587, %mul3A_588 : vector<16xf32>
      %add3A_590 = arith.constant 9.99999996E-13 : f32
      %add3A_591 = vector.broadcast %add3A_590 : f32 to vector<16xf32>
      %add3A_592 = arith.addf %add3A_589, %add3A_591 : vector<16xf32>
      %mul3A_593 = arith.mulf %add3A_592, %add3A_592 : vector<16xf32>
      %mul3A_594 = arith.mulf %mul3A_593, %add3A_592 : vector<16xf32>
      %mul3A_595 = arith.constant 1.000000e+01 : f32
      %mul3A_596 = vector.broadcast %mul3A_595 : f32 to vector<16xf32>
      %mul3A_597 = arith.mulf %gather3A_577, %mul3A_596 : vector<16xf32>
      %add3A_598 = arith.addf %mul3A_597, %gather3A_581 : vector<16xf32>
      %convert_element_type3A_599 = arith.fptosi %add3A_598 : vector<16xf32> to vector<16xi32>
      %gather3A_600 = tpu.vector_load_idx %arg15[%convert_element_type3A_599] : memref<128xf32, #tpu.memory_space<vmem>>[vector<16xi32>], vector<16xf32>,
      %div3A_601 = arith.divf %gather3A_600, %mul3A_594 : vector<16xf32>
      %mul3A_602 = arith.constant 16 : i32
      %mul3A_603 = arith.muli %scan3A_569, %mul3A_602 : i32
      %get3A_604 = arith.index_cast %mul3A_603 : i32 to index
      %get3A_605 = tpu.vector_load %arg12[%get3A_604] {strides = array<i32>} : memref<2000xi32, #tpu.memory_space<vmem>>, vector<16xi32>,
      %add3A_606 = arith.addi %mul3A_12, %get3A_605 : vector<16xi32>
      tpu.vector_store_idx %arg16[%add3A_606], %div3A_601 {add = true} : memref<1024xf32, #tpu.memory_space<vmem>>[vector<16xi32>], vector<16xf32>,
      %scan3A_607 = arith.constant 0 : i32
      %scan3A_608 = arith.constant 41 : i32
      %scan3A_609 = arith.constant 0 : i32
      scf.yield %scan3A_609 : i32
    }
    %scan3A_28 = arith.constant 50 : i32
    %get3A = arith.constant 0 : index
    %get3A_29 = tpu.vector_load %arg16[%get3A] {strides = array<i32>} : memref<1024xf32, #tpu.memory_space<vmem>>, vector<16xf32>,
    %add3A_30 = arith.addf %broadcast_in_dim3A_3, %get3A_29 : vector<16xf32>
    %get3A_31 = arith.constant 64 : index
    %get3A_32 = tpu.vector_load %arg16[%get3A_31] {strides = array<i32>} : memref<1024xf32, #tpu.memory_space<vmem>>, vector<16xf32>,
    %add3A_33 = arith.addf %add3A_30, %get3A_32 : vector<16xf32>
    %get3A_34 = arith.constant 128 : index
    %get3A_35 = tpu.vector_load %arg16[%get3A_34] {strides = array<i32>} : memref<1024xf32, #tpu.memory_space<vmem>>, vector<16xf32>,
    %add3A_36 = arith.addf %add3A_33, %get3A_35 : vector<16xf32>
    %get3A_37 = arith.constant 192 : index
    %get3A_38 = tpu.vector_load %arg16[%get3A_37] {strides = array<i32>} : memref<1024xf32, #tpu.memory_space<vmem>>, vector<16xf32>,
    %add3A_39 = arith.addf %add3A_36, %get3A_38 : vector<16xf32>
    %get3A_40 = arith.constant 256 : index
    %get3A_41 = tpu.vector_load %arg16[%get3A_40] {strides = array<i32>} : memref<1024xf32, #tpu.memory_space<vmem>>, vector<16xf32>,
    %add3A_42 = arith.addf %add3A_39, %get3A_41 : vector<16xf32>
    %get3A_43 = arith.constant 320 : index
    %get3A_44 = tpu.vector_load %arg16[%get3A_43] {strides = array<i32>} : memref<1024xf32, #tpu.memory_space<vmem>>, vector<16xf32>,
    %add3A_45 = arith.addf %add3A_42, %get3A_44 : vector<16xf32>
    %get3A_46 = arith.constant 384 : index
    %get3A_47 = tpu.vector_load %arg16[%get3A_46] {strides = array<i32>} : memref<1024xf32, #tpu.memory_space<vmem>>, vector<16xf32>,
    %add3A_48 = arith.addf %add3A_45, %get3A_47 : vector<16xf32>
    %get3A_49 = arith.constant 448 : index
    %get3A_50 = tpu.vector_load %arg16[%get3A_49] {strides = array<i32>} : memref<1024xf32, #tpu.memory_space<vmem>>, vector<16xf32>,
    %add3A_51 = arith.addf %add3A_48, %get3A_50 : vector<16xf32>
    %get3A_52 = arith.constant 512 : index
    %get3A_53 = tpu.vector_load %arg16[%get3A_52] {strides = array<i32>} : memref<1024xf32, #tpu.memory_space<vmem>>, vector<16xf32>,
    %add3A_54 = arith.addf %add3A_51, %get3A_53 : vector<16xf32>
    %get3A_55 = arith.constant 576 : index
    %get3A_56 = tpu.vector_load %arg16[%get3A_55] {strides = array<i32>} : memref<1024xf32, #tpu.memory_space<vmem>>, vector<16xf32>,
    %add3A_57 = arith.addf %add3A_54, %get3A_56 : vector<16xf32>
    %get3A_58 = arith.constant 640 : index
    %get3A_59 = tpu.vector_load %arg16[%get3A_58] {strides = array<i32>} : memref<1024xf32, #tpu.memory_space<vmem>>, vector<16xf32>,
    %add3A_60 = arith.addf %add3A_57, %get3A_59 : vector<16xf32>
    %get3A_61 = arith.constant 704 : index
    %get3A_62 = tpu.vector_load %arg16[%get3A_61] {strides = array<i32>} : memref<1024xf32, #tpu.memory_space<vmem>>, vector<16xf32>,
    %add3A_63 = arith.addf %add3A_60, %get3A_62 : vector<16xf32>
    %get3A_64 = arith.constant 768 : index
    %get3A_65 = tpu.vector_load %arg16[%get3A_64] {strides = array<i32>} : memref<1024xf32, #tpu.memory_space<vmem>>, vector<16xf32>,
    %add3A_66 = arith.addf %add3A_63, %get3A_65 : vector<16xf32>
    %get3A_67 = arith.constant 832 : index
    %get3A_68 = tpu.vector_load %arg16[%get3A_67] {strides = array<i32>} : memref<1024xf32, #tpu.memory_space<vmem>>, vector<16xf32>,
    %add3A_69 = arith.addf %add3A_66, %get3A_68 : vector<16xf32>
    %get3A_70 = arith.constant 896 : index
    %get3A_71 = tpu.vector_load %arg16[%get3A_70] {strides = array<i32>} : memref<1024xf32, #tpu.memory_space<vmem>>, vector<16xf32>,
    %add3A_72 = arith.addf %add3A_69, %get3A_71 : vector<16xf32>
    %get3A_73 = arith.constant 960 : index
    %get3A_74 = tpu.vector_load %arg16[%get3A_73] {strides = array<i32>} : memref<1024xf32, #tpu.memory_space<vmem>>, vector<16xf32>,
    %add3A_75 = arith.addf %add3A_72, %get3A_74 : vector<16xf32>
    %swap3A = arith.constant 0 : index
    %swap3A_76 = tpu.vector_load %arg17[%swap3A] {strides = array<i32>} : memref<64xf32, #tpu.memory_space<vmem>>, vector<16xf32>,
    tpu.vector_store %arg17[%swap3A], %add3A_75 {strides = array<i32>} : memref<64xf32, #tpu.memory_space<vmem>>, vector<16xf32>,
    %get3A_77 = arith.constant 16 : index
    %get3A_78 = tpu.vector_load %arg16[%get3A_77] {strides = array<i32>} : memref<1024xf32, #tpu.memory_space<vmem>>, vector<16xf32>,
    %add3A_79 = arith.addf %broadcast_in_dim3A_3, %get3A_78 : vector<16xf32>
    %get3A_80 = arith.constant 80 : index
    %get3A_81 = tpu.vector_load %arg16[%get3A_80] {strides = array<i32>} : memref<1024xf32, #tpu.memory_space<vmem>>, vector<16xf32>,
    %add3A_82 = arith.addf %add3A_79, %get3A_81 : vector<16xf32>
    %get3A_83 = arith.constant 144 : index
    %get3A_84 = tpu.vector_load %arg16[%get3A_83] {strides = array<i32>} : memref<1024xf32, #tpu.memory_space<vmem>>, vector<16xf32>,
    %add3A_85 = arith.addf %add3A_82, %get3A_84 : vector<16xf32>
    %get3A_86 = arith.constant 208 : index
    %get3A_87 = tpu.vector_load %arg16[%get3A_86] {strides = array<i32>} : memref<1024xf32, #tpu.memory_space<vmem>>, vector<16xf32>,
    %add3A_88 = arith.addf %add3A_85, %get3A_87 : vector<16xf32>
    %get3A_89 = arith.constant 272 : index
    %get3A_90 = tpu.vector_load %arg16[%get3A_89] {strides = array<i32>} : memref<1024xf32, #tpu.memory_space<vmem>>, vector<16xf32>,
    %add3A_91 = arith.addf %add3A_88, %get3A_90 : vector<16xf32>
    %get3A_92 = arith.constant 336 : index
    %get3A_93 = tpu.vector_load %arg16[%get3A_92] {strides = array<i32>} : memref<1024xf32, #tpu.memory_space<vmem>>, vector<16xf32>,
    %add3A_94 = arith.addf %add3A_91, %get3A_93 : vector<16xf32>
    %get3A_95 = arith.constant 400 : index
    %get3A_96 = tpu.vector_load %arg16[%get3A_95] {strides = array<i32>} : memref<1024xf32, #tpu.memory_space<vmem>>, vector<16xf32>,
    %add3A_97 = arith.addf %add3A_94, %get3A_96 : vector<16xf32>
    %get3A_98 = arith.constant 464 : index
    %get3A_99 = tpu.vector_load %arg16[%get3A_98] {strides = array<i32>} : memref<1024xf32, #tpu.memory_space<vmem>>, vector<16xf32>,
    %add3A_100 = arith.addf %add3A_97, %get3A_99 : vector<16xf32>
    %get3A_101 = arith.constant 528 : index
    %get3A_102 = tpu.vector_load %arg16[%get3A_101] {strides = array<i32>} : memref<1024xf32, #tpu.memory_space<vmem>>, vector<16xf32>,
    %add3A_103 = arith.addf %add3A_100, %get3A_102 : vector<16xf32>
    %get3A_104 = arith.constant 592 : index
    %get3A_105 = tpu.vector_load %arg16[%get3A_104] {strides = array<i32>} : memref<1024xf32, #tpu.memory_space<vmem>>, vector<16xf32>,
    %add3A_106 = arith.addf %add3A_103, %get3A_105 : vector<16xf32>
    %get3A_107 = arith.constant 656 : index
    %get3A_108 = tpu.vector_load %arg16[%get3A_107] {strides = array<i32>} : memref<1024xf32, #tpu.memory_space<vmem>>, vector<16xf32>,
    %add3A_109 = arith.addf %add3A_106, %get3A_108 : vector<16xf32>
    %get3A_110 = arith.constant 720 : index
    %get3A_111 = tpu.vector_load %arg16[%get3A_110] {strides = array<i32>} : memref<1024xf32, #tpu.memory_space<vmem>>, vector<16xf32>,
    %add3A_112 = arith.addf %add3A_109, %get3A_111 : vector<16xf32>
    %get3A_113 = arith.constant 784 : index
    %get3A_114 = tpu.vector_load %arg16[%get3A_113] {strides = array<i32>} : memref<1024xf32, #tpu.memory_space<vmem>>, vector<16xf32>,
    %add3A_115 = arith.addf %add3A_112, %get3A_114 : vector<16xf32>
    %get3A_116 = arith.constant 848 : index
    %get3A_117 = tpu.vector_load %arg16[%get3A_116] {strides = array<i32>} : memref<1024xf32, #tpu.memory_space<vmem>>, vector<16xf32>,
    %add3A_118 = arith.addf %add3A_115, %get3A_117 : vector<16xf32>
    %get3A_119 = arith.constant 912 : index
    %get3A_120 = tpu.vector_load %arg16[%get3A_119] {strides = array<i32>} : memref<1024xf32, #tpu.memory_space<vmem>>, vector<16xf32>,
    %add3A_121 = arith.addf %add3A_118, %get3A_120 : vector<16xf32>
    %get3A_122 = arith.constant 976 : index
    %get3A_123 = tpu.vector_load %arg16[%get3A_122] {strides = array<i32>} : memref<1024xf32, #tpu.memory_space<vmem>>, vector<16xf32>,
    %add3A_124 = arith.addf %add3A_121, %get3A_123 : vector<16xf32>
    %swap3A_125 = arith.constant 16 : index
    %swap3A_126 = tpu.vector_load %arg17[%swap3A_125] {strides = array<i32>} : memref<64xf32, #tpu.memory_space<vmem>>, vector<16xf32>,
    tpu.vector_store %arg17[%swap3A_125], %add3A_124 {strides = array<i32>} : memref<64xf32, #tpu.memory_space<vmem>>, vector<16xf32>,
    %get3A_127 = arith.constant 32 : index
    %get3A_128 = tpu.vector_load %arg16[%get3A_127] {strides = array<i32>} : memref<1024xf32, #tpu.memory_space<vmem>>, vector<16xf32>,
    %add3A_129 = arith.addf %broadcast_in_dim3A_3, %get3A_128 : vector<16xf32>
    %get3A_130 = arith.constant 96 : index
    %get3A_131 = tpu.vector_load %arg16[%get3A_130] {strides = array<i32>} : memref<1024xf32, #tpu.memory_space<vmem>>, vector<16xf32>,
    %add3A_132 = arith.addf %add3A_129, %get3A_131 : vector<16xf32>
    %get3A_133 = arith.constant 160 : index
    %get3A_134 = tpu.vector_load %arg16[%get3A_133] {strides = array<i32>} : memref<1024xf32, #tpu.memory_space<vmem>>, vector<16xf32>,
    %add3A_135 = arith.addf %add3A_132, %get3A_134 : vector<16xf32>
    %get3A_136 = arith.constant 224 : index
    %get3A_137 = tpu.vector_load %arg16[%get3A_136] {strides = array<i32>} : memref<1024xf32, #tpu.memory_space<vmem>>, vector<16xf32>,
    %add3A_138 = arith.addf %add3A_135, %get3A_137 : vector<16xf32>
    %get3A_139 = arith.constant 288 : index
    %get3A_140 = tpu.vector_load %arg16[%get3A_139] {strides = array<i32>} : memref<1024xf32, #tpu.memory_space<vmem>>, vector<16xf32>,
    %add3A_141 = arith.addf %add3A_138, %get3A_140 : vector<16xf32>
    %get3A_142 = arith.constant 352 : index
    %get3A_143 = tpu.vector_load %arg16[%get3A_142] {strides = array<i32>} : memref<1024xf32, #tpu.memory_space<vmem>>, vector<16xf32>,
    %add3A_144 = arith.addf %add3A_141, %get3A_143 : vector<16xf32>
    %get3A_145 = arith.constant 416 : index
    %get3A_146 = tpu.vector_load %arg16[%get3A_145] {strides = array<i32>} : memref<1024xf32, #tpu.memory_space<vmem>>, vector<16xf32>,
    %add3A_147 = arith.addf %add3A_144, %get3A_146 : vector<16xf32>
    %get3A_148 = arith.constant 480 : index
    %get3A_149 = tpu.vector_load %arg16[%get3A_148] {strides = array<i32>} : memref<1024xf32, #tpu.memory_space<vmem>>, vector<16xf32>,
    %add3A_150 = arith.addf %add3A_147, %get3A_149 : vector<16xf32>
    %get3A_151 = arith.constant 544 : index
    %get3A_152 = tpu.vector_load %arg16[%get3A_151] {strides = array<i32>} : memref<1024xf32, #tpu.memory_space<vmem>>, vector<16xf32>,
    %add3A_153 = arith.addf %add3A_150, %get3A_152 : vector<16xf32>
    %get3A_154 = arith.constant 608 : index
    %get3A_155 = tpu.vector_load %arg16[%get3A_154] {strides = array<i32>} : memref<1024xf32, #tpu.memory_space<vmem>>, vector<16xf32>,
    %add3A_156 = arith.addf %add3A_153, %get3A_155 : vector<16xf32>
    %get3A_157 = arith.constant 672 : index
    %get3A_158 = tpu.vector_load %arg16[%get3A_157] {strides = array<i32>} : memref<1024xf32, #tpu.memory_space<vmem>>, vector<16xf32>,
    %add3A_159 = arith.addf %add3A_156, %get3A_158 : vector<16xf32>
    %get3A_160 = arith.constant 736 : index
    %get3A_161 = tpu.vector_load %arg16[%get3A_160] {strides = array<i32>} : memref<1024xf32, #tpu.memory_space<vmem>>, vector<16xf32>,
    %add3A_162 = arith.addf %add3A_159, %get3A_161 : vector<16xf32>
    %get3A_163 = arith.constant 800 : index
    %get3A_164 = tpu.vector_load %arg16[%get3A_163] {strides = array<i32>} : memref<1024xf32, #tpu.memory_space<vmem>>, vector<16xf32>,
    %add3A_165 = arith.addf %add3A_162, %get3A_164 : vector<16xf32>
    %get3A_166 = arith.constant 864 : index
    %get3A_167 = tpu.vector_load %arg16[%get3A_166] {strides = array<i32>} : memref<1024xf32, #tpu.memory_space<vmem>>, vector<16xf32>,
    %add3A_168 = arith.addf %add3A_165, %get3A_167 : vector<16xf32>
    %get3A_169 = arith.constant 928 : index
    %get3A_170 = tpu.vector_load %arg16[%get3A_169] {strides = array<i32>} : memref<1024xf32, #tpu.memory_space<vmem>>, vector<16xf32>,
    %add3A_171 = arith.addf %add3A_168, %get3A_170 : vector<16xf32>
    %get3A_172 = arith.constant 992 : index
    %get3A_173 = tpu.vector_load %arg16[%get3A_172] {strides = array<i32>} : memref<1024xf32, #tpu.memory_space<vmem>>, vector<16xf32>,
    %add3A_174 = arith.addf %add3A_171, %get3A_173 : vector<16xf32>
    %swap3A_175 = arith.constant 32 : index
    %swap3A_176 = tpu.vector_load %arg17[%swap3A_175] {strides = array<i32>} : memref<64xf32, #tpu.memory_space<vmem>>, vector<16xf32>,
    tpu.vector_store %arg17[%swap3A_175], %add3A_174 {strides = array<i32>} : memref<64xf32, #tpu.memory_space<vmem>>, vector<16xf32>,
    %get3A_177 = arith.constant 48 : index
    %get3A_178 = tpu.vector_load %arg16[%get3A_177] {strides = array<i32>} : memref<1024xf32, #tpu.memory_space<vmem>>, vector<16xf32>,
    %add3A_179 = arith.addf %broadcast_in_dim3A_3, %get3A_178 : vector<16xf32>
    %get3A_180 = arith.constant 112 : index
    %get3A_181 = tpu.vector_load %arg16[%get3A_180] {strides = array<i32>} : memref<1024xf32, #tpu.memory_space<vmem>>, vector<16xf32>,
    %add3A_182 = arith.addf %add3A_179, %get3A_181 : vector<16xf32>
    %get3A_183 = arith.constant 176 : index
    %get3A_184 = tpu.vector_load %arg16[%get3A_183] {strides = array<i32>} : memref<1024xf32, #tpu.memory_space<vmem>>, vector<16xf32>,
    %add3A_185 = arith.addf %add3A_182, %get3A_184 : vector<16xf32>
    %get3A_186 = arith.constant 240 : index
    %get3A_187 = tpu.vector_load %arg16[%get3A_186] {strides = array<i32>} : memref<1024xf32, #tpu.memory_space<vmem>>, vector<16xf32>,
    %add3A_188 = arith.addf %add3A_185, %get3A_187 : vector<16xf32>
    %get3A_189 = arith.constant 304 : index
    %get3A_190 = tpu.vector_load %arg16[%get3A_189] {strides = array<i32>} : memref<1024xf32, #tpu.memory_space<vmem>>, vector<16xf32>,
    %add3A_191 = arith.addf %add3A_188, %get3A_190 : vector<16xf32>
    %get3A_192 = arith.constant 368 : index
    %get3A_193 = tpu.vector_load %arg16[%get3A_192] {strides = array<i32>} : memref<1024xf32, #tpu.memory_space<vmem>>, vector<16xf32>,
    %add3A_194 = arith.addf %add3A_191, %get3A_193 : vector<16xf32>
    %get3A_195 = arith.constant 432 : index
    %get3A_196 = tpu.vector_load %arg16[%get3A_195] {strides = array<i32>} : memref<1024xf32, #tpu.memory_space<vmem>>, vector<16xf32>,
    %add3A_197 = arith.addf %add3A_194, %get3A_196 : vector<16xf32>
    %get3A_198 = arith.constant 496 : index
    %get3A_199 = tpu.vector_load %arg16[%get3A_198] {strides = array<i32>} : memref<1024xf32, #tpu.memory_space<vmem>>, vector<16xf32>,
    %add3A_200 = arith.addf %add3A_197, %get3A_199 : vector<16xf32>
    %get3A_201 = arith.constant 560 : index
    %get3A_202 = tpu.vector_load %arg16[%get3A_201] {strides = array<i32>} : memref<1024xf32, #tpu.memory_space<vmem>>, vector<16xf32>,
    %add3A_203 = arith.addf %add3A_200, %get3A_202 : vector<16xf32>
    %get3A_204 = arith.constant 624 : index
    %get3A_205 = tpu.vector_load %arg16[%get3A_204] {strides = array<i32>} : memref<1024xf32, #tpu.memory_space<vmem>>, vector<16xf32>,
    %add3A_206 = arith.addf %add3A_203, %get3A_205 : vector<16xf32>
    %get3A_207 = arith.constant 688 : index
    %get3A_208 = tpu.vector_load %arg16[%get3A_207] {strides = array<i32>} : memref<1024xf32, #tpu.memory_space<vmem>>, vector<16xf32>,
    %add3A_209 = arith.addf %add3A_206, %get3A_208 : vector<16xf32>
    %get3A_210 = arith.constant 752 : index
    %get3A_211 = tpu.vector_load %arg16[%get3A_210] {strides = array<i32>} : memref<1024xf32, #tpu.memory_space<vmem>>, vector<16xf32>,
    %add3A_212 = arith.addf %add3A_209, %get3A_211 : vector<16xf32>
    %get3A_213 = arith.constant 816 : index
    %get3A_214 = tpu.vector_load %arg16[%get3A_213] {strides = array<i32>} : memref<1024xf32, #tpu.memory_space<vmem>>, vector<16xf32>,
    %add3A_215 = arith.addf %add3A_212, %get3A_214 : vector<16xf32>
    %get3A_216 = arith.constant 880 : index
    %get3A_217 = tpu.vector_load %arg16[%get3A_216] {strides = array<i32>} : memref<1024xf32, #tpu.memory_space<vmem>>, vector<16xf32>,
    %add3A_218 = arith.addf %add3A_215, %get3A_217 : vector<16xf32>
    %get3A_219 = arith.constant 944 : index
    %get3A_220 = tpu.vector_load %arg16[%get3A_219] {strides = array<i32>} : memref<1024xf32, #tpu.memory_space<vmem>>, vector<16xf32>,
    %add3A_221 = arith.addf %add3A_218, %get3A_220 : vector<16xf32>
    %get3A_222 = arith.constant 1008 : index
    %get3A_223 = tpu.vector_load %arg16[%get3A_222] {strides = array<i32>} : memref<1024xf32, #tpu.memory_space<vmem>>, vector<16xf32>,
    %add3A_224 = arith.addf %add3A_221, %get3A_223 : vector<16xf32>
    %swap3A_225 = arith.constant 48 : index
    %swap3A_226 = tpu.vector_load %arg17[%swap3A_225] {strides = array<i32>} : memref<64xf32, #tpu.memory_space<vmem>>, vector<16xf32>,
    tpu.vector_store %arg17[%swap3A_225], %add3A_224 {strides = array<i32>} : memref<64xf32, #tpu.memory_space<vmem>>, vector<16xf32>,
    "tpu.region"() ({
      %run_scoped3A_229 = tpu.sem_alloc : memref<!tpu.dma_semaphore, #tpu.memory_space<semaphore_mem>>
      %dma_start3A = arith.constant 0 : i32
      %dma_start3A_230 = tpu.memref_slice %arg19[%arg1, %dma_start3A] : memref<16x64xf32, #tpu.memory_space<vmem_shared>> -> memref<1x64xf32, #tpu.memory_space<vmem_shared>>
      %dma_start3A_231 = tpu.memref_squeeze %dma_start3A_230 : memref<1x64xf32, #tpu.memory_space<vmem_shared>> -> memref<64xf32, #tpu.memory_space<vmem_shared>>
      %dma_start3A_232 = arith.constant 0 : i32
      %dma_start3A_233 = tpu.memref_slice %arg19[%arg1, %dma_start3A_232] : memref<16x64xf32, #tpu.memory_space<vmem_shared>> -> memref<1x64xf32, #tpu.memory_space<vmem_shared>>
      %dma_start3A_234 = tpu.memref_squeeze %dma_start3A_233 : memref<1x64xf32, #tpu.memory_space<vmem_shared>> -> memref<64xf32, #tpu.memory_space<vmem_shared>>
      tpu.enqueue_dma source(%arg17 : memref<64xf32, #tpu.memory_space<vmem>>) target(%dma_start3A_234 : memref<64xf32, #tpu.memory_space<vmem_shared>>) target_semaphore(%run_scoped3A_229 : memref<!tpu.dma_semaphore, #tpu.memory_space<semaphore_mem>>)
      %dma_wait3A = arith.constant 0 : i32
      %dma_wait3A_235 = tpu.memref_slice %arg19[%arg1, %dma_wait3A] : memref<16x64xf32, #tpu.memory_space<vmem_shared>> -> memref<1x64xf32, #tpu.memory_space<vmem_shared>>
      %dma_wait3A_236 = tpu.memref_squeeze %dma_wait3A_235 : memref<1x64xf32, #tpu.memory_space<vmem_shared>> -> memref<64xf32, #tpu.memory_space<vmem_shared>>
      %dma_wait3A_237 = arith.constant 0 : i32
      %dma_wait3A_238 = tpu.memref_slice %arg19[%arg1, %dma_wait3A_237] : memref<16x64xf32, #tpu.memory_space<vmem_shared>> -> memref<1x64xf32, #tpu.memory_space<vmem_shared>>
      %dma_wait3A_239 = tpu.memref_squeeze %dma_wait3A_238 : memref<1x64xf32, #tpu.memory_space<vmem_shared>> -> memref<64xf32, #tpu.memory_space<vmem_shared>>
      tpu.wait_dma2 semaphore(%run_scoped3A_229 : memref<!tpu.dma_semaphore, #tpu.memory_space<semaphore_mem>>) src(%arg17 : memref<64xf32, #tpu.memory_space<vmem>>) dst(%dma_wait3A_239 : memref<64xf32, #tpu.memory_space<vmem_shared>>)
      tpu.yield
    }) : () -> ()
    %barrier3A = arith.constant 0 : index
    tpu.barrier barrier_id(%barrier3A)
    %eq3A = arith.constant 0 : i32
    %eq3A_227 = arith.cmpi eq, %arg1, %eq3A : i32
    %convert_element_type3A = arith.extui %eq3A_227 : i1 to i32
    %cond3A = arith.constant 0 : i32
    %cond3A_228 = arith.cmpi ne, %convert_element_type3A, %cond3A : i32
    scf.if %cond3A_228 {
      "tpu.region"() ({
        %run_scoped3A_565 = tpu.sem_alloc : memref<!tpu.dma_semaphore, #tpu.memory_space<semaphore_mem>>
        tpu.enqueue_dma source(%arg19 : memref<16x64xf32, #tpu.memory_space<vmem_shared>>) target(%arg18 : memref<16x64xf32, #tpu.memory_space<vmem>>) target_semaphore(%run_scoped3A_565 : memref<!tpu.dma_semaphore, #tpu.memory_space<semaphore_mem>>)
        tpu.wait_dma2 semaphore(%run_scoped3A_565 : memref<!tpu.dma_semaphore, #tpu.memory_space<semaphore_mem>>) src(%arg19 : memref<16x64xf32, #tpu.memory_space<vmem_shared>>) dst(%arg18 : memref<16x64xf32, #tpu.memory_space<vmem>>)
        tpu.yield
      }) : () -> ()
      %broadcast_in_dim3A_229 = arith.constant 0.000000e+00 : f32
      %broadcast_in_dim3A_230 = vector.broadcast %broadcast_in_dim3A_229 : f32 to vector<16xf32>
      %get3A_231 = arith.constant 0 : i32
      %get3A_232 = arith.index_cast %get3A_231 : i32 to index
      %get3A_233 = arith.constant 0 : index
      %get3A_234 = tpu.vector_load %arg18[%get3A_232, %get3A_233] {strides = array<i32>} : memref<16x64xf32, #tpu.memory_space<vmem>>, vector<16xf32>,
      %add3A_235 = arith.addf %broadcast_in_dim3A_230, %get3A_234 : vector<16xf32>
      %get3A_236 = arith.constant 1 : i32
      %get3A_237 = arith.index_cast %get3A_236 : i32 to index
      %get3A_238 = arith.constant 0 : index
      %get3A_239 = tpu.vector_load %arg18[%get3A_237, %get3A_238] {strides = array<i32>} : memref<16x64xf32, #tpu.memory_space<vmem>>, vector<16xf32>,
      %add3A_240 = arith.addf %add3A_235, %get3A_239 : vector<16xf32>
      %get3A_241 = arith.constant 2 : i32
      %get3A_242 = arith.index_cast %get3A_241 : i32 to index
      %get3A_243 = arith.constant 0 : index
      %get3A_244 = tpu.vector_load %arg18[%get3A_242, %get3A_243] {strides = array<i32>} : memref<16x64xf32, #tpu.memory_space<vmem>>, vector<16xf32>,
      %add3A_245 = arith.addf %add3A_240, %get3A_244 : vector<16xf32>
      %get3A_246 = arith.constant 3 : i32
      %get3A_247 = arith.index_cast %get3A_246 : i32 to index
      %get3A_248 = arith.constant 0 : index
      %get3A_249 = tpu.vector_load %arg18[%get3A_247, %get3A_248] {strides = array<i32>} : memref<16x64xf32, #tpu.memory_space<vmem>>, vector<16xf32>,
      %add3A_250 = arith.addf %add3A_245, %get3A_249 : vector<16xf32>
      %get3A_251 = arith.constant 4 : i32
      %get3A_252 = arith.index_cast %get3A_251 : i32 to index
      %get3A_253 = arith.constant 0 : index
      %get3A_254 = tpu.vector_load %arg18[%get3A_252, %get3A_253] {strides = array<i32>} : memref<16x64xf32, #tpu.memory_space<vmem>>, vector<16xf32>,
      %add3A_255 = arith.addf %add3A_250, %get3A_254 : vector<16xf32>
      %get3A_256 = arith.constant 5 : i32
      %get3A_257 = arith.index_cast %get3A_256 : i32 to index
      %get3A_258 = arith.constant 0 : index
      %get3A_259 = tpu.vector_load %arg18[%get3A_257, %get3A_258] {strides = array<i32>} : memref<16x64xf32, #tpu.memory_space<vmem>>, vector<16xf32>,
      %add3A_260 = arith.addf %add3A_255, %get3A_259 : vector<16xf32>
      %get3A_261 = arith.constant 6 : i32
      %get3A_262 = arith.index_cast %get3A_261 : i32 to index
      %get3A_263 = arith.constant 0 : index
      %get3A_264 = tpu.vector_load %arg18[%get3A_262, %get3A_263] {strides = array<i32>} : memref<16x64xf32, #tpu.memory_space<vmem>>, vector<16xf32>,
      %add3A_265 = arith.addf %add3A_260, %get3A_264 : vector<16xf32>
      %get3A_266 = arith.constant 7 : i32
      %get3A_267 = arith.index_cast %get3A_266 : i32 to index
      %get3A_268 = arith.constant 0 : index
      %get3A_269 = tpu.vector_load %arg18[%get3A_267, %get3A_268] {strides = array<i32>} : memref<16x64xf32, #tpu.memory_space<vmem>>, vector<16xf32>,
      %add3A_270 = arith.addf %add3A_265, %get3A_269 : vector<16xf32>
      %get3A_271 = arith.constant 8 : i32
      %get3A_272 = arith.index_cast %get3A_271 : i32 to index
      %get3A_273 = arith.constant 0 : index
      %get3A_274 = tpu.vector_load %arg18[%get3A_272, %get3A_273] {strides = array<i32>} : memref<16x64xf32, #tpu.memory_space<vmem>>, vector<16xf32>,
      %add3A_275 = arith.addf %add3A_270, %get3A_274 : vector<16xf32>
      %get3A_276 = arith.constant 9 : i32
      %get3A_277 = arith.index_cast %get3A_276 : i32 to index
      %get3A_278 = arith.constant 0 : index
      %get3A_279 = tpu.vector_load %arg18[%get3A_277, %get3A_278] {strides = array<i32>} : memref<16x64xf32, #tpu.memory_space<vmem>>, vector<16xf32>,
      %add3A_280 = arith.addf %add3A_275, %get3A_279 : vector<16xf32>
      %get3A_281 = arith.constant 10 : i32
      %get3A_282 = arith.index_cast %get3A_281 : i32 to index
      %get3A_283 = arith.constant 0 : index
      %get3A_284 = tpu.vector_load %arg18[%get3A_282, %get3A_283] {strides = array<i32>} : memref<16x64xf32, #tpu.memory_space<vmem>>, vector<16xf32>,
      %add3A_285 = arith.addf %add3A_280, %get3A_284 : vector<16xf32>
      %get3A_286 = arith.constant 11 : i32
      %get3A_287 = arith.index_cast %get3A_286 : i32 to index
      %get3A_288 = arith.constant 0 : index
      %get3A_289 = tpu.vector_load %arg18[%get3A_287, %get3A_288] {strides = array<i32>} : memref<16x64xf32, #tpu.memory_space<vmem>>, vector<16xf32>,
      %add3A_290 = arith.addf %add3A_285, %get3A_289 : vector<16xf32>
      %get3A_291 = arith.constant 12 : i32
      %get3A_292 = arith.index_cast %get3A_291 : i32 to index
      %get3A_293 = arith.constant 0 : index
      %get3A_294 = tpu.vector_load %arg18[%get3A_292, %get3A_293] {strides = array<i32>} : memref<16x64xf32, #tpu.memory_space<vmem>>, vector<16xf32>,
      %add3A_295 = arith.addf %add3A_290, %get3A_294 : vector<16xf32>
      %get3A_296 = arith.constant 13 : i32
      %get3A_297 = arith.index_cast %get3A_296 : i32 to index
      %get3A_298 = arith.constant 0 : index
      %get3A_299 = tpu.vector_load %arg18[%get3A_297, %get3A_298] {strides = array<i32>} : memref<16x64xf32, #tpu.memory_space<vmem>>, vector<16xf32>,
      %add3A_300 = arith.addf %add3A_295, %get3A_299 : vector<16xf32>
      %get3A_301 = arith.constant 14 : i32
      %get3A_302 = arith.index_cast %get3A_301 : i32 to index
      %get3A_303 = arith.constant 0 : index
      %get3A_304 = tpu.vector_load %arg18[%get3A_302, %get3A_303] {strides = array<i32>} : memref<16x64xf32, #tpu.memory_space<vmem>>, vector<16xf32>,
      %add3A_305 = arith.addf %add3A_300, %get3A_304 : vector<16xf32>
      %get3A_306 = arith.constant 15 : i32
      %get3A_307 = arith.index_cast %get3A_306 : i32 to index
      %get3A_308 = arith.constant 0 : index
      %get3A_309 = tpu.vector_load %arg18[%get3A_307, %get3A_308] {strides = array<i32>} : memref<16x64xf32, #tpu.memory_space<vmem>>, vector<16xf32>,
      %add3A_310 = arith.addf %add3A_305, %get3A_309 : vector<16xf32>
      %swap3A_311 = arith.constant 0 : index
      %swap3A_312 = tpu.vector_load %arg17[%swap3A_311] {strides = array<i32>} : memref<64xf32, #tpu.memory_space<vmem>>, vector<16xf32>,
      tpu.vector_store %arg17[%swap3A_311], %add3A_310 {strides = array<i32>} : memref<64xf32, #tpu.memory_space<vmem>>, vector<16xf32>,
      %broadcast_in_dim3A_313 = arith.constant 0.000000e+00 : f32
      %broadcast_in_dim3A_314 = vector.broadcast %broadcast_in_dim3A_313 : f32 to vector<16xf32>
      %get3A_315 = arith.constant 0 : i32
      %get3A_316 = arith.index_cast %get3A_315 : i32 to index
      %get3A_317 = arith.constant 16 : index
      %get3A_318 = tpu.vector_load %arg18[%get3A_316, %get3A_317] {strides = array<i32>} : memref<16x64xf32, #tpu.memory_space<vmem>>, vector<16xf32>,
      %add3A_319 = arith.addf %broadcast_in_dim3A_314, %get3A_318 : vector<16xf32>
      %get3A_320 = arith.constant 1 : i32
      %get3A_321 = arith.index_cast %get3A_320 : i32 to index
      %get3A_322 = arith.constant 16 : index
      %get3A_323 = tpu.vector_load %arg18[%get3A_321, %get3A_322] {strides = array<i32>} : memref<16x64xf32, #tpu.memory_space<vmem>>, vector<16xf32>,
      %add3A_324 = arith.addf %add3A_319, %get3A_323 : vector<16xf32>
      %get3A_325 = arith.constant 2 : i32
      %get3A_326 = arith.index_cast %get3A_325 : i32 to index
      %get3A_327 = arith.constant 16 : index
      %get3A_328 = tpu.vector_load %arg18[%get3A_326, %get3A_327] {strides = array<i32>} : memref<16x64xf32, #tpu.memory_space<vmem>>, vector<16xf32>,
      %add3A_329 = arith.addf %add3A_324, %get3A_328 : vector<16xf32>
      %get3A_330 = arith.constant 3 : i32
      %get3A_331 = arith.index_cast %get3A_330 : i32 to index
      %get3A_332 = arith.constant 16 : index
      %get3A_333 = tpu.vector_load %arg18[%get3A_331, %get3A_332] {strides = array<i32>} : memref<16x64xf32, #tpu.memory_space<vmem>>, vector<16xf32>,
      %add3A_334 = arith.addf %add3A_329, %get3A_333 : vector<16xf32>
      %get3A_335 = arith.constant 4 : i32
      %get3A_336 = arith.index_cast %get3A_335 : i32 to index
      %get3A_337 = arith.constant 16 : index
      %get3A_338 = tpu.vector_load %arg18[%get3A_336, %get3A_337] {strides = array<i32>} : memref<16x64xf32, #tpu.memory_space<vmem>>, vector<16xf32>,
      %add3A_339 = arith.addf %add3A_334, %get3A_338 : vector<16xf32>
      %get3A_340 = arith.constant 5 : i32
      %get3A_341 = arith.index_cast %get3A_340 : i32 to index
      %get3A_342 = arith.constant 16 : index
      %get3A_343 = tpu.vector_load %arg18[%get3A_341, %get3A_342] {strides = array<i32>} : memref<16x64xf32, #tpu.memory_space<vmem>>, vector<16xf32>,
      %add3A_344 = arith.addf %add3A_339, %get3A_343 : vector<16xf32>
      %get3A_345 = arith.constant 6 : i32
      %get3A_346 = arith.index_cast %get3A_345 : i32 to index
      %get3A_347 = arith.constant 16 : index
      %get3A_348 = tpu.vector_load %arg18[%get3A_346, %get3A_347] {strides = array<i32>} : memref<16x64xf32, #tpu.memory_space<vmem>>, vector<16xf32>,
      %add3A_349 = arith.addf %add3A_344, %get3A_348 : vector<16xf32>
      %get3A_350 = arith.constant 7 : i32
      %get3A_351 = arith.index_cast %get3A_350 : i32 to index
      %get3A_352 = arith.constant 16 : index
      %get3A_353 = tpu.vector_load %arg18[%get3A_351, %get3A_352] {strides = array<i32>} : memref<16x64xf32, #tpu.memory_space<vmem>>, vector<16xf32>,
      %add3A_354 = arith.addf %add3A_349, %get3A_353 : vector<16xf32>
      %get3A_355 = arith.constant 8 : i32
      %get3A_356 = arith.index_cast %get3A_355 : i32 to index
      %get3A_357 = arith.constant 16 : index
      %get3A_358 = tpu.vector_load %arg18[%get3A_356, %get3A_357] {strides = array<i32>} : memref<16x64xf32, #tpu.memory_space<vmem>>, vector<16xf32>,
      %add3A_359 = arith.addf %add3A_354, %get3A_358 : vector<16xf32>
      %get3A_360 = arith.constant 9 : i32
      %get3A_361 = arith.index_cast %get3A_360 : i32 to index
      %get3A_362 = arith.constant 16 : index
      %get3A_363 = tpu.vector_load %arg18[%get3A_361, %get3A_362] {strides = array<i32>} : memref<16x64xf32, #tpu.memory_space<vmem>>, vector<16xf32>,
      %add3A_364 = arith.addf %add3A_359, %get3A_363 : vector<16xf32>
      %get3A_365 = arith.constant 10 : i32
      %get3A_366 = arith.index_cast %get3A_365 : i32 to index
      %get3A_367 = arith.constant 16 : index
      %get3A_368 = tpu.vector_load %arg18[%get3A_366, %get3A_367] {strides = array<i32>} : memref<16x64xf32, #tpu.memory_space<vmem>>, vector<16xf32>,
      %add3A_369 = arith.addf %add3A_364, %get3A_368 : vector<16xf32>
      %get3A_370 = arith.constant 11 : i32
      %get3A_371 = arith.index_cast %get3A_370 : i32 to index
      %get3A_372 = arith.constant 16 : index
      %get3A_373 = tpu.vector_load %arg18[%get3A_371, %get3A_372] {strides = array<i32>} : memref<16x64xf32, #tpu.memory_space<vmem>>, vector<16xf32>,
      %add3A_374 = arith.addf %add3A_369, %get3A_373 : vector<16xf32>
      %get3A_375 = arith.constant 12 : i32
      %get3A_376 = arith.index_cast %get3A_375 : i32 to index
      %get3A_377 = arith.constant 16 : index
      %get3A_378 = tpu.vector_load %arg18[%get3A_376, %get3A_377] {strides = array<i32>} : memref<16x64xf32, #tpu.memory_space<vmem>>, vector<16xf32>,
      %add3A_379 = arith.addf %add3A_374, %get3A_378 : vector<16xf32>
      %get3A_380 = arith.constant 13 : i32
      %get3A_381 = arith.index_cast %get3A_380 : i32 to index
      %get3A_382 = arith.constant 16 : index
      %get3A_383 = tpu.vector_load %arg18[%get3A_381, %get3A_382] {strides = array<i32>} : memref<16x64xf32, #tpu.memory_space<vmem>>, vector<16xf32>,
      %add3A_384 = arith.addf %add3A_379, %get3A_383 : vector<16xf32>
      %get3A_385 = arith.constant 14 : i32
      %get3A_386 = arith.index_cast %get3A_385 : i32 to index
      %get3A_387 = arith.constant 16 : index
      %get3A_388 = tpu.vector_load %arg18[%get3A_386, %get3A_387] {strides = array<i32>} : memref<16x64xf32, #tpu.memory_space<vmem>>, vector<16xf32>,
      %add3A_389 = arith.addf %add3A_384, %get3A_388 : vector<16xf32>
      %get3A_390 = arith.constant 15 : i32
      %get3A_391 = arith.index_cast %get3A_390 : i32 to index
      %get3A_392 = arith.constant 16 : index
      %get3A_393 = tpu.vector_load %arg18[%get3A_391, %get3A_392] {strides = array<i32>} : memref<16x64xf32, #tpu.memory_space<vmem>>, vector<16xf32>,
      %add3A_394 = arith.addf %add3A_389, %get3A_393 : vector<16xf32>
      %swap3A_395 = arith.constant 16 : index
      %swap3A_396 = tpu.vector_load %arg17[%swap3A_395] {strides = array<i32>} : memref<64xf32, #tpu.memory_space<vmem>>, vector<16xf32>,
      tpu.vector_store %arg17[%swap3A_395], %add3A_394 {strides = array<i32>} : memref<64xf32, #tpu.memory_space<vmem>>, vector<16xf32>,
      %broadcast_in_dim3A_397 = arith.constant 0.000000e+00 : f32
      %broadcast_in_dim3A_398 = vector.broadcast %broadcast_in_dim3A_397 : f32 to vector<16xf32>
      %get3A_399 = arith.constant 0 : i32
      %get3A_400 = arith.index_cast %get3A_399 : i32 to index
      %get3A_401 = arith.constant 32 : index
      %get3A_402 = tpu.vector_load %arg18[%get3A_400, %get3A_401] {strides = array<i32>} : memref<16x64xf32, #tpu.memory_space<vmem>>, vector<16xf32>,
      %add3A_403 = arith.addf %broadcast_in_dim3A_398, %get3A_402 : vector<16xf32>
      %get3A_404 = arith.constant 1 : i32
      %get3A_405 = arith.index_cast %get3A_404 : i32 to index
      %get3A_406 = arith.constant 32 : index
      %get3A_407 = tpu.vector_load %arg18[%get3A_405, %get3A_406] {strides = array<i32>} : memref<16x64xf32, #tpu.memory_space<vmem>>, vector<16xf32>,
      %add3A_408 = arith.addf %add3A_403, %get3A_407 : vector<16xf32>
      %get3A_409 = arith.constant 2 : i32
      %get3A_410 = arith.index_cast %get3A_409 : i32 to index
      %get3A_411 = arith.constant 32 : index
      %get3A_412 = tpu.vector_load %arg18[%get3A_410, %get3A_411] {strides = array<i32>} : memref<16x64xf32, #tpu.memory_space<vmem>>, vector<16xf32>,
      %add3A_413 = arith.addf %add3A_408, %get3A_412 : vector<16xf32>
      %get3A_414 = arith.constant 3 : i32
      %get3A_415 = arith.index_cast %get3A_414 : i32 to index
      %get3A_416 = arith.constant 32 : index
      %get3A_417 = tpu.vector_load %arg18[%get3A_415, %get3A_416] {strides = array<i32>} : memref<16x64xf32, #tpu.memory_space<vmem>>, vector<16xf32>,
      %add3A_418 = arith.addf %add3A_413, %get3A_417 : vector<16xf32>
      %get3A_419 = arith.constant 4 : i32
      %get3A_420 = arith.index_cast %get3A_419 : i32 to index
      %get3A_421 = arith.constant 32 : index
      %get3A_422 = tpu.vector_load %arg18[%get3A_420, %get3A_421] {strides = array<i32>} : memref<16x64xf32, #tpu.memory_space<vmem>>, vector<16xf32>,
      %add3A_423 = arith.addf %add3A_418, %get3A_422 : vector<16xf32>
      %get3A_424 = arith.constant 5 : i32
      %get3A_425 = arith.index_cast %get3A_424 : i32 to index
      %get3A_426 = arith.constant 32 : index
      %get3A_427 = tpu.vector_load %arg18[%get3A_425, %get3A_426] {strides = array<i32>} : memref<16x64xf32, #tpu.memory_space<vmem>>, vector<16xf32>,
      %add3A_428 = arith.addf %add3A_423, %get3A_427 : vector<16xf32>
      %get3A_429 = arith.constant 6 : i32
      %get3A_430 = arith.index_cast %get3A_429 : i32 to index
      %get3A_431 = arith.constant 32 : index
      %get3A_432 = tpu.vector_load %arg18[%get3A_430, %get3A_431] {strides = array<i32>} : memref<16x64xf32, #tpu.memory_space<vmem>>, vector<16xf32>,
      %add3A_433 = arith.addf %add3A_428, %get3A_432 : vector<16xf32>
      %get3A_434 = arith.constant 7 : i32
      %get3A_435 = arith.index_cast %get3A_434 : i32 to index
      %get3A_436 = arith.constant 32 : index
      %get3A_437 = tpu.vector_load %arg18[%get3A_435, %get3A_436] {strides = array<i32>} : memref<16x64xf32, #tpu.memory_space<vmem>>, vector<16xf32>,
      %add3A_438 = arith.addf %add3A_433, %get3A_437 : vector<16xf32>
      %get3A_439 = arith.constant 8 : i32
      %get3A_440 = arith.index_cast %get3A_439 : i32 to index
      %get3A_441 = arith.constant 32 : index
      %get3A_442 = tpu.vector_load %arg18[%get3A_440, %get3A_441] {strides = array<i32>} : memref<16x64xf32, #tpu.memory_space<vmem>>, vector<16xf32>,
      %add3A_443 = arith.addf %add3A_438, %get3A_442 : vector<16xf32>
      %get3A_444 = arith.constant 9 : i32
      %get3A_445 = arith.index_cast %get3A_444 : i32 to index
      %get3A_446 = arith.constant 32 : index
      %get3A_447 = tpu.vector_load %arg18[%get3A_445, %get3A_446] {strides = array<i32>} : memref<16x64xf32, #tpu.memory_space<vmem>>, vector<16xf32>,
      %add3A_448 = arith.addf %add3A_443, %get3A_447 : vector<16xf32>
      %get3A_449 = arith.constant 10 : i32
      %get3A_450 = arith.index_cast %get3A_449 : i32 to index
      %get3A_451 = arith.constant 32 : index
      %get3A_452 = tpu.vector_load %arg18[%get3A_450, %get3A_451] {strides = array<i32>} : memref<16x64xf32, #tpu.memory_space<vmem>>, vector<16xf32>,
      %add3A_453 = arith.addf %add3A_448, %get3A_452 : vector<16xf32>
      %get3A_454 = arith.constant 11 : i32
      %get3A_455 = arith.index_cast %get3A_454 : i32 to index
      %get3A_456 = arith.constant 32 : index
      %get3A_457 = tpu.vector_load %arg18[%get3A_455, %get3A_456] {strides = array<i32>} : memref<16x64xf32, #tpu.memory_space<vmem>>, vector<16xf32>,
      %add3A_458 = arith.addf %add3A_453, %get3A_457 : vector<16xf32>
      %get3A_459 = arith.constant 12 : i32
      %get3A_460 = arith.index_cast %get3A_459 : i32 to index
      %get3A_461 = arith.constant 32 : index
      %get3A_462 = tpu.vector_load %arg18[%get3A_460, %get3A_461] {strides = array<i32>} : memref<16x64xf32, #tpu.memory_space<vmem>>, vector<16xf32>,
      %add3A_463 = arith.addf %add3A_458, %get3A_462 : vector<16xf32>
      %get3A_464 = arith.constant 13 : i32
      %get3A_465 = arith.index_cast %get3A_464 : i32 to index
      %get3A_466 = arith.constant 32 : index
      %get3A_467 = tpu.vector_load %arg18[%get3A_465, %get3A_466] {strides = array<i32>} : memref<16x64xf32, #tpu.memory_space<vmem>>, vector<16xf32>,
      %add3A_468 = arith.addf %add3A_463, %get3A_467 : vector<16xf32>
      %get3A_469 = arith.constant 14 : i32
      %get3A_470 = arith.index_cast %get3A_469 : i32 to index
      %get3A_471 = arith.constant 32 : index
      %get3A_472 = tpu.vector_load %arg18[%get3A_470, %get3A_471] {strides = array<i32>} : memref<16x64xf32, #tpu.memory_space<vmem>>, vector<16xf32>,
      %add3A_473 = arith.addf %add3A_468, %get3A_472 : vector<16xf32>
      %get3A_474 = arith.constant 15 : i32
      %get3A_475 = arith.index_cast %get3A_474 : i32 to index
      %get3A_476 = arith.constant 32 : index
      %get3A_477 = tpu.vector_load %arg18[%get3A_475, %get3A_476] {strides = array<i32>} : memref<16x64xf32, #tpu.memory_space<vmem>>, vector<16xf32>,
      %add3A_478 = arith.addf %add3A_473, %get3A_477 : vector<16xf32>
      %swap3A_479 = arith.constant 32 : index
      %swap3A_480 = tpu.vector_load %arg17[%swap3A_479] {strides = array<i32>} : memref<64xf32, #tpu.memory_space<vmem>>, vector<16xf32>,
      tpu.vector_store %arg17[%swap3A_479], %add3A_478 {strides = array<i32>} : memref<64xf32, #tpu.memory_space<vmem>>, vector<16xf32>,
      %broadcast_in_dim3A_481 = arith.constant 0.000000e+00 : f32
      %broadcast_in_dim3A_482 = vector.broadcast %broadcast_in_dim3A_481 : f32 to vector<16xf32>
      %get3A_483 = arith.constant 0 : i32
      %get3A_484 = arith.index_cast %get3A_483 : i32 to index
      %get3A_485 = arith.constant 48 : index
      %get3A_486 = tpu.vector_load %arg18[%get3A_484, %get3A_485] {strides = array<i32>} : memref<16x64xf32, #tpu.memory_space<vmem>>, vector<16xf32>,
      %add3A_487 = arith.addf %broadcast_in_dim3A_482, %get3A_486 : vector<16xf32>
      %get3A_488 = arith.constant 1 : i32
      %get3A_489 = arith.index_cast %get3A_488 : i32 to index
      %get3A_490 = arith.constant 48 : index
      %get3A_491 = tpu.vector_load %arg18[%get3A_489, %get3A_490] {strides = array<i32>} : memref<16x64xf32, #tpu.memory_space<vmem>>, vector<16xf32>,
      %add3A_492 = arith.addf %add3A_487, %get3A_491 : vector<16xf32>
      %get3A_493 = arith.constant 2 : i32
      %get3A_494 = arith.index_cast %get3A_493 : i32 to index
      %get3A_495 = arith.constant 48 : index
      %get3A_496 = tpu.vector_load %arg18[%get3A_494, %get3A_495] {strides = array<i32>} : memref<16x64xf32, #tpu.memory_space<vmem>>, vector<16xf32>,
      %add3A_497 = arith.addf %add3A_492, %get3A_496 : vector<16xf32>
      %get3A_498 = arith.constant 3 : i32
      %get3A_499 = arith.index_cast %get3A_498 : i32 to index
      %get3A_500 = arith.constant 48 : index
      %get3A_501 = tpu.vector_load %arg18[%get3A_499, %get3A_500] {strides = array<i32>} : memref<16x64xf32, #tpu.memory_space<vmem>>, vector<16xf32>,
      %add3A_502 = arith.addf %add3A_497, %get3A_501 : vector<16xf32>
      %get3A_503 = arith.constant 4 : i32
      %get3A_504 = arith.index_cast %get3A_503 : i32 to index
      %get3A_505 = arith.constant 48 : index
      %get3A_506 = tpu.vector_load %arg18[%get3A_504, %get3A_505] {strides = array<i32>} : memref<16x64xf32, #tpu.memory_space<vmem>>, vector<16xf32>,
      %add3A_507 = arith.addf %add3A_502, %get3A_506 : vector<16xf32>
      %get3A_508 = arith.constant 5 : i32
      %get3A_509 = arith.index_cast %get3A_508 : i32 to index
      %get3A_510 = arith.constant 48 : index
      %get3A_511 = tpu.vector_load %arg18[%get3A_509, %get3A_510] {strides = array<i32>} : memref<16x64xf32, #tpu.memory_space<vmem>>, vector<16xf32>,
      %add3A_512 = arith.addf %add3A_507, %get3A_511 : vector<16xf32>
      %get3A_513 = arith.constant 6 : i32
      %get3A_514 = arith.index_cast %get3A_513 : i32 to index
      %get3A_515 = arith.constant 48 : index
      %get3A_516 = tpu.vector_load %arg18[%get3A_514, %get3A_515] {strides = array<i32>} : memref<16x64xf32, #tpu.memory_space<vmem>>, vector<16xf32>,
      %add3A_517 = arith.addf %add3A_512, %get3A_516 : vector<16xf32>
      %get3A_518 = arith.constant 7 : i32
      %get3A_519 = arith.index_cast %get3A_518 : i32 to index
      %get3A_520 = arith.constant 48 : index
      %get3A_521 = tpu.vector_load %arg18[%get3A_519, %get3A_520] {strides = array<i32>} : memref<16x64xf32, #tpu.memory_space<vmem>>, vector<16xf32>,
      %add3A_522 = arith.addf %add3A_517, %get3A_521 : vector<16xf32>
      %get3A_523 = arith.constant 8 : i32
      %get3A_524 = arith.index_cast %get3A_523 : i32 to index
      %get3A_525 = arith.constant 48 : index
      %get3A_526 = tpu.vector_load %arg18[%get3A_524, %get3A_525] {strides = array<i32>} : memref<16x64xf32, #tpu.memory_space<vmem>>, vector<16xf32>,
      %add3A_527 = arith.addf %add3A_522, %get3A_526 : vector<16xf32>
      %get3A_528 = arith.constant 9 : i32
      %get3A_529 = arith.index_cast %get3A_528 : i32 to index
      %get3A_530 = arith.constant 48 : index
      %get3A_531 = tpu.vector_load %arg18[%get3A_529, %get3A_530] {strides = array<i32>} : memref<16x64xf32, #tpu.memory_space<vmem>>, vector<16xf32>,
      %add3A_532 = arith.addf %add3A_527, %get3A_531 : vector<16xf32>
      %get3A_533 = arith.constant 10 : i32
      %get3A_534 = arith.index_cast %get3A_533 : i32 to index
      %get3A_535 = arith.constant 48 : index
      %get3A_536 = tpu.vector_load %arg18[%get3A_534, %get3A_535] {strides = array<i32>} : memref<16x64xf32, #tpu.memory_space<vmem>>, vector<16xf32>,
      %add3A_537 = arith.addf %add3A_532, %get3A_536 : vector<16xf32>
      %get3A_538 = arith.constant 11 : i32
      %get3A_539 = arith.index_cast %get3A_538 : i32 to index
      %get3A_540 = arith.constant 48 : index
      %get3A_541 = tpu.vector_load %arg18[%get3A_539, %get3A_540] {strides = array<i32>} : memref<16x64xf32, #tpu.memory_space<vmem>>, vector<16xf32>,
      %add3A_542 = arith.addf %add3A_537, %get3A_541 : vector<16xf32>
      %get3A_543 = arith.constant 12 : i32
      %get3A_544 = arith.index_cast %get3A_543 : i32 to index
      %get3A_545 = arith.constant 48 : index
      %get3A_546 = tpu.vector_load %arg18[%get3A_544, %get3A_545] {strides = array<i32>} : memref<16x64xf32, #tpu.memory_space<vmem>>, vector<16xf32>,
      %add3A_547 = arith.addf %add3A_542, %get3A_546 : vector<16xf32>
      %get3A_548 = arith.constant 13 : i32
      %get3A_549 = arith.index_cast %get3A_548 : i32 to index
      %get3A_550 = arith.constant 48 : index
      %get3A_551 = tpu.vector_load %arg18[%get3A_549, %get3A_550] {strides = array<i32>} : memref<16x64xf32, #tpu.memory_space<vmem>>, vector<16xf32>,
      %add3A_552 = arith.addf %add3A_547, %get3A_551 : vector<16xf32>
      %get3A_553 = arith.constant 14 : i32
      %get3A_554 = arith.index_cast %get3A_553 : i32 to index
      %get3A_555 = arith.constant 48 : index
      %get3A_556 = tpu.vector_load %arg18[%get3A_554, %get3A_555] {strides = array<i32>} : memref<16x64xf32, #tpu.memory_space<vmem>>, vector<16xf32>,
      %add3A_557 = arith.addf %add3A_552, %get3A_556 : vector<16xf32>
      %get3A_558 = arith.constant 15 : i32
      %get3A_559 = arith.index_cast %get3A_558 : i32 to index
      %get3A_560 = arith.constant 48 : index
      %get3A_561 = tpu.vector_load %arg18[%get3A_559, %get3A_560] {strides = array<i32>} : memref<16x64xf32, #tpu.memory_space<vmem>>, vector<16xf32>,
      %add3A_562 = arith.addf %add3A_557, %get3A_561 : vector<16xf32>
      %swap3A_563 = arith.constant 48 : index
      %swap3A_564 = tpu.vector_load %arg17[%swap3A_563] {strides = array<i32>} : memref<64xf32, #tpu.memory_space<vmem>>, vector<16xf32>,
      tpu.vector_store %arg17[%swap3A_563], %add3A_562 {strides = array<i32>} : memref<64xf32, #tpu.memory_space<vmem>>, vector<16xf32>,
      "tpu.region"() ({
        %run_scoped3A_565 = tpu.sem_alloc : memref<!tpu.dma_semaphore, #tpu.memory_space<semaphore_mem>>
        %dma_start3A = arith.constant 0 : i32
        %dma_start3A_566 = tpu.memref_slice %arg6[%arg0, %dma_start3A] : memref<2x64xf32, #tpu.memory_space<hbm>> -> memref<1x64xf32, #tpu.memory_space<hbm>>
        %dma_start3A_567 = tpu.memref_squeeze %dma_start3A_566 : memref<1x64xf32, #tpu.memory_space<hbm>> -> memref<64xf32, #tpu.memory_space<hbm>>
        %dma_start3A_568 = arith.constant 0 : i32
        %dma_start3A_569 = tpu.memref_slice %arg6[%arg0, %dma_start3A_568] : memref<2x64xf32, #tpu.memory_space<hbm>> -> memref<1x64xf32, #tpu.memory_space<hbm>>
        %dma_start3A_570 = tpu.memref_squeeze %dma_start3A_569 : memref<1x64xf32, #tpu.memory_space<hbm>> -> memref<64xf32, #tpu.memory_space<hbm>>
        tpu.enqueue_dma source(%arg17 : memref<64xf32, #tpu.memory_space<vmem>>) target(%dma_start3A_570 : memref<64xf32, #tpu.memory_space<hbm>>) target_semaphore(%run_scoped3A_565 : memref<!tpu.dma_semaphore, #tpu.memory_space<semaphore_mem>>)
        %dma_wait3A = arith.constant 0 : i32
        %dma_wait3A_571 = tpu.memref_slice %arg6[%arg0, %dma_wait3A] : memref<2x64xf32, #tpu.memory_space<hbm>> -> memref<1x64xf32, #tpu.memory_space<hbm>>
        %dma_wait3A_572 = tpu.memref_squeeze %dma_wait3A_571 : memref<1x64xf32, #tpu.memory_space<hbm>> -> memref<64xf32, #tpu.memory_space<hbm>>
        %dma_wait3A_573 = arith.constant 0 : i32
        %dma_wait3A_574 = tpu.memref_slice %arg6[%arg0, %dma_wait3A_573] : memref<2x64xf32, #tpu.memory_space<hbm>> -> memref<1x64xf32, #tpu.memory_space<hbm>>
        %dma_wait3A_575 = tpu.memref_squeeze %dma_wait3A_574 : memref<1x64xf32, #tpu.memory_space<hbm>> -> memref<64xf32, #tpu.memory_space<hbm>>
        tpu.wait_dma2 semaphore(%run_scoped3A_565 : memref<!tpu.dma_semaphore, #tpu.memory_space<semaphore_mem>>) src(%arg17 : memref<64xf32, #tpu.memory_space<vmem>>) dst(%dma_wait3A_575 : memref<64xf32, #tpu.memory_space<hbm>>)
        tpu.yield
      }) : () -> ()
    } else {
    }
    return
  }
}

</mosaic_0001>

<sc_bundles>
// kernel: kernel.3.cloned.1.call-start
scs
__scs_entry_jumppad:
0x0: {  	(pc) =	sbr.rel $0x88, $3  }
0x1: {  	(tag) =	ssettag $0x0;
	lr =	simm.s32 $0x1  }
0x2: {  	[smem:$0x3F9C] =	sst lr;
	_ =	strace $0xD0000000  }
0x3: {  	_ = 	snop  }
0x4: {  	_ = 	snop  }
0x5: {  	_ = 	snop  }
0x6: {  	_ = 	snop  }
0x7: {  	_ = 	snop  }
__scs_overlays_trampoline_lowered:
0x8: {  	[smem:$0x3FAB] =	sst s0  }
0x9: {  	[smem:$0x3FAC] =	sst s1  }
0xa: {  	[smem:$0x3FAD] =	sst s2  }
0xb: {  	[smem:$0x3FAE] =	sst s3  }
0xc: {  	[smem:$0x3FAF] =	sst s4  }
0xd: {  	[smem:$0x3FB0] =	sst s5  }
0xe: {  	[smem:$0x3FB1] =	sst s6  }
0xf: {  	[smem:$0x3FB2] =	sst s7  }
0x10: {  	[smem:$0x3FB3] =	sst s8  }
0x11: {  	[smem:$0x3FB4] =	sst s9;
	s0 =	simm.s32 @!p0 $0x0  }
0x12: {  	s1 =	sld [smem:$0x3F9A];
	s0 =	simm.s32 @p0 $0x1  }
0x13: {  	[smem:$0x3FB5] =	sst s0;
	s0 =	simm.s32 @!p1 $0x0  }
0x14: {  	s2 =	sld [smem:$0x3F99];
	s0 =	simm.s32 @p1 $0x1  }
0x15: {  	[smem:$0x3FB6] =	sst s0;
	s0 =	simm.s32 @!p2 $0x0  }
0x16: {  	s3 =	sld [smem:$0x3FDB];
	s0 =	simm.s32 @p2 $0x1  }
0x17: {  	s4 =	simm.s32 $0x1BF5;
	[smem:$0x3FB8] =	sst s0  }
0x18: {  	s0 =	sld [smem:$0x3F9B];
	_ =	swait.ge [sflag:s4], $0x0  }
0x19: {  	s7 =	sld [smem:$0x3F9C]  }
0x1a: {  	s8 =	sadd.s32 $0xFFFFE003, lr  }
0x1b: {  	s9 =	sadd.s32 $0xFFFFFEF7, lr;
	s5 =	simm.s32 $0xFFFFFFFF;
	p2 =	slt.u32 s8, $0xFFFFF086  }
0x1c: {  	p1 =	slt.u32 s9, $0xF7A;
	s5 =	simm.s32 @!p2 $0x0  }
0x1d: {  	s5 =	simm.s32 @p1 $0x1;
	p0 =	seq.s32 s7, s2  }
0x1e: {  	s7 =	smul.u32 @!p0 $0xF7A, s2;
	p2 =	seq.s32 @!p0 s5, $0x0  }
0x1f: {  	s9 =	smul.u32 $0xF7A, s1;
	s8 =	simm.s32 @!p0 $0x1BF5;
	p2 =	por !p2, p0  }
0x20: {  	[sflag:s8] =	ssyncset.s32 @!p0 $0xFFFFF086;
	s6 =	sadd.s32 @!p0 s3, s7;
	s7 =	simm.s32 @!p0 $0x108  }
0x21: {  	s3 =	sadd.s32 s3, s9;
	s6 =	sadd.s32 @!p0 $0x88, s6;
	s7 =	simm.s32 @p2 $0x1082  }
0x22: {  	[simem:s7], [sflag:s8] =	dma.local @!p0 [hbm:s6], $0xF7A  }
0x23: {  	s9 =	sor.u32 $0xD0000000, s2;
	s6 =	simm.s32 $0x108;
	_ =	swait.ge @!p0 [sflag:s8], $0x0  }
0x24: {  	s3 =	sadd.s32 $0x88, s3;
	s6 =	simm.s32 @!p1 $0x1082;
	[sflag:s4] =	ssyncset.s32 $0xFFFFF086  }
0x25: {  	[simem:s6], [sflag:s4] =	dma.local [hbm:s3], $0xF7A  }
0x26: {  	[smem:$0x3F9C] =	sst s1;
	(tag) =	ssettag s2;
	_ =	strace s9  }
0x27: {  	s1 =	sld [smem:$0x3FAC]  }
0x28: {  	s2 =	sld [smem:$0x3FAD]  }
0x29: {  	s4 =	sld [smem:$0x3FAF]  }
0x2a: {  	p0 =	seq.s32 s5, $0x0;
	s5 =	sld [smem:$0x3FB0]  }
0x2b: {  	s6 =	sld [smem:$0x3FB1]  }
0x2c: {  	s7 =	sld [smem:$0x3FB2]  }
0x2d: {  	s3 =	simm.s32 $0x108;
	s8 =	sld [smem:$0x3FB3]  }
0x2e: {  	s3 =	simm.s32 @!p0 $0x1082;
	s9 =	sld [smem:$0x3FB4]  }
0x2f: {  	lr =	sadd.s32 s0, s3;
	s0 =	sld [smem:$0x3FAB]  }
0x30: {  	s3 =	sld [smem:$0x3FAE]  }
0x31: {  	[smem:$0x3FB7] =	sst s10  }
0x32: {  	s10 =	sld [smem:$0x3FB5];
	_ =	sdelay $0x3  }
0x33: {  	p0 =	seq.s32 s10, $0x1;
	s10 =	sld [smem:$0x3FB7];
	_ =	sdelay $0x3  }
0x34: {  	[smem:$0x3FB7] =	sst s10  }
0x35: {  	s10 =	sld [smem:$0x3FB6];
	_ =	sdelay $0x3  }
0x36: {  	p1 =	seq.s32 s10, $0x1;
	s10 =	sld [smem:$0x3FB7];
	_ =	sdelay $0x3  }
0x37: {  	[smem:$0x3FB7] =	sst s10  }
0x38: {  	s10 =	sld [smem:$0x3FB8]  }
0x39: {  	_ = 	snop;
	(pc) =	sbr.ind lr, $3  }
0x3a: {  	_ = 	snop  }
0x3b: {  	_ = 	snop  }
0x3c: {  	p2 =	seq.s32 s10, $0x1;
	s10 =	sld [smem:$0x3FB7]  }
0x3d: {  	_ =	shalt  }
0x3e: {  	_ =	shalt  }
0x3f: {  	_ =	shalt  }
0x40: {  	_ =	shalt  }
0x41: {  	_ =	shalt  }
0x42: {  	_ =	shalt  }
0x43: {  	_ =	shalt  }
0x44: {  	_ =	shalt  }
0x45: {  	_ =	shalt  }
0x46: {  	_ =	shalt  }
0x47: {  	_ =	shalt  }
0x48: {  	_ =	shalt  }
0x49: {  	_ =	shalt  }
0x4a: {  	_ =	shalt  }
0x4b: {  	_ =	shalt  }
0x4c: {  	_ =	shalt  }
0x4d: {  	_ =	shalt  }
0x4e: {  	_ =	shalt  }
0x4f: {  	_ =	shalt  }
0x50: {  	_ =	shalt  }
0x51: {  	_ =	shalt  }
0x52: {  	_ =	shalt  }
0x53: {  	_ =	shalt  }
0x54: {  	_ =	shalt  }
0x55: {  	_ =	shalt  }
0x56: {  	_ =	shalt  }
0x57: {  	_ =	shalt  }
0x58: {  	_ =	shalt  }
0x59: {  	_ =	shalt  }
0x5a: {  	_ =	shalt  }
0x5b: {  	_ =	shalt  }
0x5c: {  	_ =	shalt  }
0x5d: {  	_ =	shalt  }
0x5e: {  	_ =	shalt  }
0x5f: {  	_ =	shalt  }
0x60: {  	_ =	shalt  }
0x61: {  	_ =	shalt  }
0x62: {  	_ =	shalt  }
0x63: {  	_ =	shalt  }
0x64: {  	_ =	shalt  }
0x65: {  	_ =	shalt  }
0x66: {  	_ =	shalt  }
0x67: {  	_ =	shalt  }
0x68: {  	_ =	shalt  }
0x69: {  	_ =	shalt  }
0x6a: {  	_ =	shalt  }
0x6b: {  	_ =	shalt  }
0x6c: {  	_ =	shalt  }
0x6d: {  	_ =	shalt  }
0x6e: {  	_ =	shalt  }
0x6f: {  	_ =	shalt  }
0x70: {  	_ =	shalt  }
0x71: {  	_ =	shalt  }
0x72: {  	_ =	shalt  }
0x73: {  	_ =	shalt  }
0x74: {  	_ =	shalt  }
0x75: {  	_ =	shalt  }
0x76: {  	_ =	shalt  }
0x77: {  	_ =	shalt  }
0x78: {  	_ =	shalt  }
0x79: {  	_ =	shalt  }
0x7a: {  	_ =	shalt  }
0x7b: {  	_ =	shalt  }
0x7c: {  	_ =	shalt  }
0x7d: {  	_ =	shalt  }
0x7e: {  	_ =	shalt  }
0x7f: {  	_ =	shalt  }
0x80: {  	_ =	shalt  }
0x81: {  	_ =	shalt  }
0x82: {  	_ =	shalt  }
0x83: {  	_ =	shalt  }
0x84: {  	_ =	shalt  }
0x85: {  	_ =	shalt  }
0x86: {  	_ =	shalt  }
0x87: {  	_ =	shalt  }
.Lfunc_end0:
.L_simem_size_0:
called_computation.1_lowered:
.L_overlay_start_0:
0x88: {  	s2 =	sld [smem:$0x3FD9]  }
0x89: {  	s3 =	sld [smem:$0x3FFE];
	_ =	sdelay $0x1  }
0x8a: {  	s1 =	srdreg.scid  }
0x8b: {  	s0 =	sand.u32 $0x1, s1  }
0x8c: {  	s17 =	sshll.u32 s0, $0xA;
	s2 =	sadd.s32 s3, s2  }
0x8d: {  	s2 =	sadd.s32 s2, s17  }
0x8e: {  	[smem:$0x3FC3] =	sst s2  }
0x8f: {  	_ = 	snop  }
0x90: {  	s2 =	sld [smem:$0x3FC6]  }
0x91: {  	s18 =	sld [smem:$0x3FD0];
	(tm) =	ssettm $0x1  }
0x92: {  	s4 =	sld [smem:$0x3FFB];
	_ =	sdelay $0x3  }
0x93: {  	_ =	strace s4  }
0x94: {  	s4 =	sld [smem:$0x3FFC];
	_ =	sdelay $0x3  }
0x95: {  	_ =	strace s4  }
0x96: {  	s4 =	sld [smem:$0x3FFD];
	_ =	sdelay $0x3  }
0x97: {  	_ =	strace s4  }
0x98: {  	_ =	strace $0x8FFFFFFF  }
0x99: {  	s19 =	sld [smem:$0x3FDB];
	_ =	sdelay $0x1  }
0x9a: {  	s5 =	simm.s32 $_scs_section_size  }
0x9b: {  	s6 =	simm.s32 $_size__tile_overlayer_lowered;
	s7 =	simm.s32 $_tile_overlayer_lowered  }
0x9c: {  	s22 =	simm.s32 $0x1BFF;
	s21 =	sshll.u32 s7, $0x1;
	s4 =	sadd.s32 s5, s19  }
0x9d: {  	s8 =	simm.s32 $0x0;
	s20 =	sshll.u32 s6, $0x1;
	s6 =	sadd.s32 s21, s4  }
0x9e: {  	[timem:s8], [sflag:s22] =	dma.local [hbm:s6], s20  }
0x9f: {  	_ =	swait.ge [sflag:s22], s20  }
0xa0: {  	s5 =	ssub.s32 $0x0, s20;
	[sflag:s22] =	ssyncset.done $0x0  }
0xa1: {  	[sflag:s22] =	ssyncadd.s32 s5;
	_ =	sdelay $0x1  }
0xa2: {  	s23 =	simm.s32 $0x1B8B  }
0xa3: {  	_ =	swait.ge [sflag:s23], $0x1  }
0xa4: {  	[sflag:s23] =	ssyncset.done $0x0  }
0xa5: {  	s25 =	simm.s32 $0x1B8E;
	s24 =	sld [smem:$0x3FFE];
	[sflag:s23] =	ssyncadd.s32 $0xFFFFFFFF  }
0xa6: {  	s26 =	simm.s32 $execute0_lowered;
	[smem:$0x3FD2] =	sst s25  }
0xa7: {  	s6 =	sshll.u32 s26, $0x1;
	_ =	strace $0x80000049;
	[dreg:$0x1] =	wrdreg $0xFFFFFFFF  }
0xa8: {  	s28 =	simm.s32 $_size_execute0_lowered;
	s4 =	sadd.s32 s4, s6;
	[dreg:$0x0] =	wrdreg $0x0  }
0xa9: {  	s6 =	sshll.u32 s28, $0x1;
	[dreg:$0x2] =	wrdreg s4  }
0xaa: {  	[dreg:$0x3] =	wrdreg s6  }
0xab: {  	[dreg:$0x4] =	wrdreg $0xC0  }
0xac: {  	_ =	task [dreg:s8], $0x5FFFF  }
0xad: {  	[dreg:$0x1] =	wrdreg $0xFFFFFFFF  }
0xae: {  	[dreg:$0x0] =	wrdreg $0x60  }
0xaf: {  	[dreg:$0x2] =	wrdreg s24  }
0xb0: {  	[dreg:$0x3] =	wrdreg s2  }
0xb1: {  	[dreg:$0x4] =	wrdreg s18  }
0xb2: {  	[dreg:$0x5] =	wrdreg $0xB4A00  }
0xb3: {  	[dreg:$0x6] =	wrdreg $0x9  }
0xb4: {  	_ =	task.clear_ibuf [dreg:s8], $0x7FFFF;
	_ =	strace $0x90000049  }
0xb5: {  	s29 =	simm.s32 $0x9;
	_ =	strace $0x8000004B  }
0xb6: {  	_ =	swait.ge [sflag:s29], $0x1  }
0xb7: {  	[sflag:s29] =	ssyncadd.s32 $0xFFFFFFFF  }
0xb8: {  	_ =	strace $0x9000004B  }
0xb9: {  	_ =	sfence  }
0xba: {  	s30 =	sld [smem:$0x0];
	_ =	sdelay $0x2  }
0xbb: {  	s31 =	sshll.u32 s1, $0xD;
	s1 =	sshrl.u32 s1, $0x2  }
0xbc: {  	s3 =	sand.u32 $0x4000, s31;
	s1 =	sadd.s32 s1, s30  }
0xbd: {  	s0 =	sor.u32 s3, s0;
	s1 =	sshll.u32 s1, $0x11  }
0xbe: {  	s0 =	sor.u32 s1, s0  }
0xbf: {  	s0 =	sadd.s32 $0x8F2B, s0  }
0xc0: {  	[sflag:s0] =	ssyncadd.remote.s32 $0x1  }
0xc1: {  	_ =	sfence.sel $0xFFFF  }
0xc2: {  	[dreg:$0x0] =	wrdreg $0xFFFFFFFF;
	(pc) =	sbr.abs _section_cstart, $3  }
0xc3: {  	[dreg:$0x1] =	wrdreg $0xFFFFFFFF  }
0xc4: {  	_ =	task.clear_ibuf [dreg:s8], $0x2FFFF;
	_ =	strace $0x9FFFFFFF  }
0xc5: {  	(tm) =	ssettm $0x7FFFFFFF  }
tec
execute0_lowered:
.L_overlay_start_1:
0x0: {  	(tag) =	ssettag $0x1  }
0x1: {  	s0 =	rddreg [dreg:$0x0]  }
0x2: {  	s1 =	rddreg [dreg:$0x1]  }
0x3: {  	s12 =	rddreg [dreg:$0x3];
	s2 =	srdreg.scid;
	s4 =	simm.s32 $0x0  }
0x4: {  	s3 =	stileid.u32;
	s15 =	simm.s32 $0xABE0;
	s17 =	simm.s32 $0xFA0  }
0x5: {  	s19 =	simm.s32 $0x2A0;
	s20 =	simm.s32 $0x2EE0;
	s28 =	simm.s32 $0x1  }
0x6: {  	s29 =	simm.s32 $0x2;
	s30 =	simm.s32 $0x3;
	s31 =	simm.s32 $0x43E0  }
0x7: {  	s13 =	simm.s32 $0xAC60;
	s14 =	simm.s32 $0x58E0;
	s16 =	simm.s32 $0x9760  }
0x8: {  	s18 =	simm.s32 $0x0;
	s2 =	sand.u32 $0x1, s2;
	[smem:$0x7FF] =	sst s4  }
0x9: {  	s6 =	sadd.s32 $0xE00, s0;
	s24 =	sshll.u32 s3, $0x6;
	p0 =	sne.s32 s3, $0x0  }
0xa: {  	s5 =	sshll.u32 s2, $0x4;
	_ =	strace $0x8000004A;
	s8 =	ssub.s32 $0x2, s2  }
0xb: {  	s2 =	sshll.u32 s2, $0x3;
	s25 =	sadd.s32 s24, s12;
	s12 =	simm.s32 $0x8  }
0xc: {  	s5 =	sor.u32 s3, s5;
	s9 =	sshrl.u32 s8, $0x1;
	[dreg:$0x8] =	wrdreg s25  }
0xd: {  	s25 =	simm.s32 $0x4;
	s3 =	simm.s32 $0x8260;
	s7 =	smul.u32 $0x30D40, s5  }
0xe: {  	s5 =	sadd.s32 $0x187800, s0;
	s0 =	sadd.s32 s2, s0;
	s21 =	ssub.s32 s8, s9  }
0xf: {  	s2 =	simm.s32 $0x6;
	s9 =	simm.s32 $0x290;
	s0 =	sadd.s32 $0x1A0000, s0  }
0x10: {  	s26 =	smax.u32 s21, $0x1;
	s21 =	simm.s32 $0x6D60;
	s10 =	sshrl.u32 s7, $0x3  }
.Ltmp0:
0x11: {  	v2 =	vlaneseq.u32;
	s11 =	sadd.s32 $0xFA0, s7;
	[dreg:$0x9] =	wrdreg s0;
	(pc) =	sbr.rel .LBB2_1-.Ltmp0, $4  }
0x12: {  	v0 =	vmul.u32 $0x8, v2;
	[dreg:$0xa] =	wrdreg s26;
	s26 =	simm.s32 $0x5;
	s22 =	sadd.s32 s6, s10  }
0x13: {  	s23 =	sadd.s32 s1, s10;
	s10 =	sadd.s32 $0x7D0, s7;
	[dreg:$0x5] =	wrdreg s22  }
0x14: {  	v1 =	vimm.f32 $0.0e+00;
	v2 =	vmul.u32 $0x40, v2;
	v3 =	vor.u32 $0x3E00, v0;
	s8 =	sadd.s32 $0xC3500, s22;
	[dreg:$0x7] =	wrdreg s23;
	s22 =	simm.s32 $0x7D0  }
0x15: {  	v4 =	vor.u32 $0x3E01, v0;
	v5 =	vor.u32 $0x3E02, v0;
	v6 =	vor.u32 $0x3E03, v0;
	s23 =	simm.s32 $0x1770;
	[dreg:$0x6] =	wrdreg s8;
	s8 =	simm.s32 $0x7  }
.LBB2_19:
0x16: {  	s18 =	sadd.s32 $0x1, s18;
	s0 =	rddreg [dreg:$0xa]  }
0x17: {  	p1 =	sne.s32 s18, s0  }
.Ltmp1:
0x18: {  	_ = 	snop;
	(pc) =	sbr.rel @!p1 .LBB2_20-.Ltmp1, $1  }
0x19: {  	_ =	sdelay $0x3  }
.LBB2_1:
0x1a: {  	[dreg:$0xb] =	wrdreg s18  }
0x1b: {  	s0 =	rddreg [dreg:$0x2]  }
0x1c: {  	[tilespmem:s15], [sflag:$0x8] =	stream.linear.gather [hbm4b:s0+s4], $0x80, $0x38;
	[tilespmem:$0xB4E0] =	vst v63  }
0x1d: {  	_ =	swait.ge [sflag:s12], $0x80  }
0x1e: {  	[sflag:s12] =	ssyncset.done $0x0  }
0x1f: {  	s7 =	simm.s32 $0x0;
	s0 =	simm.s32 $0x40;
	[sflag:s12] =	ssyncadd.s32 $0xFFFFFF80  }
.LBB2_2:
0x20: {  	p1 =	sne.s32 s0, $0xFC0;
	[tilespmem:s7+$0xAC60] =	vst v1;
	s7 =	smov.u32 s0;
	s0 =	sadd.s32 $0x40, s0  }
.Ltmp2:
0x21: {  	(pc) =	sbr.rel @p1 .LBB2_2-.Ltmp2, $2  }
0x22: {  	_ =	sdelay $0x2  }
0x23: {  	s7 =	sshra.s32 s7, $0x2  }
0x24: {  	[tilespmem:s7+$0xAC60] =	vst v1;
	s24 =	simm.s32 $0x0;
	s0 =	rddreg [dreg:$0x5]  }
0x25: {  	[tilespmem:s24], [sflag:$0x8] =	stream.linear.gather [hbm4b:s0+s24], $0x7D0, $0x38;
	[tilespmem:$0xB4E0] =	vst v63  }
0x26: {  	_ =	swait.ge [sflag:s12], $0x7D0  }
0x27: {  	[sflag:s12] =	ssyncset.done $0x0  }
0x28: {  	s18 =	rddreg [dreg:$0x6];
	[sflag:s12] =	ssyncadd.s32 $0xFFFFF830  }
0x29: {  	[tilespmem:s17], [sflag:$0x8] =	stream.linear.gather [hbm4b:s18+s24], $0x7D0, $0x38;
	[tilespmem:$0xB4E0] =	vst v63  }
0x2a: {  	_ =	swait.ge [sflag:s12], $0x7D0  }
0x2b: {  	[sflag:s12] =	ssyncset.done $0x0  }
0x2c: {  	s18 =	simm.s32 $0x1F40;
	s7 =	rddreg [dreg:$0x7];
	[sflag:s12] =	ssyncadd.s32 $0xFFFFF830  }
0x2d: {  	[tilespmem:s18], [sflag:$0x8] =	stream.linear.gather [hbm4b:s7+s24], $0x7D0, $0x38;
	[tilespmem:$0xB4E0] =	vst v63  }
0x2e: {  	_ =	swait.ge [sflag:s12], $0x7D0  }
0x2f: {  	[sflag:s12] =	ssyncset.done $0x0  }
0x30: {  	[sflag:s12] =	ssyncadd.s32 $0xFFFFF830  }
.LBB2_4:
0x31: {  	[tilespmem:s20], [sflag:$0x4] =	stream.indirect.gather [hbm4b:s5+s19], $0x4, s4, s19, $0xb8;
	[tilespmem:$0xB4E0] =	vst v63  }
0x32: {  	s0 =	smul.u32 $0xFA0, s24  }
0x33: {  	[tilespmem:s21], [sflag:$0x5] =	stream.indirect.gather [hbm4b:s5+s19], $0x4, s17, s19, $0xb8;
	[tilespmem:$0xB4E0] =	vst v63  }
0x34: {  	s0 =	sadd.s32 s0, s10  }
0x35: {  	s0 =	sshrl.u32 s0, $0x3  }
0x36: {  	s7 =	sadd.s32 s6, s0  }
0x37: {  	[tilespmem:s22], [sflag:$0x1] =	stream.linear.gather [hbm4b:s7+s4], $0x7D0, $0x38;
	[tilespmem:$0xB4E0] =	vst v63  }
0x38: {  	s7 =	sadd.s32 $0xC3500, s7  }
0x39: {  	[tilespmem:s23], [sflag:$0x2] =	stream.linear.gather [hbm4b:s7+s4], $0x7D0, $0x38;
	[tilespmem:$0xB4E0] =	vst v63  }
0x3a: {  	s18 =	simm.s32 $0x2710;
	s0 =	sadd.s32 s1, s0  }
0x3b: {  	[tilespmem:s18], [sflag:$0x3] =	stream.linear.gather [hbm4b:s0+s4], $0x7D0, $0x38;
	[tilespmem:$0xB4E0] =	vst v63  }
0x3c: {  	_ =	swait.ge [sflag:s25], $0xA80  }
0x3d: {  	[sflag:s25] =	ssyncset.done $0x0  }
0x3e: {  	[sflag:s25] =	ssyncadd.s32 $0xFFFFF580  }
0x3f: {  	_ =	swait.ge [sflag:s26], $0xA80  }
0x40: {  	[sflag:s26] =	ssyncset.done $0x0  }
0x41: {  	[sflag:s26] =	ssyncadd.s32 $0xFFFFF580  }
0x42: {  	_ =	swait.ge [sflag:s28], $0x7D0  }
0x43: {  	[sflag:s28] =	ssyncset.done $0x0  }
0x44: {  	[sflag:s28] =	ssyncadd.s32 $0xFFFFF830  }
0x45: {  	s7 =	simm.s32 $0x0;
	_ =	swait.ge [sflag:s29], $0x7D0  }
0x46: {  	v7 =	vmov s7;
	[sflag:s29] =	ssyncset.done $0x0  }
0x47: {  	v7 =	vshll.u32 v7, $0x3;
	[sflag:s29] =	ssyncadd.s32 $0xFFFFF830  }
0x48: {  	v7 =	vor.u32 v0, v7;
	_ =	swait.ge [sflag:s30], $0x7D0  }
0x49: {  	v8 =	vor.u32 $0x1, v7;
	[sflag:s30] =	ssyncset.done $0x0  }
0x4a: {  	[sflag:s30] =	ssyncadd.s32 $0xFFFFF830  }
0x4b: {  	[tilespmem:s31], [sflag:$0x6] =	stream.indirect.gather [hbm4b:s5+s19], $0x4, s19, s19, $0xb8;
	[tilespmem:$0xB4E0] =	vst v63  }
0x4c: {  	s12 =	simm.s32 $0x1240  }
0x4d: {  	v9 =	vor.u32 $0x2, v7;
	[tilespmem:s3], [sflag:$0x7] =	stream.indirect.gather [hbm4b:s5+s19], $0x4, s12, s19, $0xb8;
	[tilespmem:$0xB4E0] =	vst v63  }
0x4e: {  	v10 =	vld.idx.msk [tilespmem:v8+s20+$0x0], $0xffff  }
0x4f: {  	v11 =	vld.idx.msk [tilespmem:v7+s20+$0x0], $0xffff  }
0x50: {  	v12 =	vld.idx.msk [tilespmem:v7+s21+$0x0], $0xffff  }
0x51: {  	v8 =	vld.idx.msk [tilespmem:v8+s21+$0x0], $0xffff  }
0x52: {  	v13 =	vld.idx.msk [tilespmem:v9+s21+$0x0], $0xffff  }
0x53: {  	v9 =	vld.idx.msk [tilespmem:v9+s20+$0x0], $0xffff  }
0x54: {  	v7 =	vor.u32 $0x3, v7;
	_ =	sdelay $0x1  }
0x55: {  	v11 =	vsub.f32 v11, v12;
	v8 =	vsub.f32 v10, v8;
	_ =	sdelay $0x1  }
0x56: {  	v9 =	vsub.f32 v9, v13;
	v10 =	vmul.f32 v11, v11;
	v8 =	vmul.f32 v8, v8  }
0x57: {  	v11 =	vld.idx.msk [tilespmem:v7+s20+$0x0], $0xffff  }
0x58: {  	v9 =	vmul.f32 v9, v9;
	v8 =	vadd.f32 v8, v10  }
0x59: {  	v7 =	vld.idx.msk [tilespmem:v7+s21+$0x0], $0xffff  }
0x5a: {  	v8 =	vadd.f32 v9, v8;
	_ =	sdelay $0x1  }
0x5b: {  	v9 =	vmul.f32 $1.000000000e+01, v11;
	v8 =	vadd.f32 $9.999999960e-13, v8;
	_ =	sdelay $0x1  }
0x5c: {  	v7 =	vadd.f32 v7, v9;
	v9 =	vmul.f32 v8, v8;
	_ =	sdelay $0x1  }
0x5d: {  	v7 =	vtrunc.f32 v7;
	v8 =	vmul.f32 v9, v8  }
0x5e: {  	v7 =	vcvt.f32.s32 v7  }
0x5f: {  	(erf) = vrcp.f32 v8  }
0x60: {  	s0 =	simm.s32 $0x1F50  }
0x61: {  	v8 =	vld [tilespmem:s0+$0xFFFFFFF0];
	_ =	sdelay $0x1  }
0x62: {  	s18 =	simm.s32 $0x10  }
0x63: {  	v9 =	vmov s18;
	v7 =	vld.idx.msk [tilespmem:v7+s15+$0x0], $0xffff  }
0x64: {  	v9 =	vshll.u32 v9, $0x3  }
0x65: {  	v9 =	vor.u32 v0, v9;
	v8 =	vadd.s32 v2, v8  }
0x66: {  	v10 =	vor.u32 $0x1, v9  }
0x67: {  	v11 =	vpop (erf)  }
0x68: {  	v7 =	vmul.f32 v11, v7;
	_ =	sdelay $0x1  }
0x69: {  	[tilespmem:v8+s13+$0x0] =	vst.idx.add.f32.msk $0xffff, v7;
	v7 =	vor.u32 $0x2, v9  }
0x6a: {  	v8 =	vld.idx.msk [tilespmem:v10+s21+$0x0], $0xffff  }
0x6b: {  	v11 =	vld.idx.msk [tilespmem:v9+s20+$0x0], $0xffff  }
0x6c: {  	v62 =	vor.u32 $0x3, v9;
	v9 =	vld.idx.msk [tilespmem:v9+s21+$0x0], $0xffff  }
0x6d: {  	v10 =	vld.idx.msk [tilespmem:v10+s20+$0x0], $0xffff  }
0x6e: {  	v63 =	vld.idx.msk [tilespmem:v7+s21+$0x0], $0xffff  }
0x6f: {  	v7 =	vld.idx.msk [tilespmem:v7+s20+$0x0], $0xffff;
	_ =	sdelay $0x2  }
0x70: {  	v9 =	vsub.f32 v11, v9;
	v8 =	vsub.f32 v10, v8  }
0x71: {  	v14 =	vld.idx.msk [tilespmem:v62+s20+$0x0], $0xffff  }
0x72: {  	v9 =	vmul.f32 v9, v9;
	v8 =	vmul.f32 v8, v8;
	v7 =	vsub.f32 v7, v63  }
0x73: {  	v10 =	vld.idx.msk [tilespmem:v62+s21+$0x0], $0xffff  }
0x74: {  	v8 =	vadd.f32 v8, v9;
	v7 =	vmul.f32 v7, v7;
	_ =	sdelay $0x1  }
0x75: {  	v11 =	vmul.f32 $1.000000000e+01, v14;
	v7 =	vadd.f32 v7, v8;
	_ =	sdelay $0x1  }
0x76: {  	v9 =	vadd.f32 v10, v11;
	v7 =	vadd.f32 $9.999999960e-13, v7;
	_ =	sdelay $0x1  }
0x77: {  	v8 =	vtrunc.f32 v9;
	v9 =	vmul.f32 v7, v7;
	_ =	sdelay $0x1  }
0x78: {  	v8 =	vcvt.f32.s32 v8;
	v9 =	vmul.f32 v9, v7;
	_ =	sdelay $0x1  }
0x79: {  	(erf) = vrcp.f32 v9;
	_ =	sdelay $0x1  }
0x7a: {  	v7 =	vld [tilespmem:s0+$0x0]  }
0x7b: {  	s12 =	simm.s32 $0x20  }
0x7c: {  	s7 =	simm.s32 $0x2;
	v8 =	vld.idx.msk [tilespmem:v8+s15+$0x0], $0xffff;
	v9 =	vmov s12;
	s12 =	simm.s32 $0x30  }
.LBB2_5:
0x7d: {  	s7 =	sadd.s32 $0x2, s7;
	v9 =	vshll.u32 v9, $0x3;
	s0 =	sadd.s32 $0x20, s0  }
0x7e: {  	p1 =	slt.u32 s7, $0x28;
	v9 =	vor.u32 v0, v9  }
0x7f: {  	v10 =	vor.u32 $0x1, v9;
	v11 =	vor.u32 $0x2, v9;
	v7 =	vadd.s32 v2, v7;
	_ =	sdelay $0x1  }
0x80: {  	v12 =	vpop (erf)  }
0x81: {  	v8 =	vmul.f32 v12, v8;
	_ =	sdelay $0x1  }
0x82: {  	[tilespmem:v7+s13+$0x0] =	vst.idx.add.f32.msk $0xffff, v8  }
0x83: {  	v7 =	vld.idx.msk [tilespmem:v10+s20+$0x0], $0xffff  }
0x84: {  	v8 =	vld.idx.msk [tilespmem:v9+s20+$0x0], $0xffff  }
0x85: {  	v12 =	vld.idx.msk [tilespmem:v9+s21+$0x0], $0xffff  }
0x86: {  	v10 =	vld.idx.msk [tilespmem:v10+s21+$0x0], $0xffff  }
0x87: {  	v13 =	vld.idx.msk [tilespmem:v11+s21+$0x0], $0xffff  }
0x88: {  	v9 =	vor.u32 $0x3, v9;
	v11 =	vld.idx.msk [tilespmem:v11+s20+$0x0], $0xffff;
	_ =	sdelay $0x2  }
0x89: {  	v8 =	vsub.f32 v8, v12  }
0x8a: {  	v7 =	vsub.f32 v7, v10  }
0x8b: {  	v10 =	vld.idx.msk [tilespmem:v9+s20+$0x0], $0xffff  }
0x8c: {  	v8 =	vmul.f32 v8, v8;
	v11 =	vsub.f32 v11, v13;
	v7 =	vmul.f32 v7, v7  }
0x8d: {  	v9 =	vld.idx.msk [tilespmem:v9+s21+$0x0], $0xffff  }
0x8e: {  	v7 =	vadd.f32 v7, v8;
	v8 =	vmul.f32 v11, v11;
	_ =	sdelay $0x1  }
0x8f: {  	v7 =	vadd.f32 v8, v7  }
0x90: {  	v8 =	vmul.f32 $1.000000000e+01, v10  }
0x91: {  	v7 =	vadd.f32 $9.999999960e-13, v7  }
0x92: {  	v8 =	vadd.f32 v9, v8  }
0x93: {  	v9 =	vmul.f32 v7, v7  }
0x94: {  	v8 =	vtrunc.f32 v8  }
0x95: {  	v7 =	vmul.f32 v9, v7;
	v8 =	vcvt.f32.s32 v8;
	_ =	sdelay $0x1  }
0x96: {  	(erf) = vrcp.f32 v7;
	_ =	sdelay $0x1  }
0x97: {  	v7 =	vld [tilespmem:s0+$0xFFFFFFF0];
	_ =	sdelay $0x1  }
0x98: {  	v8 =	vld.idx.msk [tilespmem:v8+s15+$0x0], $0xffff  }
0x99: {  	v9 =	vmov s12  }
0x9a: {  	v9 =	vshll.u32 v9, $0x3  }
0x9b: {  	v9 =	vor.u32 v0, v9;
	v7 =	vadd.s32 v2, v7  }
0x9c: {  	v10 =	vor.u32 $0x1, v9  }
0x9d: {  	v11 =	vpop (erf)  }
0x9e: {  	v8 =	vmul.f32 v11, v8;
	_ =	sdelay $0x1  }
0x9f: {  	[tilespmem:v7+s13+$0x0] =	vst.idx.add.f32.msk $0xffff, v8;
	v7 =	vor.u32 $0x2, v9  }
0xa0: {  	v8 =	vld.idx.msk [tilespmem:v10+s21+$0x0], $0xffff  }
0xa1: {  	v11 =	vld.idx.msk [tilespmem:v9+s20+$0x0], $0xffff  }
0xa2: {  	v12 =	vld.idx.msk [tilespmem:v9+s21+$0x0], $0xffff  }
0xa3: {  	v10 =	vld.idx.msk [tilespmem:v10+s20+$0x0], $0xffff  }
0xa4: {  	v13 =	vld.idx.msk [tilespmem:v7+s21+$0x0], $0xffff  }
0xa5: {  	v9 =	vor.u32 $0x3, v9;
	v7 =	vld.idx.msk [tilespmem:v7+s20+$0x0], $0xffff;
	_ =	sdelay $0x2  }
0xa6: {  	v11 =	vsub.f32 v11, v12  }
0xa7: {  	v8 =	vsub.f32 v10, v8  }
0xa8: {  	v10 =	vld.idx.msk [tilespmem:v9+s20+$0x0], $0xffff  }
0xa9: {  	v11 =	vmul.f32 v11, v11;
	v7 =	vsub.f32 v7, v13;
	v8 =	vmul.f32 v8, v8  }
0xaa: {  	v9 =	vld.idx.msk [tilespmem:v9+s21+$0x0], $0xffff  }
0xab: {  	v8 =	vadd.f32 v8, v11;
	v7 =	vmul.f32 v7, v7;
	_ =	sdelay $0x1  }
0xac: {  	v7 =	vadd.f32 v7, v8  }
0xad: {  	v8 =	vmul.f32 $1.000000000e+01, v10  }
0xae: {  	v7 =	vadd.f32 $9.999999960e-13, v7  }
0xaf: {  	v8 =	vadd.f32 v9, v8  }
0xb0: {  	v9 =	vmul.f32 v7, v7  }
0xb1: {  	v8 =	vtrunc.f32 v8  }
0xb2: {  	v7 =	vmul.f32 v9, v7;
	v8 =	vcvt.f32.s32 v8;
	_ =	sdelay $0x1  }
.Ltmp3:
0xb3: {  	(erf) = vrcp.f32 v7;
	(pc) =	sbr.rel @p1 .LBB2_5-.Ltmp3, $4  }
0xb4: {  	_ = 	snop  }
0xb5: {  	s12 =	sadd.s32 $0x20, s12;
	v7 =	vld [tilespmem:s0+$0x0]  }
0xb6: {  	s18 =	sadd.s32 $0xFFFFFFF0, s12  }
0xb7: {  	v9 =	vmov s18;
	v8 =	vld.idx.msk [tilespmem:v8+s15+$0x0], $0xffff  }
0xb8: {  	_ = 	snop  }
0xb9: {  	v9 =	vshll.u32 v9, $0x3  }
0xba: {  	v9 =	vor.u32 v0, v9;
	v7 =	vadd.s32 v2, v7  }
0xbb: {  	v10 =	vor.u32 $0x1, v9  }
0xbc: {  	v11 =	vpop (erf)  }
0xbd: {  	v8 =	vmul.f32 v11, v8;
	_ =	sdelay $0x1  }
0xbe: {  	v11 =	vor.u32 $0x2, v9;
	[tilespmem:v7+s13+$0x0] =	vst.idx.add.f32.msk $0xffff, v8  }
0xbf: {  	v7 =	vld.idx.msk [tilespmem:v10+s20+$0x0], $0xffff  }
0xc0: {  	v8 =	vld.idx.msk [tilespmem:v9+s20+$0x0], $0xffff  }
0xc1: {  	v12 =	vld.idx.msk [tilespmem:v9+s21+$0x0], $0xffff  }
0xc2: {  	v10 =	vld.idx.msk [tilespmem:v10+s21+$0x0], $0xffff  }
0xc3: {  	v13 =	vld.idx.msk [tilespmem:v11+s21+$0x0], $0xffff  }
0xc4: {  	v11 =	vld.idx.msk [tilespmem:v11+s20+$0x0], $0xffff  }
0xc5: {  	v9 =	vor.u32 $0x3, v9;
	_ =	sdelay $0x1  }
0xc6: {  	v8 =	vsub.f32 v8, v12;
	v7 =	vsub.f32 v7, v10;
	_ =	sdelay $0x1  }
0xc7: {  	v10 =	vsub.f32 v11, v13;
	v8 =	vmul.f32 v8, v8;
	v7 =	vmul.f32 v7, v7  }
0xc8: {  	v11 =	vld.idx.msk [tilespmem:v9+s20+$0x0], $0xffff  }
0xc9: {  	v7 =	vadd.f32 v7, v8;
	v8 =	vmul.f32 v10, v10  }
0xca: {  	v9 =	vld.idx.msk [tilespmem:v9+s21+$0x0], $0xffff  }
0xcb: {  	v7 =	vadd.f32 v8, v7;
	_ =	sdelay $0x1  }
0xcc: {  	v8 =	vmul.f32 $1.000000000e+01, v11;
	v7 =	vadd.f32 $9.999999960e-13, v7;
	_ =	sdelay $0x1  }
0xcd: {  	v8 =	vadd.f32 v9, v8;
	v9 =	vmul.f32 v7, v7;
	_ =	sdelay $0x1  }
0xce: {  	v8 =	vtrunc.f32 v8;
	v7 =	vmul.f32 v9, v7  }
0xcf: {  	v8 =	vcvt.f32.s32 v8  }
0xd0: {  	(erf) = vrcp.f32 v7  }
0xd1: {  	s0 =	sadd.s32 $0x20, s0  }
0xd2: {  	v7 =	vld [tilespmem:s0+$0xFFFFFFF0];
	_ =	sdelay $0x2  }
0xd3: {  	v9 =	vmov s12;
	v8 =	vld.idx.msk [tilespmem:v8+s15+$0x0], $0xffff  }
0xd4: {  	v9 =	vshll.u32 v9, $0x3  }
0xd5: {  	v9 =	vor.u32 v0, v9;
	v7 =	vadd.s32 v2, v7  }
0xd6: {  	v10 =	vor.u32 $0x1, v9  }
0xd7: {  	v11 =	vpop (erf)  }
0xd8: {  	v8 =	vmul.f32 v11, v8;
	_ =	sdelay $0x1  }
0xd9: {  	[tilespmem:v7+s13+$0x0] =	vst.idx.add.f32.msk $0xffff, v8;
	v7 =	vor.u32 $0x2, v9  }
0xda: {  	v8 =	vld.idx.msk [tilespmem:v10+s21+$0x0], $0xffff  }
0xdb: {  	v11 =	vld.idx.msk [tilespmem:v9+s20+$0x0], $0xffff  }
0xdc: {  	v58 =	vld.idx.msk [tilespmem:v9+s21+$0x0], $0xffff  }
0xdd: {  	v10 =	vld.idx.msk [tilespmem:v10+s20+$0x0], $0xffff  }
0xde: {  	v59 =	vld.idx.msk [tilespmem:v7+s21+$0x0], $0xffff  }
0xdf: {  	v7 =	vld.idx.msk [tilespmem:v7+s20+$0x0], $0xffff  }
0xe0: {  	v9 =	vor.u32 $0x3, v9;
	_ =	sdelay $0x1  }
0xe1: {  	v11 =	vsub.f32 v11, v58;
	v8 =	vsub.f32 v10, v8;
	_ =	sdelay $0x1  }
0xe2: {  	v10 =	vmul.f32 v11, v11;
	v8 =	vmul.f32 v8, v8;
	v7 =	vsub.f32 v7, v59  }
0xe3: {  	v11 =	vld.idx.msk [tilespmem:v9+s20+$0x0], $0xffff  }
0xe4: {  	v8 =	vadd.f32 v8, v10;
	v7 =	vmul.f32 v7, v7  }
0xe5: {  	v9 =	vld.idx.msk [tilespmem:v9+s21+$0x0], $0xffff  }
0xe6: {  	v7 =	vadd.f32 v7, v8;
	_ =	sdelay $0x1  }
0xe7: {  	v8 =	vmul.f32 $1.000000000e+01, v11;
	v7 =	vadd.f32 $9.999999960e-13, v7;
	_ =	sdelay $0x1  }
0xe8: {  	v8 =	vadd.f32 v9, v8;
	v9 =	vmul.f32 v7, v7;
	_ =	sdelay $0x1  }
0xe9: {  	v8 =	vtrunc.f32 v8;
	v7 =	vmul.f32 v9, v7  }
0xea: {  	v8 =	vcvt.f32.s32 v8  }
0xeb: {  	(erf) = vrcp.f32 v7;
	_ =	sdelay $0x1  }
0xec: {  	v7 =	vld [tilespmem:s0+$0x0];
	_ =	sdelay $0x2  }
0xed: {  	v8 =	vld.idx.msk [tilespmem:v8+s15+$0x0], $0xffff;
	_ =	sdelay $0x1  }
0xee: {  	v7 =	vadd.s32 v2, v7;
	_ =	sdelay $0x1  }
0xef: {  	v9 =	vpop (erf)  }
0xf0: {  	v8 =	vmul.f32 v9, v8;
	_ =	sdelay $0x1  }
0xf1: {  	[tilespmem:v7+s13+$0x0] =	vst.idx.add.f32.msk $0xffff, v8  }
0xf2: {  	s7 =	simm.s32 $0x2A0;
	_ =	swait.ge [sflag:s2], $0xA80  }
0xf3: {  	v7 =	vmov s7;
	[sflag:s2] =	ssyncset.done $0x0  }
0xf4: {  	v7 =	vshll.u32 v7, $0x3;
	[sflag:s2] =	ssyncadd.s32 $0xFFFFF580  }
0xf5: {  	v7 =	vor.u32 v0, v7;
	_ =	swait.ge [sflag:s8], $0xA80  }
0xf6: {  	v8 =	vor.u32 $0x1, v7;
	[sflag:s8] =	ssyncset.done $0x0  }
0xf7: {  	s12 =	simm.s32 $0x540;
	[sflag:s8] =	ssyncadd.s32 $0xFFFFF580  }
0xf8: {  	[tilespmem:s14], [sflag:$0x4] =	stream.indirect.gather [hbm4b:s5+s9], $0x4, s12, s9, $0xb8;
	[tilespmem:$0xB4E0] =	vst v63  }
0xf9: {  	s18 =	simm.s32 $0x14E0  }
0xfa: {  	v9 =	vor.u32 $0x2, v7;
	[tilespmem:s16], [sflag:$0x5] =	stream.indirect.gather [hbm4b:s5+s9], $0x4, s18, s9, $0xb8;
	[tilespmem:$0xB4E0] =	vst v63  }
0xfb: {  	v10 =	vld.idx.msk [tilespmem:v8+s20+$0x0], $0xffff  }
0xfc: {  	v11 =	vld.idx.msk [tilespmem:v7+s20+$0x0], $0xffff  }
0xfd: {  	v60 =	vld.idx.msk [tilespmem:v7+s21+$0x0], $0xffff  }
0xfe: {  	v8 =	vld.idx.msk [tilespmem:v8+s21+$0x0], $0xffff  }
0xff: {  	v61 =	vld.idx.msk [tilespmem:v9+s21+$0x0], $0xffff  }
0x100: {  	v9 =	vld.idx.msk [tilespmem:v9+s20+$0x0], $0xffff  }
0x101: {  	v7 =	vor.u32 $0x3, v7;
	_ =	sdelay $0x1  }
0x102: {  	v11 =	vsub.f32 v11, v60;
	v8 =	vsub.f32 v10, v8;
	_ =	sdelay $0x1  }
0x103: {  	v9 =	vsub.f32 v9, v61;
	v10 =	vmul.f32 v11, v11;
	v8 =	vmul.f32 v8, v8  }
0x104: {  	v11 =	vld.idx.msk [tilespmem:v7+s20+$0x0], $0xffff  }
0x105: {  	v9 =	vmul.f32 v9, v9;
	v8 =	vadd.f32 v8, v10  }
0x106: {  	v7 =	vld.idx.msk [tilespmem:v7+s21+$0x0], $0xffff  }
0x107: {  	v8 =	vadd.f32 v9, v8;
	_ =	sdelay $0x1  }
0x108: {  	v9 =	vmul.f32 $1.000000000e+01, v11;
	v8 =	vadd.f32 $9.999999960e-13, v8;
	_ =	sdelay $0x1  }
0x109: {  	v7 =	vadd.f32 v7, v9;
	v9 =	vmul.f32 v8, v8;
	_ =	sdelay $0x1  }
0x10a: {  	v7 =	vtrunc.f32 v7;
	v8 =	vmul.f32 v9, v8  }
0x10b: {  	v7 =	vcvt.f32.s32 v7  }
0x10c: {  	(erf) = vrcp.f32 v8  }
0x10d: {  	s0 =	simm.s32 $0x21F0  }
0x10e: {  	v8 =	vld [tilespmem:s0+$0xFFFFFFF0];
	_ =	sdelay $0x1  }
0x10f: {  	s7 =	simm.s32 $0x2B0  }
0x110: {  	v9 =	vmov s7;
	v7 =	vld.idx.msk [tilespmem:v7+s15+$0x0], $0xffff  }
0x111: {  	v9 =	vshll.u32 v9, $0x3  }
0x112: {  	v9 =	vor.u32 v0, v9;
	v8 =	vadd.s32 v2, v8  }
0x113: {  	v10 =	vor.u32 $0x1, v9  }
0x114: {  	v11 =	vpop (erf)  }
0x115: {  	v7 =	vmul.f32 v11, v7;
	_ =	sdelay $0x1  }
0x116: {  	[tilespmem:v8+s13+$0x0] =	vst.idx.add.f32.msk $0xffff, v7;
	v7 =	vor.u32 $0x2, v9  }
0x117: {  	v8 =	vld.idx.msk [tilespmem:v10+s21+$0x0], $0xffff  }
0x118: {  	v11 =	vld.idx.msk [tilespmem:v9+s20+$0x0], $0xffff  }
0x119: {  	v62 =	vor.u32 $0x3, v9;
	v9 =	vld.idx.msk [tilespmem:v9+s21+$0x0], $0xffff  }
0x11a: {  	v10 =	vld.idx.msk [tilespmem:v10+s20+$0x0], $0xffff  }
0x11b: {  	v63 =	vld.idx.msk [tilespmem:v7+s21+$0x0], $0xffff  }
0x11c: {  	v7 =	vld.idx.msk [tilespmem:v7+s20+$0x0], $0xffff;
	_ =	sdelay $0x2  }
0x11d: {  	v9 =	vsub.f32 v11, v9;
	v8 =	vsub.f32 v10, v8  }
0x11e: {  	v14 =	vld.idx.msk [tilespmem:v62+s20+$0x0], $0xffff  }
0x11f: {  	v9 =	vmul.f32 v9, v9;
	v8 =	vmul.f32 v8, v8;
	v7 =	vsub.f32 v7, v63  }
0x120: {  	v10 =	vld.idx.msk [tilespmem:v62+s21+$0x0], $0xffff  }
0x121: {  	v8 =	vadd.f32 v8, v9;
	v7 =	vmul.f32 v7, v7;
	_ =	sdelay $0x1  }
0x122: {  	v11 =	vmul.f32 $1.000000000e+01, v14;
	v7 =	vadd.f32 v7, v8;
	_ =	sdelay $0x1  }
0x123: {  	v9 =	vadd.f32 v10, v11;
	v7 =	vadd.f32 $9.999999960e-13, v7;
	_ =	sdelay $0x1  }
0x124: {  	v8 =	vtrunc.f32 v9;
	v9 =	vmul.f32 v7, v7;
	_ =	sdelay $0x1  }
0x125: {  	v8 =	vcvt.f32.s32 v8;
	v9 =	vmul.f32 v9, v7;
	_ =	sdelay $0x1  }
0x126: {  	(erf) = vrcp.f32 v9;
	_ =	sdelay $0x1  }
0x127: {  	v7 =	vld [tilespmem:s0+$0x0]  }
0x128: {  	s18 =	simm.s32 $0x2C0  }
0x129: {  	s12 =	simm.s32 $0x2D0;
	s7 =	simm.s32 $0x2C;
	v8 =	vld.idx.msk [tilespmem:v8+s15+$0x0], $0xffff;
	v9 =	vmov s18  }
.LBB2_7:
0x12a: {  	s7 =	sadd.s32 $0x2, s7;
	v9 =	vshll.u32 v9, $0x3;
	s0 =	sadd.s32 $0x20, s0  }
0x12b: {  	p1 =	slt.u32 s7, $0x52;
	v9 =	vor.u32 v0, v9  }
0x12c: {  	v10 =	vor.u32 $0x1, v9;
	v11 =	vor.u32 $0x2, v9;
	v7 =	vadd.s32 v2, v7;
	_ =	sdelay $0x1  }
0x12d: {  	v12 =	vpop (erf)  }
0x12e: {  	v8 =	vmul.f32 v12, v8;
	_ =	sdelay $0x1  }
0x12f: {  	[tilespmem:v7+s13+$0x0] =	vst.idx.add.f32.msk $0xffff, v8  }
0x130: {  	v7 =	vld.idx.msk [tilespmem:v10+s20+$0x0], $0xffff  }
0x131: {  	v8 =	vld.idx.msk [tilespmem:v9+s20+$0x0], $0xffff  }
0x132: {  	v12 =	vld.idx.msk [tilespmem:v9+s21+$0x0], $0xffff  }
0x133: {  	v10 =	vld.idx.msk [tilespmem:v10+s21+$0x0], $0xffff  }
0x134: {  	v13 =	vld.idx.msk [tilespmem:v11+s21+$0x0], $0xffff  }
0x135: {  	v9 =	vor.u32 $0x3, v9;
	v11 =	vld.idx.msk [tilespmem:v11+s20+$0x0], $0xffff;
	_ =	sdelay $0x2  }
0x136: {  	v8 =	vsub.f32 v8, v12  }
0x137: {  	v7 =	vsub.f32 v7, v10  }
0x138: {  	v10 =	vld.idx.msk [tilespmem:v9+s20+$0x0], $0xffff  }
0x139: {  	v8 =	vmul.f32 v8, v8;
	v11 =	vsub.f32 v11, v13;
	v7 =	vmul.f32 v7, v7  }
0x13a: {  	v9 =	vld.idx.msk [tilespmem:v9+s21+$0x0], $0xffff  }
0x13b: {  	v7 =	vadd.f32 v7, v8;
	v8 =	vmul.f32 v11, v11;
	_ =	sdelay $0x1  }
0x13c: {  	v7 =	vadd.f32 v8, v7  }
0x13d: {  	v8 =	vmul.f32 $1.000000000e+01, v10  }
0x13e: {  	v7 =	vadd.f32 $9.999999960e-13, v7  }
0x13f: {  	v8 =	vadd.f32 v9, v8  }
0x140: {  	v9 =	vmul.f32 v7, v7  }
0x141: {  	v8 =	vtrunc.f32 v8  }
0x142: {  	v7 =	vmul.f32 v9, v7;
	v8 =	vcvt.f32.s32 v8;
	_ =	sdelay $0x1  }
0x143: {  	(erf) = vrcp.f32 v7;
	_ =	sdelay $0x1  }
0x144: {  	v7 =	vld [tilespmem:s0+$0xFFFFFFF0];
	_ =	sdelay $0x1  }
0x145: {  	v8 =	vld.idx.msk [tilespmem:v8+s15+$0x0], $0xffff  }
0x146: {  	v9 =	vmov s12  }
0x147: {  	v9 =	vshll.u32 v9, $0x3  }
0x148: {  	v9 =	vor.u32 v0, v9;
	v7 =	vadd.s32 v2, v7  }
0x149: {  	v10 =	vor.u32 $0x1, v9  }
0x14a: {  	v11 =	vpop (erf)  }
0x14b: {  	v8 =	vmul.f32 v11, v8;
	_ =	sdelay $0x1  }
0x14c: {  	[tilespmem:v7+s13+$0x0] =	vst.idx.add.f32.msk $0xffff, v8;
	v7 =	vor.u32 $0x2, v9  }
0x14d: {  	v8 =	vld.idx.msk [tilespmem:v10+s21+$0x0], $0xffff  }
0x14e: {  	v11 =	vld.idx.msk [tilespmem:v9+s20+$0x0], $0xffff  }
0x14f: {  	v12 =	vld.idx.msk [tilespmem:v9+s21+$0x0], $0xffff  }
0x150: {  	v10 =	vld.idx.msk [tilespmem:v10+s20+$0x0], $0xffff  }
0x151: {  	v13 =	vld.idx.msk [tilespmem:v7+s21+$0x0], $0xffff  }
0x152: {  	v9 =	vor.u32 $0x3, v9;
	v7 =	vld.idx.msk [tilespmem:v7+s20+$0x0], $0xffff;
	_ =	sdelay $0x2  }
0x153: {  	v11 =	vsub.f32 v11, v12  }
0x154: {  	v8 =	vsub.f32 v10, v8  }
0x155: {  	v10 =	vld.idx.msk [tilespmem:v9+s20+$0x0], $0xffff  }
0x156: {  	v11 =	vmul.f32 v11, v11;
	v7 =	vsub.f32 v7, v13;
	v8 =	vmul.f32 v8, v8  }
0x157: {  	v9 =	vld.idx.msk [tilespmem:v9+s21+$0x0], $0xffff  }
0x158: {  	v8 =	vadd.f32 v8, v11;
	v7 =	vmul.f32 v7, v7;
	_ =	sdelay $0x1  }
0x159: {  	v7 =	vadd.f32 v7, v8  }
0x15a: {  	v8 =	vmul.f32 $1.000000000e+01, v10  }
0x15b: {  	v7 =	vadd.f32 $9.999999960e-13, v7  }
0x15c: {  	v8 =	vadd.f32 v9, v8  }
0x15d: {  	v9 =	vmul.f32 v7, v7  }
0x15e: {  	v8 =	vtrunc.f32 v8  }
0x15f: {  	v7 =	vmul.f32 v9, v7;
	v8 =	vcvt.f32.s32 v8;
	_ =	sdelay $0x1  }
.Ltmp4:
0x160: {  	(erf) = vrcp.f32 v7;
	(pc) =	sbr.rel @p1 .LBB2_7-.Ltmp4, $4  }
0x161: {  	_ = 	snop  }
0x162: {  	s12 =	sadd.s32 $0x20, s12;
	v7 =	vld [tilespmem:s0+$0x0]  }
0x163: {  	s18 =	sadd.s32 $0xFFFFFFF0, s12  }
0x164: {  	v9 =	vmov s18;
	v8 =	vld.idx.msk [tilespmem:v8+s15+$0x0], $0xffff  }
0x165: {  	_ = 	snop  }
0x166: {  	v9 =	vshll.u32 v9, $0x3  }
0x167: {  	v9 =	vor.u32 v0, v9;
	v7 =	vadd.s32 v2, v7  }
0x168: {  	v10 =	vor.u32 $0x1, v9  }
0x169: {  	v11 =	vpop (erf)  }
0x16a: {  	v8 =	vmul.f32 v11, v8;
	_ =	sdelay $0x1  }
0x16b: {  	v11 =	vor.u32 $0x2, v9;
	[tilespmem:v7+s13+$0x0] =	vst.idx.add.f32.msk $0xffff, v8  }
0x16c: {  	v7 =	vld.idx.msk [tilespmem:v10+s20+$0x0], $0xffff  }
0x16d: {  	v8 =	vld.idx.msk [tilespmem:v9+s20+$0x0], $0xffff  }
0x16e: {  	v12 =	vld.idx.msk [tilespmem:v9+s21+$0x0], $0xffff  }
0x16f: {  	v10 =	vld.idx.msk [tilespmem:v10+s21+$0x0], $0xffff  }
0x170: {  	v13 =	vld.idx.msk [tilespmem:v11+s21+$0x0], $0xffff  }
0x171: {  	v11 =	vld.idx.msk [tilespmem:v11+s20+$0x0], $0xffff  }
0x172: {  	v9 =	vor.u32 $0x3, v9;
	_ =	sdelay $0x1  }
0x173: {  	v8 =	vsub.f32 v8, v12;
	v7 =	vsub.f32 v7, v10;
	_ =	sdelay $0x1  }
0x174: {  	v10 =	vsub.f32 v11, v13;
	v8 =	vmul.f32 v8, v8;
	v7 =	vmul.f32 v7, v7  }
0x175: {  	v11 =	vld.idx.msk [tilespmem:v9+s20+$0x0], $0xffff  }
0x176: {  	v7 =	vadd.f32 v7, v8;
	v8 =	vmul.f32 v10, v10  }
0x177: {  	v9 =	vld.idx.msk [tilespmem:v9+s21+$0x0], $0xffff  }
0x178: {  	v7 =	vadd.f32 v8, v7;
	_ =	sdelay $0x1  }
0x179: {  	v8 =	vmul.f32 $1.000000000e+01, v11;
	v7 =	vadd.f32 $9.999999960e-13, v7;
	_ =	sdelay $0x1  }
0x17a: {  	v8 =	vadd.f32 v9, v8;
	v9 =	vmul.f32 v7, v7;
	_ =	sdelay $0x1  }
0x17b: {  	v8 =	vtrunc.f32 v8;
	v7 =	vmul.f32 v9, v7  }
0x17c: {  	v8 =	vcvt.f32.s32 v8  }
0x17d: {  	(erf) = vrcp.f32 v7  }
0x17e: {  	s0 =	sadd.s32 $0x20, s0  }
0x17f: {  	v7 =	vld [tilespmem:s0+$0xFFFFFFF0];
	_ =	sdelay $0x2  }
0x180: {  	v9 =	vmov s12;
	v8 =	vld.idx.msk [tilespmem:v8+s15+$0x0], $0xffff  }
0x181: {  	v9 =	vshll.u32 v9, $0x3  }
0x182: {  	v9 =	vor.u32 v0, v9;
	v7 =	vadd.s32 v2, v7  }
0x183: {  	v10 =	vor.u32 $0x1, v9  }
0x184: {  	v11 =	vpop (erf)  }
0x185: {  	v8 =	vmul.f32 v11, v8;
	_ =	sdelay $0x1  }
0x186: {  	[tilespmem:v7+s13+$0x0] =	vst.idx.add.f32.msk $0xffff, v8;
	v7 =	vor.u32 $0x2, v9  }
0x187: {  	v8 =	vld.idx.msk [tilespmem:v10+s21+$0x0], $0xffff  }
0x188: {  	v11 =	vld.idx.msk [tilespmem:v9+s20+$0x0], $0xffff  }
0x189: {  	v58 =	vld.idx.msk [tilespmem:v9+s21+$0x0], $0xffff  }
0x18a: {  	v10 =	vld.idx.msk [tilespmem:v10+s20+$0x0], $0xffff  }
0x18b: {  	v59 =	vld.idx.msk [tilespmem:v7+s21+$0x0], $0xffff  }
0x18c: {  	v7 =	vld.idx.msk [tilespmem:v7+s20+$0x0], $0xffff  }
0x18d: {  	v9 =	vor.u32 $0x3, v9;
	_ =	sdelay $0x1  }
0x18e: {  	v11 =	vsub.f32 v11, v58;
	v8 =	vsub.f32 v10, v8;
	_ =	sdelay $0x1  }
0x18f: {  	v10 =	vmul.f32 v11, v11;
	v8 =	vmul.f32 v8, v8;
	v7 =	vsub.f32 v7, v59  }
0x190: {  	v11 =	vld.idx.msk [tilespmem:v9+s20+$0x0], $0xffff  }
0x191: {  	v8 =	vadd.f32 v8, v10;
	v7 =	vmul.f32 v7, v7  }
0x192: {  	v9 =	vld.idx.msk [tilespmem:v9+s21+$0x0], $0xffff  }
0x193: {  	v7 =	vadd.f32 v7, v8;
	_ =	sdelay $0x1  }
0x194: {  	v8 =	vmul.f32 $1.000000000e+01, v11;
	v7 =	vadd.f32 $9.999999960e-13, v7;
	_ =	sdelay $0x1  }
0x195: {  	v8 =	vadd.f32 v9, v8;
	v9 =	vmul.f32 v7, v7;
	_ =	sdelay $0x1  }
0x196: {  	v8 =	vtrunc.f32 v8;
	v7 =	vmul.f32 v9, v7  }
0x197: {  	v8 =	vcvt.f32.s32 v8  }
0x198: {  	(erf) = vrcp.f32 v7;
	_ =	sdelay $0x1  }
0x199: {  	v7 =	vld [tilespmem:s0+$0x0];
	_ =	sdelay $0x2  }
0x19a: {  	v8 =	vld.idx.msk [tilespmem:v8+s15+$0x0], $0xffff;
	_ =	sdelay $0x1  }
0x19b: {  	v7 =	vadd.s32 v2, v7;
	_ =	sdelay $0x1  }
0x19c: {  	v9 =	vpop (erf)  }
0x19d: {  	s18 =	simm.s32 $0x540;
	v8 =	vmul.f32 v9, v8  }
0x19e: {  	v9 =	vmov s18  }
0x19f: {  	[tilespmem:v7+s13+$0x0] =	vst.idx.add.f32.msk $0xffff, v8;
	v7 =	vshll.u32 v9, $0x3  }
0x1a0: {  	_ =	swait.ge [sflag:s25], $0xA40;
	v7 =	vor.u32 v0, v7  }
0x1a1: {  	[sflag:s25] =	ssyncset.done $0x0;
	v8 =	vor.u32 $0x1, v7  }
0x1a2: {  	[sflag:s25] =	ssyncadd.s32 $0xFFFFF5C0  }
0x1a3: {  	_ =	swait.ge [sflag:s26], $0xA40  }
0x1a4: {  	[sflag:s26] =	ssyncset.done $0x0  }
0x1a5: {  	v9 =	vor.u32 $0x2, v7;
	[sflag:s26] =	ssyncadd.s32 $0xFFFFF5C0  }
0x1a6: {  	v10 =	vld.idx.msk [tilespmem:v8+s20+$0x0], $0xffff  }
0x1a7: {  	v11 =	vld.idx.msk [tilespmem:v7+s20+$0x0], $0xffff  }
0x1a8: {  	v60 =	vld.idx.msk [tilespmem:v7+s21+$0x0], $0xffff  }
0x1a9: {  	v8 =	vld.idx.msk [tilespmem:v8+s21+$0x0], $0xffff  }
0x1aa: {  	v61 =	vld.idx.msk [tilespmem:v9+s21+$0x0], $0xffff  }
0x1ab: {  	v9 =	vld.idx.msk [tilespmem:v9+s20+$0x0], $0xffff  }
0x1ac: {  	v7 =	vor.u32 $0x3, v7;
	_ =	sdelay $0x1  }
0x1ad: {  	v11 =	vsub.f32 v11, v60;
	v8 =	vsub.f32 v10, v8;
	_ =	sdelay $0x1  }
0x1ae: {  	v9 =	vsub.f32 v9, v61;
	v10 =	vmul.f32 v11, v11;
	v8 =	vmul.f32 v8, v8  }
0x1af: {  	v11 =	vld.idx.msk [tilespmem:v7+s20+$0x0], $0xffff  }
0x1b0: {  	v9 =	vmul.f32 v9, v9;
	v8 =	vadd.f32 v8, v10  }
0x1b1: {  	v7 =	vld.idx.msk [tilespmem:v7+s21+$0x0], $0xffff  }
0x1b2: {  	v8 =	vadd.f32 v9, v8;
	_ =	sdelay $0x1  }
0x1b3: {  	v9 =	vmul.f32 $1.000000000e+01, v11;
	v8 =	vadd.f32 $9.999999960e-13, v8;
	_ =	sdelay $0x1  }
0x1b4: {  	v7 =	vadd.f32 v7, v9;
	v9 =	vmul.f32 v8, v8;
	_ =	sdelay $0x1  }
0x1b5: {  	v7 =	vtrunc.f32 v7;
	v8 =	vmul.f32 v9, v8  }
0x1b6: {  	v7 =	vcvt.f32.s32 v7  }
0x1b7: {  	(erf) = vrcp.f32 v8  }
0x1b8: {  	s0 =	simm.s32 $0x2490  }
0x1b9: {  	v8 =	vld [tilespmem:s0+$0xFFFFFFF0];
	_ =	sdelay $0x1  }
0x1ba: {  	s7 =	simm.s32 $0x550  }
0x1bb: {  	v9 =	vmov s7;
	v7 =	vld.idx.msk [tilespmem:v7+s15+$0x0], $0xffff  }
0x1bc: {  	v9 =	vshll.u32 v9, $0x3  }
0x1bd: {  	v9 =	vor.u32 v0, v9;
	v8 =	vadd.s32 v2, v8  }
0x1be: {  	v10 =	vor.u32 $0x1, v9  }
0x1bf: {  	v11 =	vpop (erf)  }
0x1c0: {  	v7 =	vmul.f32 v11, v7;
	_ =	sdelay $0x1  }
0x1c1: {  	[tilespmem:v8+s13+$0x0] =	vst.idx.add.f32.msk $0xffff, v7;
	v7 =	vor.u32 $0x2, v9  }
0x1c2: {  	v8 =	vld.idx.msk [tilespmem:v10+s21+$0x0], $0xffff  }
0x1c3: {  	v11 =	vld.idx.msk [tilespmem:v9+s20+$0x0], $0xffff  }
0x1c4: {  	v62 =	vor.u32 $0x3, v9;
	v9 =	vld.idx.msk [tilespmem:v9+s21+$0x0], $0xffff  }
0x1c5: {  	v10 =	vld.idx.msk [tilespmem:v10+s20+$0x0], $0xffff  }
0x1c6: {  	v63 =	vld.idx.msk [tilespmem:v7+s21+$0x0], $0xffff  }
0x1c7: {  	v7 =	vld.idx.msk [tilespmem:v7+s20+$0x0], $0xffff;
	_ =	sdelay $0x2  }
0x1c8: {  	v9 =	vsub.f32 v11, v9;
	v8 =	vsub.f32 v10, v8  }
0x1c9: {  	v14 =	vld.idx.msk [tilespmem:v62+s20+$0x0], $0xffff  }
0x1ca: {  	v9 =	vmul.f32 v9, v9;
	v8 =	vmul.f32 v8, v8;
	v7 =	vsub.f32 v7, v63  }
0x1cb: {  	v10 =	vld.idx.msk [tilespmem:v62+s21+$0x0], $0xffff  }
0x1cc: {  	v8 =	vadd.f32 v8, v9;
	v7 =	vmul.f32 v7, v7;
	_ =	sdelay $0x1  }
0x1cd: {  	v11 =	vmul.f32 $1.000000000e+01, v14;
	v7 =	vadd.f32 v7, v8;
	_ =	sdelay $0x1  }
0x1ce: {  	v9 =	vadd.f32 v10, v11;
	v7 =	vadd.f32 $9.999999960e-13, v7;
	_ =	sdelay $0x1  }
0x1cf: {  	v8 =	vtrunc.f32 v9;
	v9 =	vmul.f32 v7, v7;
	_ =	sdelay $0x1  }
0x1d0: {  	v8 =	vcvt.f32.s32 v8;
	v9 =	vmul.f32 v9, v7;
	_ =	sdelay $0x1  }
0x1d1: {  	(erf) = vrcp.f32 v9;
	_ =	sdelay $0x1  }
0x1d2: {  	v7 =	vld [tilespmem:s0+$0x0]  }
0x1d3: {  	s18 =	simm.s32 $0x560  }
0x1d4: {  	s12 =	simm.s32 $0x570;
	s7 =	simm.s32 $0x56;
	v8 =	vld.idx.msk [tilespmem:v8+s15+$0x0], $0xffff;
	v9 =	vmov s18  }
.LBB2_9:
0x1d5: {  	s7 =	sadd.s32 $0x2, s7;
	v9 =	vshll.u32 v9, $0x3;
	s0 =	sadd.s32 $0x20, s0  }
0x1d6: {  	p1 =	slt.u32 s7, $0x7A;
	v9 =	vor.u32 v0, v9  }
0x1d7: {  	v10 =	vor.u32 $0x1, v9;
	v11 =	vor.u32 $0x2, v9;
	v7 =	vadd.s32 v2, v7;
	_ =	sdelay $0x1  }
0x1d8: {  	v12 =	vpop (erf)  }
0x1d9: {  	v8 =	vmul.f32 v12, v8;
	_ =	sdelay $0x1  }
0x1da: {  	[tilespmem:v7+s13+$0x0] =	vst.idx.add.f32.msk $0xffff, v8  }
0x1db: {  	v7 =	vld.idx.msk [tilespmem:v10+s20+$0x0], $0xffff  }
0x1dc: {  	v8 =	vld.idx.msk [tilespmem:v9+s20+$0x0], $0xffff  }
0x1dd: {  	v12 =	vld.idx.msk [tilespmem:v9+s21+$0x0], $0xffff  }
0x1de: {  	v10 =	vld.idx.msk [tilespmem:v10+s21+$0x0], $0xffff  }
0x1df: {  	v13 =	vld.idx.msk [tilespmem:v11+s21+$0x0], $0xffff  }
0x1e0: {  	v9 =	vor.u32 $0x3, v9;
	v11 =	vld.idx.msk [tilespmem:v11+s20+$0x0], $0xffff;
	_ =	sdelay $0x2  }
0x1e1: {  	v8 =	vsub.f32 v8, v12  }
0x1e2: {  	v7 =	vsub.f32 v7, v10  }
0x1e3: {  	v10 =	vld.idx.msk [tilespmem:v9+s20+$0x0], $0xffff  }
0x1e4: {  	v8 =	vmul.f32 v8, v8;
	v11 =	vsub.f32 v11, v13;
	v7 =	vmul.f32 v7, v7  }
0x1e5: {  	v9 =	vld.idx.msk [tilespmem:v9+s21+$0x0], $0xffff  }
0x1e6: {  	v7 =	vadd.f32 v7, v8;
	v8 =	vmul.f32 v11, v11;
	_ =	sdelay $0x1  }
0x1e7: {  	v7 =	vadd.f32 v8, v7  }
0x1e8: {  	v8 =	vmul.f32 $1.000000000e+01, v10  }
0x1e9: {  	v7 =	vadd.f32 $9.999999960e-13, v7  }
0x1ea: {  	v8 =	vadd.f32 v9, v8  }
0x1eb: {  	v9 =	vmul.f32 v7, v7  }
0x1ec: {  	v8 =	vtrunc.f32 v8  }
0x1ed: {  	v7 =	vmul.f32 v9, v7;
	v8 =	vcvt.f32.s32 v8;
	_ =	sdelay $0x1  }
0x1ee: {  	(erf) = vrcp.f32 v7;
	_ =	sdelay $0x1  }
0x1ef: {  	v7 =	vld [tilespmem:s0+$0xFFFFFFF0];
	_ =	sdelay $0x1  }
0x1f0: {  	v8 =	vld.idx.msk [tilespmem:v8+s15+$0x0], $0xffff  }
0x1f1: {  	v9 =	vmov s12  }
0x1f2: {  	v9 =	vshll.u32 v9, $0x3  }
0x1f3: {  	v9 =	vor.u32 v0, v9;
	v7 =	vadd.s32 v2, v7  }
0x1f4: {  	v10 =	vor.u32 $0x1, v9  }
0x1f5: {  	v11 =	vpop (erf)  }
0x1f6: {  	v8 =	vmul.f32 v11, v8;
	_ =	sdelay $0x1  }
0x1f7: {  	[tilespmem:v7+s13+$0x0] =	vst.idx.add.f32.msk $0xffff, v8;
	v7 =	vor.u32 $0x2, v9  }
0x1f8: {  	v8 =	vld.idx.msk [tilespmem:v10+s21+$0x0], $0xffff  }
0x1f9: {  	v11 =	vld.idx.msk [tilespmem:v9+s20+$0x0], $0xffff  }
0x1fa: {  	v12 =	vld.idx.msk [tilespmem:v9+s21+$0x0], $0xffff  }
0x1fb: {  	v10 =	vld.idx.msk [tilespmem:v10+s20+$0x0], $0xffff  }
0x1fc: {  	v13 =	vld.idx.msk [tilespmem:v7+s21+$0x0], $0xffff  }
0x1fd: {  	v9 =	vor.u32 $0x3, v9;
	v7 =	vld.idx.msk [tilespmem:v7+s20+$0x0], $0xffff;
	_ =	sdelay $0x2  }
0x1fe: {  	v11 =	vsub.f32 v11, v12  }
0x1ff: {  	v8 =	vsub.f32 v10, v8  }
0x200: {  	v10 =	vld.idx.msk [tilespmem:v9+s20+$0x0], $0xffff  }
0x201: {  	v11 =	vmul.f32 v11, v11;
	v7 =	vsub.f32 v7, v13;
	v8 =	vmul.f32 v8, v8  }
0x202: {  	v9 =	vld.idx.msk [tilespmem:v9+s21+$0x0], $0xffff  }
0x203: {  	v8 =	vadd.f32 v8, v11;
	v7 =	vmul.f32 v7, v7;
	_ =	sdelay $0x1  }
0x204: {  	v7 =	vadd.f32 v7, v8  }
0x205: {  	v8 =	vmul.f32 $1.000000000e+01, v10  }
0x206: {  	v7 =	vadd.f32 $9.999999960e-13, v7  }
0x207: {  	v8 =	vadd.f32 v9, v8  }
0x208: {  	v9 =	vmul.f32 v7, v7  }
0x209: {  	v8 =	vtrunc.f32 v8  }
0x20a: {  	v7 =	vmul.f32 v9, v7;
	v8 =	vcvt.f32.s32 v8;
	_ =	sdelay $0x1  }
.Ltmp5:
0x20b: {  	(erf) = vrcp.f32 v7;
	(pc) =	sbr.rel @p1 .LBB2_9-.Ltmp5, $4  }
0x20c: {  	_ = 	snop  }
0x20d: {  	s12 =	sadd.s32 $0x20, s12;
	v7 =	vld [tilespmem:s0+$0x0]  }
0x20e: {  	s18 =	sadd.s32 $0xFFFFFFF0, s12  }
0x20f: {  	v9 =	vmov s18;
	v8 =	vld.idx.msk [tilespmem:v8+s15+$0x0], $0xffff  }
0x210: {  	_ = 	snop  }
0x211: {  	v9 =	vshll.u32 v9, $0x3  }
0x212: {  	v9 =	vor.u32 v0, v9;
	v7 =	vadd.s32 v2, v7  }
0x213: {  	v10 =	vor.u32 $0x1, v9  }
0x214: {  	v11 =	vpop (erf)  }
0x215: {  	v8 =	vmul.f32 v11, v8;
	_ =	sdelay $0x1  }
0x216: {  	v11 =	vor.u32 $0x2, v9;
	[tilespmem:v7+s13+$0x0] =	vst.idx.add.f32.msk $0xffff, v8  }
0x217: {  	v7 =	vld.idx.msk [tilespmem:v10+s20+$0x0], $0xffff  }
0x218: {  	v8 =	vld.idx.msk [tilespmem:v9+s20+$0x0], $0xffff  }
0x219: {  	v12 =	vld.idx.msk [tilespmem:v9+s21+$0x0], $0xffff  }
0x21a: {  	v10 =	vld.idx.msk [tilespmem:v10+s21+$0x0], $0xffff  }
0x21b: {  	v13 =	vld.idx.msk [tilespmem:v11+s21+$0x0], $0xffff  }
0x21c: {  	v11 =	vld.idx.msk [tilespmem:v11+s20+$0x0], $0xffff  }
0x21d: {  	v9 =	vor.u32 $0x3, v9;
	_ =	sdelay $0x1  }
0x21e: {  	v8 =	vsub.f32 v8, v12;
	v7 =	vsub.f32 v7, v10;
	_ =	sdelay $0x1  }
0x21f: {  	v10 =	vsub.f32 v11, v13;
	v8 =	vmul.f32 v8, v8;
	v7 =	vmul.f32 v7, v7  }
0x220: {  	v11 =	vld.idx.msk [tilespmem:v9+s20+$0x0], $0xffff  }
0x221: {  	v7 =	vadd.f32 v7, v8;
	v8 =	vmul.f32 v10, v10  }
0x222: {  	v9 =	vld.idx.msk [tilespmem:v9+s21+$0x0], $0xffff  }
0x223: {  	v7 =	vadd.f32 v8, v7;
	_ =	sdelay $0x1  }
0x224: {  	v8 =	vmul.f32 $1.000000000e+01, v11;
	v7 =	vadd.f32 $9.999999960e-13, v7;
	_ =	sdelay $0x1  }
0x225: {  	v8 =	vadd.f32 v9, v8;
	v9 =	vmul.f32 v7, v7;
	_ =	sdelay $0x1  }
0x226: {  	v8 =	vtrunc.f32 v8;
	v7 =	vmul.f32 v9, v7  }
0x227: {  	v8 =	vcvt.f32.s32 v8  }
0x228: {  	(erf) = vrcp.f32 v7  }
0x229: {  	s0 =	sadd.s32 $0x20, s0  }
0x22a: {  	v7 =	vld [tilespmem:s0+$0xFFFFFFF0];
	_ =	sdelay $0x2  }
0x22b: {  	v9 =	vmov s12;
	v8 =	vld.idx.msk [tilespmem:v8+s15+$0x0], $0xffff  }
0x22c: {  	v9 =	vshll.u32 v9, $0x3  }
0x22d: {  	v9 =	vor.u32 v0, v9;
	v7 =	vadd.s32 v2, v7  }
0x22e: {  	v10 =	vor.u32 $0x1, v9  }
0x22f: {  	v11 =	vpop (erf)  }
0x230: {  	v8 =	vmul.f32 v11, v8;
	_ =	sdelay $0x1  }
0x231: {  	[tilespmem:v7+s13+$0x0] =	vst.idx.add.f32.msk $0xffff, v8;
	v7 =	vor.u32 $0x2, v9  }
0x232: {  	v8 =	vld.idx.msk [tilespmem:v10+s21+$0x0], $0xffff  }
0x233: {  	v11 =	vld.idx.msk [tilespmem:v9+s20+$0x0], $0xffff  }
0x234: {  	v57 =	vld.idx.msk [tilespmem:v9+s21+$0x0], $0xffff  }
0x235: {  	v10 =	vld.idx.msk [tilespmem:v10+s20+$0x0], $0xffff  }
0x236: {  	v58 =	vld.idx.msk [tilespmem:v7+s21+$0x0], $0xffff  }
0x237: {  	v7 =	vld.idx.msk [tilespmem:v7+s20+$0x0], $0xffff  }
0x238: {  	v9 =	vor.u32 $0x3, v9;
	_ =	sdelay $0x1  }
0x239: {  	v11 =	vsub.f32 v11, v57;
	v8 =	vsub.f32 v10, v8;
	_ =	sdelay $0x1  }
0x23a: {  	v10 =	vmul.f32 v11, v11;
	v8 =	vmul.f32 v8, v8;
	v7 =	vsub.f32 v7, v58  }
0x23b: {  	v11 =	vld.idx.msk [tilespmem:v9+s20+$0x0], $0xffff  }
0x23c: {  	v8 =	vadd.f32 v8, v10;
	v7 =	vmul.f32 v7, v7  }
0x23d: {  	v9 =	vld.idx.msk [tilespmem:v9+s21+$0x0], $0xffff  }
0x23e: {  	v7 =	vadd.f32 v7, v8;
	_ =	sdelay $0x1  }
0x23f: {  	v8 =	vmul.f32 $1.000000000e+01, v11;
	v7 =	vadd.f32 $9.999999960e-13, v7;
	_ =	sdelay $0x1  }
0x240: {  	v8 =	vadd.f32 v9, v8;
	v9 =	vmul.f32 v7, v7;
	_ =	sdelay $0x1  }
0x241: {  	v8 =	vtrunc.f32 v8;
	v7 =	vmul.f32 v9, v7  }
0x242: {  	v8 =	vcvt.f32.s32 v8  }
0x243: {  	(erf) = vrcp.f32 v7;
	_ =	sdelay $0x1  }
0x244: {  	v7 =	vld [tilespmem:s0+$0x0];
	_ =	sdelay $0x2  }
0x245: {  	v8 =	vld.idx.msk [tilespmem:v8+s15+$0x0], $0xffff;
	_ =	sdelay $0x1  }
0x246: {  	v7 =	vadd.s32 v2, v7;
	_ =	sdelay $0x1  }
0x247: {  	v9 =	vpop (erf)  }
0x248: {  	v8 =	vmul.f32 v9, v8;
	_ =	sdelay $0x1  }
0x249: {  	[tilespmem:v7+s13+$0x0] =	vst.idx.add.f32.msk $0xffff, v8  }
0x24a: {  	v7 =	vld.idx.msk [tilespmem:v3+s20+$0x0], $0xffff  }
0x24b: {  	v8 =	vld.idx.msk [tilespmem:v4+s20+$0x0], $0xffff  }
0x24c: {  	v9 =	vld.idx.msk [tilespmem:v3+s21+$0x0], $0xffff  }
0x24d: {  	v10 =	vld.idx.msk [tilespmem:v4+s21+$0x0], $0xffff  }
0x24e: {  	v11 =	vld.idx.msk [tilespmem:v5+s20+$0x0], $0xffff  }
0x24f: {  	v59 =	vld.idx.msk [tilespmem:v5+s21+$0x0], $0xffff;
	_ =	sdelay $0x2  }
0x250: {  	v7 =	vsub.f32 v7, v9;
	v8 =	vsub.f32 v8, v10;
	_ =	sdelay $0x1  }
0x251: {  	v9 =	vsub.f32 v11, v59;
	v7 =	vmul.f32 v7, v7;
	v8 =	vmul.f32 v8, v8  }
0x252: {  	v10 =	vld.idx.msk [tilespmem:v6+s20+$0x0], $0xffff  }
0x253: {  	v7 =	vadd.f32 v8, v7;
	v8 =	vmul.f32 v9, v9  }
0x254: {  	v9 =	vld.idx.msk [tilespmem:v6+s21+$0x0], $0xffff  }
0x255: {  	v7 =	vadd.f32 v8, v7;
	_ =	sdelay $0x1  }
0x256: {  	v8 =	vmul.f32 $1.000000000e+01, v10;
	v7 =	vadd.f32 $9.999999960e-13, v7;
	_ =	sdelay $0x1  }
0x257: {  	v8 =	vadd.f32 v9, v8;
	v10 =	vmul.f32 v7, v7;
	_ =	sdelay $0x1  }
0x258: {  	v8 =	vtrunc.f32 v8;
	v7 =	vmul.f32 v10, v7  }
0x259: {  	v8 =	vcvt.f32.s32 v8  }
0x25a: {  	(erf) = vrcp.f32 v7;
	_ =	sdelay $0x1  }
0x25b: {  	v7 =	vld [tilespmem:$0x2700];
	_ =	sdelay $0x2  }
0x25c: {  	v8 =	vld.idx.msk [tilespmem:v8+s15+$0x0], $0xffff;
	_ =	sdelay $0x1  }
0x25d: {  	v7 =	vadd.s32 v2, v7  }
0x25e: {  	s12 =	sshll.u32 s24, $0x1  }
0x25f: {  	s0 =	smin.u32 s12, $0x61;
	v9 =	vpop (erf)  }
0x260: {  	s0 =	smul.u32 $0x7D0, s0;
	v8 =	vmul.f32 v9, v8;
	_ =	sdelay $0x1  }
0x261: {  	s0 =	sadd.s32 s0, s11;
	[tilespmem:v7+s13+$0x0] =	vst.idx.add.f32.msk $0xffff, v8  }
0x262: {  	[tilespmem:s20], [sflag:$0x4] =	stream.indirect.gather [hbm4b:s5+s19], $0x4, s22, s19, $0xb8;
	[tilespmem:$0xB4E0] =	vst v63  }
0x263: {  	s0 =	sshrl.u32 s0, $0x3  }
0x264: {  	[tilespmem:s21], [sflag:$0x5] =	stream.indirect.gather [hbm4b:s5+s19], $0x4, s23, s19, $0xb8;
	[tilespmem:$0xB4E0] =	vst v63  }
0x265: {  	s7 =	sadd.s32 s6, s0  }
0x266: {  	[tilespmem:s4], [sflag:$0x1] =	stream.linear.gather [hbm4b:s7+s4], $0x7D0, $0x38;
	[tilespmem:$0xB4E0] =	vst v63  }
0x267: {  	s7 =	sadd.s32 $0xC3500, s7  }
0x268: {  	[tilespmem:s17], [sflag:$0x2] =	stream.linear.gather [hbm4b:s7+s4], $0x7D0, $0x38;
	[tilespmem:$0xB4E0] =	vst v63  }
0x269: {  	s18 =	simm.s32 $0x1F40;
	s0 =	sadd.s32 s1, s0  }
0x26a: {  	[tilespmem:s18], [sflag:$0x3] =	stream.linear.gather [hbm4b:s0+s4], $0x7D0, $0x38;
	[tilespmem:$0xB4E0] =	vst v63  }
0x26b: {  	_ =	swait.ge [sflag:s25], $0xA80  }
0x26c: {  	[sflag:s25] =	ssyncset.done $0x0  }
0x26d: {  	[sflag:s25] =	ssyncadd.s32 $0xFFFFF580  }
0x26e: {  	_ =	swait.ge [sflag:s26], $0xA80  }
0x26f: {  	[sflag:s26] =	ssyncset.done $0x0  }
0x270: {  	[sflag:s26] =	ssyncadd.s32 $0xFFFFF580  }
0x271: {  	_ =	swait.ge [sflag:s28], $0x7D0  }
0x272: {  	[sflag:s28] =	ssyncset.done $0x0  }
0x273: {  	[sflag:s28] =	ssyncadd.s32 $0xFFFFF830  }
0x274: {  	s12 =	simm.s32 $0x0;
	_ =	swait.ge [sflag:s29], $0x7D0  }
0x275: {  	v7 =	vmov s12;
	[sflag:s29] =	ssyncset.done $0x0  }
0x276: {  	v7 =	vshll.u32 v7, $0x3;
	[sflag:s29] =	ssyncadd.s32 $0xFFFFF830  }
0x277: {  	v7 =	vor.u32 v0, v7;
	_ =	swait.ge [sflag:s30], $0x7D0  }
0x278: {  	v8 =	vor.u32 $0x1, v7;
	[sflag:s30] =	ssyncset.done $0x0  }
0x279: {  	s18 =	simm.s32 $0xA70;
	[sflag:s30] =	ssyncadd.s32 $0xFFFFF830  }
0x27a: {  	[tilespmem:s31], [sflag:$0x6] =	stream.indirect.gather [hbm4b:s5+s19], $0x4, s18, s19, $0xb8;
	[tilespmem:$0xB4E0] =	vst v63  }
0x27b: {  	s7 =	simm.s32 $0x1A10  }
0x27c: {  	v9 =	vor.u32 $0x2, v7;
	[tilespmem:s3], [sflag:$0x7] =	stream.indirect.gather [hbm4b:s5+s19], $0x4, s7, s19, $0xb8;
	[tilespmem:$0xB4E0] =	vst v63  }
0x27d: {  	v10 =	vld.idx.msk [tilespmem:v8+s20+$0x0], $0xffff  }
0x27e: {  	v11 =	vld.idx.msk [tilespmem:v7+s20+$0x0], $0xffff  }
0x27f: {  	v60 =	vld.idx.msk [tilespmem:v7+s21+$0x0], $0xffff  }
0x280: {  	v8 =	vld.idx.msk [tilespmem:v8+s21+$0x0], $0xffff  }
0x281: {  	v61 =	vld.idx.msk [tilespmem:v9+s21+$0x0], $0xffff  }
0x282: {  	v9 =	vld.idx.msk [tilespmem:v9+s20+$0x0], $0xffff  }
0x283: {  	v7 =	vor.u32 $0x3, v7;
	_ =	sdelay $0x1  }
0x284: {  	v11 =	vsub.f32 v11, v60;
	v8 =	vsub.f32 v10, v8;
	_ =	sdelay $0x1  }
0x285: {  	v9 =	vsub.f32 v9, v61;
	v10 =	vmul.f32 v11, v11;
	v8 =	vmul.f32 v8, v8  }
0x286: {  	v11 =	vld.idx.msk [tilespmem:v7+s20+$0x0], $0xffff  }
0x287: {  	v9 =	vmul.f32 v9, v9;
	v8 =	vadd.f32 v8, v10  }
0x288: {  	v7 =	vld.idx.msk [tilespmem:v7+s21+$0x0], $0xffff  }
0x289: {  	v8 =	vadd.f32 v9, v8;
	_ =	sdelay $0x1  }
0x28a: {  	v9 =	vmul.f32 $1.000000000e+01, v11;
	v8 =	vadd.f32 $9.999999960e-13, v8;
	_ =	sdelay $0x1  }
0x28b: {  	v7 =	vadd.f32 v7, v9;
	v9 =	vmul.f32 v8, v8;
	_ =	sdelay $0x1  }
0x28c: {  	v7 =	vtrunc.f32 v7;
	v8 =	vmul.f32 v9, v8  }
0x28d: {  	v7 =	vcvt.f32.s32 v7  }
0x28e: {  	(erf) = vrcp.f32 v8  }
0x28f: {  	s0 =	simm.s32 $0x2720  }
0x290: {  	v8 =	vld [tilespmem:s0+$0xFFFFFFF0];
	_ =	sdelay $0x1  }
0x291: {  	s12 =	simm.s32 $0x10  }
0x292: {  	v9 =	vmov s12;
	v7 =	vld.idx.msk [tilespmem:v7+s15+$0x0], $0xffff  }
0x293: {  	v9 =	vshll.u32 v9, $0x3  }
0x294: {  	v9 =	vor.u32 v0, v9;
	v8 =	vadd.s32 v2, v8  }
0x295: {  	v10 =	vor.u32 $0x1, v9  }
0x296: {  	v11 =	vpop (erf)  }
0x297: {  	v7 =	vmul.f32 v11, v7;
	_ =	sdelay $0x1  }
0x298: {  	[tilespmem:v8+s13+$0x0] =	vst.idx.add.f32.msk $0xffff, v7;
	v7 =	vor.u32 $0x2, v9  }
0x299: {  	v8 =	vld.idx.msk [tilespmem:v10+s21+$0x0], $0xffff  }
0x29a: {  	v11 =	vld.idx.msk [tilespmem:v9+s20+$0x0], $0xffff  }
0x29b: {  	v62 =	vor.u32 $0x3, v9;
	v9 =	vld.idx.msk [tilespmem:v9+s21+$0x0], $0xffff  }
0x29c: {  	v10 =	vld.idx.msk [tilespmem:v10+s20+$0x0], $0xffff  }
0x29d: {  	v63 =	vld.idx.msk [tilespmem:v7+s21+$0x0], $0xffff  }
0x29e: {  	v7 =	vld.idx.msk [tilespmem:v7+s20+$0x0], $0xffff;
	_ =	sdelay $0x2  }
0x29f: {  	v9 =	vsub.f32 v11, v9;
	v8 =	vsub.f32 v10, v8  }
0x2a0: {  	v14 =	vld.idx.msk [tilespmem:v62+s20+$0x0], $0xffff  }
0x2a1: {  	v9 =	vmul.f32 v9, v9;
	v8 =	vmul.f32 v8, v8;
	v7 =	vsub.f32 v7, v63  }
0x2a2: {  	v10 =	vld.idx.msk [tilespmem:v62+s21+$0x0], $0xffff  }
0x2a3: {  	v8 =	vadd.f32 v8, v9;
	v7 =	vmul.f32 v7, v7;
	_ =	sdelay $0x1  }
0x2a4: {  	v11 =	vmul.f32 $1.000000000e+01, v14;
	v7 =	vadd.f32 v7, v8;
	_ =	sdelay $0x1  }
0x2a5: {  	v9 =	vadd.f32 v10, v11;
	v7 =	vadd.f32 $9.999999960e-13, v7;
	_ =	sdelay $0x1  }
0x2a6: {  	v8 =	vtrunc.f32 v9;
	v9 =	vmul.f32 v7, v7;
	_ =	sdelay $0x1  }
0x2a7: {  	v8 =	vcvt.f32.s32 v8;
	v9 =	vmul.f32 v9, v7;
	_ =	sdelay $0x1  }
0x2a8: {  	(erf) = vrcp.f32 v9;
	_ =	sdelay $0x1  }
0x2a9: {  	v7 =	vld [tilespmem:s0+$0x0]  }
0x2aa: {  	s18 =	simm.s32 $0x20  }
0x2ab: {  	s7 =	simm.s32 $0x2;
	s12 =	simm.s32 $0x30;
	v8 =	vld.idx.msk [tilespmem:v8+s15+$0x0], $0xffff;
	v9 =	vmov s18  }
.LBB2_11:
0x2ac: {  	s7 =	sadd.s32 $0x2, s7;
	v9 =	vshll.u32 v9, $0x3;
	s0 =	sadd.s32 $0x20, s0  }
0x2ad: {  	p1 =	slt.u32 s7, $0x28;
	v9 =	vor.u32 v0, v9  }
0x2ae: {  	v10 =	vor.u32 $0x1, v9;
	v11 =	vor.u32 $0x2, v9;
	v7 =	vadd.s32 v2, v7;
	_ =	sdelay $0x1  }
0x2af: {  	v12 =	vpop (erf)  }
0x2b0: {  	v8 =	vmul.f32 v12, v8;
	_ =	sdelay $0x1  }
0x2b1: {  	[tilespmem:v7+s13+$0x0] =	vst.idx.add.f32.msk $0xffff, v8  }
0x2b2: {  	v7 =	vld.idx.msk [tilespmem:v10+s20+$0x0], $0xffff  }
0x2b3: {  	v8 =	vld.idx.msk [tilespmem:v9+s20+$0x0], $0xffff  }
0x2b4: {  	v12 =	vld.idx.msk [tilespmem:v9+s21+$0x0], $0xffff  }
0x2b5: {  	v10 =	vld.idx.msk [tilespmem:v10+s21+$0x0], $0xffff  }
0x2b6: {  	v13 =	vld.idx.msk [tilespmem:v11+s21+$0x0], $0xffff  }
0x2b7: {  	v9 =	vor.u32 $0x3, v9;
	v11 =	vld.idx.msk [tilespmem:v11+s20+$0x0], $0xffff;
	_ =	sdelay $0x2  }
0x2b8: {  	v8 =	vsub.f32 v8, v12  }
0x2b9: {  	v7 =	vsub.f32 v7, v10  }
0x2ba: {  	v10 =	vld.idx.msk [tilespmem:v9+s20+$0x0], $0xffff  }
0x2bb: {  	v8 =	vmul.f32 v8, v8;
	v11 =	vsub.f32 v11, v13;
	v7 =	vmul.f32 v7, v7  }
0x2bc: {  	v9 =	vld.idx.msk [tilespmem:v9+s21+$0x0], $0xffff  }
0x2bd: {  	v7 =	vadd.f32 v7, v8;
	v8 =	vmul.f32 v11, v11;
	_ =	sdelay $0x1  }
0x2be: {  	v7 =	vadd.f32 v8, v7  }
0x2bf: {  	v8 =	vmul.f32 $1.000000000e+01, v10  }
0x2c0: {  	v7 =	vadd.f32 $9.999999960e-13, v7  }
0x2c1: {  	v8 =	vadd.f32 v9, v8  }
0x2c2: {  	v9 =	vmul.f32 v7, v7  }
0x2c3: {  	v8 =	vtrunc.f32 v8  }
0x2c4: {  	v7 =	vmul.f32 v9, v7;
	v8 =	vcvt.f32.s32 v8;
	_ =	sdelay $0x1  }
0x2c5: {  	(erf) = vrcp.f32 v7;
	_ =	sdelay $0x1  }
0x2c6: {  	v7 =	vld [tilespmem:s0+$0xFFFFFFF0];
	_ =	sdelay $0x1  }
0x2c7: {  	v8 =	vld.idx.msk [tilespmem:v8+s15+$0x0], $0xffff  }
0x2c8: {  	v9 =	vmov s12  }
0x2c9: {  	v9 =	vshll.u32 v9, $0x3  }
0x2ca: {  	v9 =	vor.u32 v0, v9;
	v7 =	vadd.s32 v2, v7  }
0x2cb: {  	v10 =	vor.u32 $0x1, v9  }
0x2cc: {  	v11 =	vpop (erf)  }
0x2cd: {  	v8 =	vmul.f32 v11, v8;
	_ =	sdelay $0x1  }
0x2ce: {  	[tilespmem:v7+s13+$0x0] =	vst.idx.add.f32.msk $0xffff, v8;
	v7 =	vor.u32 $0x2, v9  }
0x2cf: {  	v8 =	vld.idx.msk [tilespmem:v10+s21+$0x0], $0xffff  }
0x2d0: {  	v11 =	vld.idx.msk [tilespmem:v9+s20+$0x0], $0xffff  }
0x2d1: {  	v12 =	vld.idx.msk [tilespmem:v9+s21+$0x0], $0xffff  }
0x2d2: {  	v10 =	vld.idx.msk [tilespmem:v10+s20+$0x0], $0xffff  }
0x2d3: {  	v13 =	vld.idx.msk [tilespmem:v7+s21+$0x0], $0xffff  }
0x2d4: {  	v9 =	vor.u32 $0x3, v9;
	v7 =	vld.idx.msk [tilespmem:v7+s20+$0x0], $0xffff;
	_ =	sdelay $0x2  }
0x2d5: {  	v11 =	vsub.f32 v11, v12  }
0x2d6: {  	v8 =	vsub.f32 v10, v8  }
0x2d7: {  	v10 =	vld.idx.msk [tilespmem:v9+s20+$0x0], $0xffff  }
0x2d8: {  	v11 =	vmul.f32 v11, v11;
	v7 =	vsub.f32 v7, v13;
	v8 =	vmul.f32 v8, v8  }
0x2d9: {  	v9 =	vld.idx.msk [tilespmem:v9+s21+$0x0], $0xffff  }
0x2da: {  	v8 =	vadd.f32 v8, v11;
	v7 =	vmul.f32 v7, v7;
	_ =	sdelay $0x1  }
0x2db: {  	v7 =	vadd.f32 v7, v8  }
0x2dc: {  	v8 =	vmul.f32 $1.000000000e+01, v10  }
0x2dd: {  	v7 =	vadd.f32 $9.999999960e-13, v7  }
0x2de: {  	v8 =	vadd.f32 v9, v8  }
0x2df: {  	v9 =	vmul.f32 v7, v7  }
0x2e0: {  	v8 =	vtrunc.f32 v8  }
0x2e1: {  	v7 =	vmul.f32 v9, v7;
	v8 =	vcvt.f32.s32 v8;
	_ =	sdelay $0x1  }
.Ltmp6:
0x2e2: {  	(erf) = vrcp.f32 v7;
	(pc) =	sbr.rel @p1 .LBB2_11-.Ltmp6, $4  }
0x2e3: {  	_ = 	snop  }
0x2e4: {  	s12 =	sadd.s32 $0x20, s12;
	v7 =	vld [tilespmem:s0+$0x0]  }
0x2e5: {  	s18 =	sadd.s32 $0xFFFFFFF0, s12  }
0x2e6: {  	v9 =	vmov s18;
	v8 =	vld.idx.msk [tilespmem:v8+s15+$0x0], $0xffff  }
0x2e7: {  	_ = 	snop  }
0x2e8: {  	v9 =	vshll.u32 v9, $0x3  }
0x2e9: {  	v9 =	vor.u32 v0, v9;
	v7 =	vadd.s32 v2, v7  }
0x2ea: {  	v10 =	vor.u32 $0x1, v9  }
0x2eb: {  	v11 =	vpop (erf)  }
0x2ec: {  	v8 =	vmul.f32 v11, v8;
	_ =	sdelay $0x1  }
0x2ed: {  	v11 =	vor.u32 $0x2, v9;
	[tilespmem:v7+s13+$0x0] =	vst.idx.add.f32.msk $0xffff, v8  }
0x2ee: {  	v7 =	vld.idx.msk [tilespmem:v10+s20+$0x0], $0xffff  }
0x2ef: {  	v8 =	vld.idx.msk [tilespmem:v9+s20+$0x0], $0xffff  }
0x2f0: {  	v12 =	vld.idx.msk [tilespmem:v9+s21+$0x0], $0xffff  }
0x2f1: {  	v10 =	vld.idx.msk [tilespmem:v10+s21+$0x0], $0xffff  }
0x2f2: {  	v13 =	vld.idx.msk [tilespmem:v11+s21+$0x0], $0xffff  }
0x2f3: {  	v11 =	vld.idx.msk [tilespmem:v11+s20+$0x0], $0xffff  }
0x2f4: {  	v9 =	vor.u32 $0x3, v9;
	_ =	sdelay $0x1  }
0x2f5: {  	v8 =	vsub.f32 v8, v12;
	v7 =	vsub.f32 v7, v10;
	_ =	sdelay $0x1  }
0x2f6: {  	v10 =	vsub.f32 v11, v13;
	v8 =	vmul.f32 v8, v8;
	v7 =	vmul.f32 v7, v7  }
0x2f7: {  	v11 =	vld.idx.msk [tilespmem:v9+s20+$0x0], $0xffff  }
0x2f8: {  	v7 =	vadd.f32 v7, v8;
	v8 =	vmul.f32 v10, v10  }
0x2f9: {  	v9 =	vld.idx.msk [tilespmem:v9+s21+$0x0], $0xffff  }
0x2fa: {  	v7 =	vadd.f32 v8, v7;
	_ =	sdelay $0x1  }
0x2fb: {  	v8 =	vmul.f32 $1.000000000e+01, v11;
	v7 =	vadd.f32 $9.999999960e-13, v7;
	_ =	sdelay $0x1  }
0x2fc: {  	v8 =	vadd.f32 v9, v8;
	v9 =	vmul.f32 v7, v7;
	_ =	sdelay $0x1  }
0x2fd: {  	v8 =	vtrunc.f32 v8;
	v7 =	vmul.f32 v9, v7  }
0x2fe: {  	v8 =	vcvt.f32.s32 v8  }
0x2ff: {  	(erf) = vrcp.f32 v7  }
0x300: {  	s0 =	sadd.s32 $0x20, s0  }
0x301: {  	v7 =	vld [tilespmem:s0+$0xFFFFFFF0];
	_ =	sdelay $0x2  }
0x302: {  	v9 =	vmov s12;
	v8 =	vld.idx.msk [tilespmem:v8+s15+$0x0], $0xffff  }
0x303: {  	v9 =	vshll.u32 v9, $0x3  }
0x304: {  	v9 =	vor.u32 v0, v9;
	v7 =	vadd.s32 v2, v7  }
0x305: {  	v10 =	vor.u32 $0x1, v9  }
0x306: {  	v11 =	vpop (erf)  }
0x307: {  	v8 =	vmul.f32 v11, v8;
	_ =	sdelay $0x1  }
0x308: {  	[tilespmem:v7+s13+$0x0] =	vst.idx.add.f32.msk $0xffff, v8;
	v7 =	vor.u32 $0x2, v9  }
0x309: {  	v8 =	vld.idx.msk [tilespmem:v10+s21+$0x0], $0xffff  }
0x30a: {  	v11 =	vld.idx.msk [tilespmem:v9+s20+$0x0], $0xffff  }
0x30b: {  	v58 =	vld.idx.msk [tilespmem:v9+s21+$0x0], $0xffff  }
0x30c: {  	v10 =	vld.idx.msk [tilespmem:v10+s20+$0x0], $0xffff  }
0x30d: {  	v59 =	vld.idx.msk [tilespmem:v7+s21+$0x0], $0xffff  }
0x30e: {  	v7 =	vld.idx.msk [tilespmem:v7+s20+$0x0], $0xffff  }
0x30f: {  	v9 =	vor.u32 $0x3, v9;
	_ =	sdelay $0x1  }
0x310: {  	v11 =	vsub.f32 v11, v58;
	v8 =	vsub.f32 v10, v8;
	_ =	sdelay $0x1  }
0x311: {  	v10 =	vmul.f32 v11, v11;
	v8 =	vmul.f32 v8, v8;
	v7 =	vsub.f32 v7, v59  }
0x312: {  	v11 =	vld.idx.msk [tilespmem:v9+s20+$0x0], $0xffff  }
0x313: {  	v8 =	vadd.f32 v8, v10;
	v7 =	vmul.f32 v7, v7  }
0x314: {  	v9 =	vld.idx.msk [tilespmem:v9+s21+$0x0], $0xffff  }
0x315: {  	v7 =	vadd.f32 v7, v8;
	_ =	sdelay $0x1  }
0x316: {  	v8 =	vmul.f32 $1.000000000e+01, v11;
	v7 =	vadd.f32 $9.999999960e-13, v7;
	_ =	sdelay $0x1  }
0x317: {  	v8 =	vadd.f32 v9, v8;
	v9 =	vmul.f32 v7, v7;
	_ =	sdelay $0x1  }
0x318: {  	v8 =	vtrunc.f32 v8;
	v7 =	vmul.f32 v9, v7  }
0x319: {  	v8 =	vcvt.f32.s32 v8  }
0x31a: {  	(erf) = vrcp.f32 v7;
	_ =	sdelay $0x1  }
0x31b: {  	v7 =	vld [tilespmem:s0+$0x0];
	_ =	sdelay $0x2  }
0x31c: {  	v8 =	vld.idx.msk [tilespmem:v8+s15+$0x0], $0xffff;
	_ =	sdelay $0x1  }
0x31d: {  	v7 =	vadd.s32 v2, v7;
	_ =	sdelay $0x1  }
0x31e: {  	v9 =	vpop (erf)  }
0x31f: {  	v8 =	vmul.f32 v9, v8;
	_ =	sdelay $0x1  }
0x320: {  	[tilespmem:v7+s13+$0x0] =	vst.idx.add.f32.msk $0xffff, v8  }
0x321: {  	s7 =	simm.s32 $0x2A0;
	_ =	swait.ge [sflag:s2], $0xA80  }
0x322: {  	v7 =	vmov s7;
	[sflag:s2] =	ssyncset.done $0x0  }
0x323: {  	v7 =	vshll.u32 v7, $0x3;
	[sflag:s2] =	ssyncadd.s32 $0xFFFFF580  }
0x324: {  	v7 =	vor.u32 v0, v7;
	_ =	swait.ge [sflag:s8], $0xA80  }
0x325: {  	v8 =	vor.u32 $0x1, v7;
	[sflag:s8] =	ssyncset.done $0x0  }
0x326: {  	s12 =	simm.s32 $0xD10;
	[sflag:s8] =	ssyncadd.s32 $0xFFFFF580  }
0x327: {  	[tilespmem:s14], [sflag:$0x4] =	stream.indirect.gather [hbm4b:s5+s9], $0x4, s12, s9, $0xb8;
	[tilespmem:$0xB4E0] =	vst v63  }
0x328: {  	s18 =	simm.s32 $0x1CB0  }
0x329: {  	v9 =	vor.u32 $0x2, v7;
	[tilespmem:s16], [sflag:$0x5] =	stream.indirect.gather [hbm4b:s5+s9], $0x4, s18, s9, $0xb8;
	[tilespmem:$0xB4E0] =	vst v63  }
0x32a: {  	v10 =	vld.idx.msk [tilespmem:v8+s20+$0x0], $0xffff  }
0x32b: {  	v11 =	vld.idx.msk [tilespmem:v7+s20+$0x0], $0xffff  }
0x32c: {  	v60 =	vld.idx.msk [tilespmem:v7+s21+$0x0], $0xffff  }
0x32d: {  	v8 =	vld.idx.msk [tilespmem:v8+s21+$0x0], $0xffff  }
0x32e: {  	v61 =	vld.idx.msk [tilespmem:v9+s21+$0x0], $0xffff  }
0x32f: {  	v9 =	vld.idx.msk [tilespmem:v9+s20+$0x0], $0xffff  }
0x330: {  	v7 =	vor.u32 $0x3, v7;
	_ =	sdelay $0x1  }
0x331: {  	v11 =	vsub.f32 v11, v60;
	v8 =	vsub.f32 v10, v8;
	_ =	sdelay $0x1  }
0x332: {  	v9 =	vsub.f32 v9, v61;
	v10 =	vmul.f32 v11, v11;
	v8 =	vmul.f32 v8, v8  }
0x333: {  	v11 =	vld.idx.msk [tilespmem:v7+s20+$0x0], $0xffff  }
0x334: {  	v9 =	vmul.f32 v9, v9;
	v8 =	vadd.f32 v8, v10  }
0x335: {  	v7 =	vld.idx.msk [tilespmem:v7+s21+$0x0], $0xffff  }
0x336: {  	v8 =	vadd.f32 v9, v8;
	_ =	sdelay $0x1  }
0x337: {  	v9 =	vmul.f32 $1.000000000e+01, v11;
	v8 =	vadd.f32 $9.999999960e-13, v8;
	_ =	sdelay $0x1  }
0x338: {  	v7 =	vadd.f32 v7, v9;
	v9 =	vmul.f32 v8, v8;
	_ =	sdelay $0x1  }
0x339: {  	v7 =	vtrunc.f32 v7;
	v8 =	vmul.f32 v9, v8  }
0x33a: {  	v7 =	vcvt.f32.s32 v7  }
0x33b: {  	(erf) = vrcp.f32 v8  }
0x33c: {  	s0 =	simm.s32 $0x29C0  }
0x33d: {  	v8 =	vld [tilespmem:s0+$0xFFFFFFF0];
	_ =	sdelay $0x1  }
0x33e: {  	s7 =	simm.s32 $0x2B0  }
0x33f: {  	v9 =	vmov s7;
	v7 =	vld.idx.msk [tilespmem:v7+s15+$0x0], $0xffff  }
0x340: {  	v9 =	vshll.u32 v9, $0x3  }
0x341: {  	v9 =	vor.u32 v0, v9;
	v8 =	vadd.s32 v2, v8  }
0x342: {  	v10 =	vor.u32 $0x1, v9  }
0x343: {  	v11 =	vpop (erf)  }
0x344: {  	v7 =	vmul.f32 v11, v7;
	_ =	sdelay $0x1  }
0x345: {  	[tilespmem:v8+s13+$0x0] =	vst.idx.add.f32.msk $0xffff, v7;
	v7 =	vor.u32 $0x2, v9  }
0x346: {  	v8 =	vld.idx.msk [tilespmem:v10+s21+$0x0], $0xffff  }
0x347: {  	v11 =	vld.idx.msk [tilespmem:v9+s20+$0x0], $0xffff  }
0x348: {  	v62 =	vor.u32 $0x3, v9;
	v9 =	vld.idx.msk [tilespmem:v9+s21+$0x0], $0xffff  }
0x349: {  	v10 =	vld.idx.msk [tilespmem:v10+s20+$0x0], $0xffff  }
0x34a: {  	v63 =	vld.idx.msk [tilespmem:v7+s21+$0x0], $0xffff  }
0x34b: {  	v7 =	vld.idx.msk [tilespmem:v7+s20+$0x0], $0xffff;
	_ =	sdelay $0x2  }
0x34c: {  	v9 =	vsub.f32 v11, v9;
	v8 =	vsub.f32 v10, v8  }
0x34d: {  	v14 =	vld.idx.msk [tilespmem:v62+s20+$0x0], $0xffff  }
0x34e: {  	v9 =	vmul.f32 v9, v9;
	v8 =	vmul.f32 v8, v8;
	v7 =	vsub.f32 v7, v63  }
0x34f: {  	v10 =	vld.idx.msk [tilespmem:v62+s21+$0x0], $0xffff  }
0x350: {  	v8 =	vadd.f32 v8, v9;
	v7 =	vmul.f32 v7, v7;
	_ =	sdelay $0x1  }
0x351: {  	v11 =	vmul.f32 $1.000000000e+01, v14;
	v7 =	vadd.f32 v7, v8;
	_ =	sdelay $0x1  }
0x352: {  	v9 =	vadd.f32 v10, v11;
	v7 =	vadd.f32 $9.999999960e-13, v7;
	_ =	sdelay $0x1  }
0x353: {  	v8 =	vtrunc.f32 v9;
	v9 =	vmul.f32 v7, v7;
	_ =	sdelay $0x1  }
0x354: {  	v8 =	vcvt.f32.s32 v8;
	v9 =	vmul.f32 v9, v7;
	_ =	sdelay $0x1  }
0x355: {  	(erf) = vrcp.f32 v9;
	_ =	sdelay $0x1  }
0x356: {  	v7 =	vld [tilespmem:s0+$0x0]  }
0x357: {  	s18 =	simm.s32 $0x2C0  }
0x358: {  	s12 =	simm.s32 $0x2D0;
	s7 =	simm.s32 $0x2C;
	v8 =	vld.idx.msk [tilespmem:v8+s15+$0x0], $0xffff;
	v9 =	vmov s18  }
.LBB2_13:
0x359: {  	s7 =	sadd.s32 $0x2, s7;
	v9 =	vshll.u32 v9, $0x3;
	s0 =	sadd.s32 $0x20, s0  }
0x35a: {  	p1 =	slt.u32 s7, $0x52;
	v9 =	vor.u32 v0, v9  }
0x35b: {  	v10 =	vor.u32 $0x1, v9;
	v11 =	vor.u32 $0x2, v9;
	v7 =	vadd.s32 v2, v7;
	_ =	sdelay $0x1  }
0x35c: {  	v12 =	vpop (erf)  }
0x35d: {  	v8 =	vmul.f32 v12, v8;
	_ =	sdelay $0x1  }
0x35e: {  	[tilespmem:v7+s13+$0x0] =	vst.idx.add.f32.msk $0xffff, v8  }
0x35f: {  	v7 =	vld.idx.msk [tilespmem:v10+s20+$0x0], $0xffff  }
0x360: {  	v8 =	vld.idx.msk [tilespmem:v9+s20+$0x0], $0xffff  }
0x361: {  	v12 =	vld.idx.msk [tilespmem:v9+s21+$0x0], $0xffff  }
0x362: {  	v10 =	vld.idx.msk [tilespmem:v10+s21+$0x0], $0xffff  }
0x363: {  	v13 =	vld.idx.msk [tilespmem:v11+s21+$0x0], $0xffff  }
0x364: {  	v9 =	vor.u32 $0x3, v9;
	v11 =	vld.idx.msk [tilespmem:v11+s20+$0x0], $0xffff;
	_ =	sdelay $0x2  }
0x365: {  	v8 =	vsub.f32 v8, v12  }
0x366: {  	v7 =	vsub.f32 v7, v10  }
0x367: {  	v10 =	vld.idx.msk [tilespmem:v9+s20+$0x0], $0xffff  }
0x368: {  	v8 =	vmul.f32 v8, v8;
	v11 =	vsub.f32 v11, v13;
	v7 =	vmul.f32 v7, v7  }
0x369: {  	v9 =	vld.idx.msk [tilespmem:v9+s21+$0x0], $0xffff  }
0x36a: {  	v7 =	vadd.f32 v7, v8;
	v8 =	vmul.f32 v11, v11;
	_ =	sdelay $0x1  }
0x36b: {  	v7 =	vadd.f32 v8, v7  }
0x36c: {  	v8 =	vmul.f32 $1.000000000e+01, v10  }
0x36d: {  	v7 =	vadd.f32 $9.999999960e-13, v7  }
0x36e: {  	v8 =	vadd.f32 v9, v8  }
0x36f: {  	v9 =	vmul.f32 v7, v7  }
0x370: {  	v8 =	vtrunc.f32 v8  }
0x371: {  	v7 =	vmul.f32 v9, v7;
	v8 =	vcvt.f32.s32 v8;
	_ =	sdelay $0x1  }
0x372: {  	(erf) = vrcp.f32 v7;
	_ =	sdelay $0x1  }
0x373: {  	v7 =	vld [tilespmem:s0+$0xFFFFFFF0];
	_ =	sdelay $0x1  }
0x374: {  	v8 =	vld.idx.msk [tilespmem:v8+s15+$0x0], $0xffff  }
0x375: {  	v9 =	vmov s12  }
0x376: {  	v9 =	vshll.u32 v9, $0x3  }
0x377: {  	v9 =	vor.u32 v0, v9;
	v7 =	vadd.s32 v2, v7  }
0x378: {  	v10 =	vor.u32 $0x1, v9  }
0x379: {  	v11 =	vpop (erf)  }
0x37a: {  	v8 =	vmul.f32 v11, v8;
	_ =	sdelay $0x1  }
0x37b: {  	[tilespmem:v7+s13+$0x0] =	vst.idx.add.f32.msk $0xffff, v8;
	v7 =	vor.u32 $0x2, v9  }
0x37c: {  	v8 =	vld.idx.msk [tilespmem:v10+s21+$0x0], $0xffff  }
0x37d: {  	v11 =	vld.idx.msk [tilespmem:v9+s20+$0x0], $0xffff  }
0x37e: {  	v12 =	vld.idx.msk [tilespmem:v9+s21+$0x0], $0xffff  }
0x37f: {  	v10 =	vld.idx.msk [tilespmem:v10+s20+$0x0], $0xffff  }
0x380: {  	v13 =	vld.idx.msk [tilespmem:v7+s21+$0x0], $0xffff  }
0x381: {  	v9 =	vor.u32 $0x3, v9;
	v7 =	vld.idx.msk [tilespmem:v7+s20+$0x0], $0xffff;
	_ =	sdelay $0x2  }
0x382: {  	v11 =	vsub.f32 v11, v12  }
0x383: {  	v8 =	vsub.f32 v10, v8  }
0x384: {  	v10 =	vld.idx.msk [tilespmem:v9+s20+$0x0], $0xffff  }
0x385: {  	v11 =	vmul.f32 v11, v11;
	v7 =	vsub.f32 v7, v13;
	v8 =	vmul.f32 v8, v8  }
0x386: {  	v9 =	vld.idx.msk [tilespmem:v9+s21+$0x0], $0xffff  }
0x387: {  	v8 =	vadd.f32 v8, v11;
	v7 =	vmul.f32 v7, v7;
	_ =	sdelay $0x1  }
0x388: {  	v7 =	vadd.f32 v7, v8  }
0x389: {  	v8 =	vmul.f32 $1.000000000e+01, v10  }
0x38a: {  	v7 =	vadd.f32 $9.999999960e-13, v7  }
0x38b: {  	v8 =	vadd.f32 v9, v8  }
0x38c: {  	v9 =	vmul.f32 v7, v7  }
0x38d: {  	v8 =	vtrunc.f32 v8  }
0x38e: {  	v7 =	vmul.f32 v9, v7;
	v8 =	vcvt.f32.s32 v8;
	_ =	sdelay $0x1  }
.Ltmp7:
0x38f: {  	(erf) = vrcp.f32 v7;
	(pc) =	sbr.rel @p1 .LBB2_13-.Ltmp7, $4  }
0x390: {  	_ = 	snop  }
0x391: {  	s12 =	sadd.s32 $0x20, s12;
	v7 =	vld [tilespmem:s0+$0x0]  }
0x392: {  	s18 =	sadd.s32 $0xFFFFFFF0, s12  }
0x393: {  	v9 =	vmov s18;
	v8 =	vld.idx.msk [tilespmem:v8+s15+$0x0], $0xffff  }
0x394: {  	_ = 	snop  }
0x395: {  	v9 =	vshll.u32 v9, $0x3  }
0x396: {  	v9 =	vor.u32 v0, v9;
	v7 =	vadd.s32 v2, v7  }
0x397: {  	v10 =	vor.u32 $0x1, v9  }
0x398: {  	v11 =	vpop (erf)  }
0x399: {  	v8 =	vmul.f32 v11, v8;
	_ =	sdelay $0x1  }
0x39a: {  	v11 =	vor.u32 $0x2, v9;
	[tilespmem:v7+s13+$0x0] =	vst.idx.add.f32.msk $0xffff, v8  }
0x39b: {  	v7 =	vld.idx.msk [tilespmem:v10+s20+$0x0], $0xffff  }
0x39c: {  	v8 =	vld.idx.msk [tilespmem:v9+s20+$0x0], $0xffff  }
0x39d: {  	v12 =	vld.idx.msk [tilespmem:v9+s21+$0x0], $0xffff  }
0x39e: {  	v10 =	vld.idx.msk [tilespmem:v10+s21+$0x0], $0xffff  }
0x39f: {  	v13 =	vld.idx.msk [tilespmem:v11+s21+$0x0], $0xffff  }
0x3a0: {  	v11 =	vld.idx.msk [tilespmem:v11+s20+$0x0], $0xffff  }
0x3a1: {  	v9 =	vor.u32 $0x3, v9;
	_ =	sdelay $0x1  }
0x3a2: {  	v8 =	vsub.f32 v8, v12;
	v7 =	vsub.f32 v7, v10;
	_ =	sdelay $0x1  }
0x3a3: {  	v10 =	vsub.f32 v11, v13;
	v8 =	vmul.f32 v8, v8;
	v7 =	vmul.f32 v7, v7  }
0x3a4: {  	v11 =	vld.idx.msk [tilespmem:v9+s20+$0x0], $0xffff  }
0x3a5: {  	v7 =	vadd.f32 v7, v8;
	v8 =	vmul.f32 v10, v10  }
0x3a6: {  	v9 =	vld.idx.msk [tilespmem:v9+s21+$0x0], $0xffff  }
0x3a7: {  	v7 =	vadd.f32 v8, v7;
	_ =	sdelay $0x1  }
0x3a8: {  	v8 =	vmul.f32 $1.000000000e+01, v11;
	v7 =	vadd.f32 $9.999999960e-13, v7;
	_ =	sdelay $0x1  }
0x3a9: {  	v8 =	vadd.f32 v9, v8;
	v9 =	vmul.f32 v7, v7;
	_ =	sdelay $0x1  }
0x3aa: {  	v8 =	vtrunc.f32 v8;
	v7 =	vmul.f32 v9, v7  }
0x3ab: {  	v8 =	vcvt.f32.s32 v8  }
0x3ac: {  	(erf) = vrcp.f32 v7  }
0x3ad: {  	s0 =	sadd.s32 $0x20, s0  }
0x3ae: {  	v7 =	vld [tilespmem:s0+$0xFFFFFFF0];
	_ =	sdelay $0x2  }
0x3af: {  	v9 =	vmov s12;
	v8 =	vld.idx.msk [tilespmem:v8+s15+$0x0], $0xffff  }
0x3b0: {  	v9 =	vshll.u32 v9, $0x3  }
0x3b1: {  	v9 =	vor.u32 v0, v9;
	v7 =	vadd.s32 v2, v7  }
0x3b2: {  	v10 =	vor.u32 $0x1, v9  }
0x3b3: {  	v11 =	vpop (erf)  }
0x3b4: {  	v8 =	vmul.f32 v11, v8;
	_ =	sdelay $0x1  }
0x3b5: {  	[tilespmem:v7+s13+$0x0] =	vst.idx.add.f32.msk $0xffff, v8;
	v7 =	vor.u32 $0x2, v9  }
0x3b6: {  	v8 =	vld.idx.msk [tilespmem:v10+s21+$0x0], $0xffff  }
0x3b7: {  	v11 =	vld.idx.msk [tilespmem:v9+s20+$0x0], $0xffff  }
0x3b8: {  	v58 =	vld.idx.msk [tilespmem:v9+s21+$0x0], $0xffff  }
0x3b9: {  	v10 =	vld.idx.msk [tilespmem:v10+s20+$0x0], $0xffff  }
0x3ba: {  	v59 =	vld.idx.msk [tilespmem:v7+s21+$0x0], $0xffff  }
0x3bb: {  	v7 =	vld.idx.msk [tilespmem:v7+s20+$0x0], $0xffff  }
0x3bc: {  	v9 =	vor.u32 $0x3, v9;
	_ =	sdelay $0x1  }
0x3bd: {  	v11 =	vsub.f32 v11, v58;
	v8 =	vsub.f32 v10, v8;
	_ =	sdelay $0x1  }
0x3be: {  	v10 =	vmul.f32 v11, v11;
	v8 =	vmul.f32 v8, v8;
	v7 =	vsub.f32 v7, v59  }
0x3bf: {  	v11 =	vld.idx.msk [tilespmem:v9+s20+$0x0], $0xffff  }
0x3c0: {  	v8 =	vadd.f32 v8, v10;
	v7 =	vmul.f32 v7, v7  }
0x3c1: {  	v9 =	vld.idx.msk [tilespmem:v9+s21+$0x0], $0xffff  }
0x3c2: {  	v7 =	vadd.f32 v7, v8;
	_ =	sdelay $0x1  }
0x3c3: {  	v8 =	vmul.f32 $1.000000000e+01, v11;
	v7 =	vadd.f32 $9.999999960e-13, v7;
	_ =	sdelay $0x1  }
0x3c4: {  	v8 =	vadd.f32 v9, v8;
	v9 =	vmul.f32 v7, v7;
	_ =	sdelay $0x1  }
0x3c5: {  	v8 =	vtrunc.f32 v8;
	v7 =	vmul.f32 v9, v7  }
0x3c6: {  	v8 =	vcvt.f32.s32 v8  }
0x3c7: {  	(erf) = vrcp.f32 v7;
	_ =	sdelay $0x1  }
0x3c8: {  	v7 =	vld [tilespmem:s0+$0x0];
	_ =	sdelay $0x2  }
0x3c9: {  	v8 =	vld.idx.msk [tilespmem:v8+s15+$0x0], $0xffff;
	_ =	sdelay $0x1  }
0x3ca: {  	v7 =	vadd.s32 v2, v7;
	_ =	sdelay $0x1  }
0x3cb: {  	v9 =	vpop (erf)  }
0x3cc: {  	s18 =	simm.s32 $0x540;
	v8 =	vmul.f32 v9, v8  }
0x3cd: {  	v9 =	vmov s18  }
0x3ce: {  	[tilespmem:v7+s13+$0x0] =	vst.idx.add.f32.msk $0xffff, v8;
	v7 =	vshll.u32 v9, $0x3  }
0x3cf: {  	_ =	swait.ge [sflag:s25], $0xA40;
	v7 =	vor.u32 v0, v7  }
0x3d0: {  	[sflag:s25] =	ssyncset.done $0x0;
	v8 =	vor.u32 $0x1, v7  }
0x3d1: {  	[sflag:s25] =	ssyncadd.s32 $0xFFFFF5C0  }
0x3d2: {  	_ =	swait.ge [sflag:s26], $0xA40  }
0x3d3: {  	[sflag:s26] =	ssyncset.done $0x0  }
0x3d4: {  	v9 =	vor.u32 $0x2, v7;
	[sflag:s26] =	ssyncadd.s32 $0xFFFFF5C0  }
0x3d5: {  	v10 =	vld.idx.msk [tilespmem:v8+s20+$0x0], $0xffff  }
0x3d6: {  	v11 =	vld.idx.msk [tilespmem:v7+s20+$0x0], $0xffff  }
0x3d7: {  	v60 =	vld.idx.msk [tilespmem:v7+s21+$0x0], $0xffff  }
0x3d8: {  	v8 =	vld.idx.msk [tilespmem:v8+s21+$0x0], $0xffff  }
0x3d9: {  	v61 =	vld.idx.msk [tilespmem:v9+s21+$0x0], $0xffff  }
0x3da: {  	v9 =	vld.idx.msk [tilespmem:v9+s20+$0x0], $0xffff  }
0x3db: {  	v7 =	vor.u32 $0x3, v7;
	_ =	sdelay $0x1  }
0x3dc: {  	v11 =	vsub.f32 v11, v60;
	v8 =	vsub.f32 v10, v8;
	_ =	sdelay $0x1  }
0x3dd: {  	v9 =	vsub.f32 v9, v61;
	v10 =	vmul.f32 v11, v11;
	v8 =	vmul.f32 v8, v8  }
0x3de: {  	v11 =	vld.idx.msk [tilespmem:v7+s20+$0x0], $0xffff  }
0x3df: {  	v9 =	vmul.f32 v9, v9;
	v8 =	vadd.f32 v8, v10  }
0x3e0: {  	v7 =	vld.idx.msk [tilespmem:v7+s21+$0x0], $0xffff  }
0x3e1: {  	v8 =	vadd.f32 v9, v8;
	_ =	sdelay $0x1  }
0x3e2: {  	v9 =	vmul.f32 $1.000000000e+01, v11;
	v8 =	vadd.f32 $9.999999960e-13, v8;
	_ =	sdelay $0x1  }
0x3e3: {  	v7 =	vadd.f32 v7, v9;
	v9 =	vmul.f32 v8, v8;
	_ =	sdelay $0x1  }
0x3e4: {  	v7 =	vtrunc.f32 v7;
	v8 =	vmul.f32 v9, v8  }
0x3e5: {  	v7 =	vcvt.f32.s32 v7  }
0x3e6: {  	(erf) = vrcp.f32 v8  }
0x3e7: {  	s0 =	simm.s32 $0x2C60  }
0x3e8: {  	v8 =	vld [tilespmem:s0+$0xFFFFFFF0];
	_ =	sdelay $0x1  }
0x3e9: {  	s7 =	simm.s32 $0x550  }
0x3ea: {  	v9 =	vmov s7;
	v7 =	vld.idx.msk [tilespmem:v7+s15+$0x0], $0xffff  }
0x3eb: {  	v9 =	vshll.u32 v9, $0x3  }
0x3ec: {  	v9 =	vor.u32 v0, v9;
	v8 =	vadd.s32 v2, v8  }
0x3ed: {  	v10 =	vor.u32 $0x1, v9  }
0x3ee: {  	v11 =	vpop (erf)  }
0x3ef: {  	v7 =	vmul.f32 v11, v7;
	_ =	sdelay $0x1  }
0x3f0: {  	[tilespmem:v8+s13+$0x0] =	vst.idx.add.f32.msk $0xffff, v7;
	v7 =	vor.u32 $0x2, v9  }
0x3f1: {  	v8 =	vld.idx.msk [tilespmem:v10+s21+$0x0], $0xffff  }
0x3f2: {  	v11 =	vld.idx.msk [tilespmem:v9+s20+$0x0], $0xffff  }
0x3f3: {  	v62 =	vor.u32 $0x3, v9;
	v9 =	vld.idx.msk [tilespmem:v9+s21+$0x0], $0xffff  }
0x3f4: {  	v10 =	vld.idx.msk [tilespmem:v10+s20+$0x0], $0xffff  }
0x3f5: {  	v63 =	vld.idx.msk [tilespmem:v7+s21+$0x0], $0xffff  }
0x3f6: {  	v7 =	vld.idx.msk [tilespmem:v7+s20+$0x0], $0xffff;
	_ =	sdelay $0x2  }
0x3f7: {  	v9 =	vsub.f32 v11, v9;
	v8 =	vsub.f32 v10, v8  }
0x3f8: {  	v14 =	vld.idx.msk [tilespmem:v62+s20+$0x0], $0xffff  }
0x3f9: {  	v9 =	vmul.f32 v9, v9;
	v8 =	vmul.f32 v8, v8;
	v7 =	vsub.f32 v7, v63  }
0x3fa: {  	v10 =	vld.idx.msk [tilespmem:v62+s21+$0x0], $0xffff  }
0x3fb: {  	v8 =	vadd.f32 v8, v9;
	v7 =	vmul.f32 v7, v7;
	_ =	sdelay $0x1  }
0x3fc: {  	v11 =	vmul.f32 $1.000000000e+01, v14;
	v7 =	vadd.f32 v7, v8;
	_ =	sdelay $0x1  }
0x3fd: {  	v9 =	vadd.f32 v10, v11;
	v7 =	vadd.f32 $9.999999960e-13, v7;
	_ =	sdelay $0x1  }
0x3fe: {  	v8 =	vtrunc.f32 v9;
	v9 =	vmul.f32 v7, v7;
	_ =	sdelay $0x1  }
0x3ff: {  	v8 =	vcvt.f32.s32 v8;
	v9 =	vmul.f32 v9, v7;
	_ =	sdelay $0x1  }
0x400: {  	(erf) = vrcp.f32 v9;
	_ =	sdelay $0x1  }
0x401: {  	v7 =	vld [tilespmem:s0+$0x0]  }
0x402: {  	s18 =	simm.s32 $0x560  }
0x403: {  	s12 =	simm.s32 $0x570;
	s7 =	simm.s32 $0x56;
	v8 =	vld.idx.msk [tilespmem:v8+s15+$0x0], $0xffff;
	v9 =	vmov s18  }
.LBB2_15:
0x404: {  	s7 =	sadd.s32 $0x2, s7;
	v9 =	vshll.u32 v9, $0x3;
	s0 =	sadd.s32 $0x20, s0  }
0x405: {  	p1 =	slt.u32 s7, $0x7A;
	v9 =	vor.u32 v0, v9  }
0x406: {  	v10 =	vor.u32 $0x1, v9;
	v11 =	vor.u32 $0x2, v9;
	v7 =	vadd.s32 v2, v7;
	_ =	sdelay $0x1  }
0x407: {  	v12 =	vpop (erf)  }
0x408: {  	v8 =	vmul.f32 v12, v8;
	_ =	sdelay $0x1  }
0x409: {  	[tilespmem:v7+s13+$0x0] =	vst.idx.add.f32.msk $0xffff, v8  }
0x40a: {  	v7 =	vld.idx.msk [tilespmem:v10+s20+$0x0], $0xffff  }
0x40b: {  	v8 =	vld.idx.msk [tilespmem:v9+s20+$0x0], $0xffff  }
0x40c: {  	v12 =	vld.idx.msk [tilespmem:v9+s21+$0x0], $0xffff  }
0x40d: {  	v10 =	vld.idx.msk [tilespmem:v10+s21+$0x0], $0xffff  }
0x40e: {  	v13 =	vld.idx.msk [tilespmem:v11+s21+$0x0], $0xffff  }
0x40f: {  	v9 =	vor.u32 $0x3, v9;
	v11 =	vld.idx.msk [tilespmem:v11+s20+$0x0], $0xffff;
	_ =	sdelay $0x2  }
0x410: {  	v8 =	vsub.f32 v8, v12  }
0x411: {  	v7 =	vsub.f32 v7, v10  }
0x412: {  	v10 =	vld.idx.msk [tilespmem:v9+s20+$0x0], $0xffff  }
0x413: {  	v8 =	vmul.f32 v8, v8;
	v11 =	vsub.f32 v11, v13;
	v7 =	vmul.f32 v7, v7  }
0x414: {  	v9 =	vld.idx.msk [tilespmem:v9+s21+$0x0], $0xffff  }
0x415: {  	v7 =	vadd.f32 v7, v8;
	v8 =	vmul.f32 v11, v11;
	_ =	sdelay $0x1  }
0x416: {  	v7 =	vadd.f32 v8, v7  }
0x417: {  	v8 =	vmul.f32 $1.000000000e+01, v10  }
0x418: {  	v7 =	vadd.f32 $9.999999960e-13, v7  }
0x419: {  	v8 =	vadd.f32 v9, v8  }
0x41a: {  	v9 =	vmul.f32 v7, v7  }
0x41b: {  	v8 =	vtrunc.f32 v8  }
0x41c: {  	v7 =	vmul.f32 v9, v7;
	v8 =	vcvt.f32.s32 v8;
	_ =	sdelay $0x1  }
0x41d: {  	(erf) = vrcp.f32 v7;
	_ =	sdelay $0x1  }
0x41e: {  	v7 =	vld [tilespmem:s0+$0xFFFFFFF0];
	_ =	sdelay $0x1  }
0x41f: {  	v8 =	vld.idx.msk [tilespmem:v8+s15+$0x0], $0xffff  }
0x420: {  	v9 =	vmov s12  }
0x421: {  	v9 =	vshll.u32 v9, $0x3  }
0x422: {  	v9 =	vor.u32 v0, v9;
	v7 =	vadd.s32 v2, v7  }
0x423: {  	v10 =	vor.u32 $0x1, v9  }
0x424: {  	v11 =	vpop (erf)  }
0x425: {  	v8 =	vmul.f32 v11, v8;
	_ =	sdelay $0x1  }
0x426: {  	[tilespmem:v7+s13+$0x0] =	vst.idx.add.f32.msk $0xffff, v8;
	v7 =	vor.u32 $0x2, v9  }
0x427: {  	v8 =	vld.idx.msk [tilespmem:v10+s21+$0x0], $0xffff  }
0x428: {  	v11 =	vld.idx.msk [tilespmem:v9+s20+$0x0], $0xffff  }
0x429: {  	v12 =	vld.idx.msk [tilespmem:v9+s21+$0x0], $0xffff  }
0x42a: {  	v10 =	vld.idx.msk [tilespmem:v10+s20+$0x0], $0xffff  }
0x42b: {  	v13 =	vld.idx.msk [tilespmem:v7+s21+$0x0], $0xffff  }
0x42c: {  	v9 =	vor.u32 $0x3, v9;
	v7 =	vld.idx.msk [tilespmem:v7+s20+$0x0], $0xffff;
	_ =	sdelay $0x2  }
0x42d: {  	v11 =	vsub.f32 v11, v12  }
0x42e: {  	v8 =	vsub.f32 v10, v8  }
0x42f: {  	v10 =	vld.idx.msk [tilespmem:v9+s20+$0x0], $0xffff  }
0x430: {  	v11 =	vmul.f32 v11, v11;
	v7 =	vsub.f32 v7, v13;
	v8 =	vmul.f32 v8, v8  }
0x431: {  	v9 =	vld.idx.msk [tilespmem:v9+s21+$0x0], $0xffff  }
0x432: {  	v8 =	vadd.f32 v8, v11;
	v7 =	vmul.f32 v7, v7;
	_ =	sdelay $0x1  }
0x433: {  	v7 =	vadd.f32 v7, v8  }
0x434: {  	v8 =	vmul.f32 $1.000000000e+01, v10  }
0x435: {  	v7 =	vadd.f32 $9.999999960e-13, v7  }
0x436: {  	v8 =	vadd.f32 v9, v8  }
0x437: {  	v9 =	vmul.f32 v7, v7  }
0x438: {  	v8 =	vtrunc.f32 v8  }
0x439: {  	v7 =	vmul.f32 v9, v7;
	v8 =	vcvt.f32.s32 v8;
	_ =	sdelay $0x1  }
.Ltmp8:
0x43a: {  	(erf) = vrcp.f32 v7;
	(pc) =	sbr.rel @p1 .LBB2_15-.Ltmp8, $4  }
0x43b: {  	_ = 	snop  }
0x43c: {  	s12 =	sadd.s32 $0x20, s12;
	v7 =	vld [tilespmem:s0+$0x0]  }
0x43d: {  	s18 =	sadd.s32 $0xFFFFFFF0, s12  }
0x43e: {  	v9 =	vmov s18;
	v8 =	vld.idx.msk [tilespmem:v8+s15+$0x0], $0xffff  }
0x43f: {  	_ = 	snop  }
0x440: {  	v9 =	vshll.u32 v9, $0x3  }
0x441: {  	v9 =	vor.u32 v0, v9;
	v7 =	vadd.s32 v2, v7  }
0x442: {  	v10 =	vor.u32 $0x1, v9  }
0x443: {  	v11 =	vpop (erf)  }
0x444: {  	v8 =	vmul.f32 v11, v8;
	_ =	sdelay $0x1  }
0x445: {  	v41 =	vor.u32 $0x2, v9;
	[tilespmem:v7+s13+$0x0] =	vst.idx.add.f32.msk $0xffff, v8  }
0x446: {  	v7 =	vld.idx.msk [tilespmem:v10+s20+$0x0], $0xffff  }
0x447: {  	v8 =	vld.idx.msk [tilespmem:v9+s20+$0x0], $0xffff  }
0x448: {  	v12 =	vld.idx.msk [tilespmem:v9+s21+$0x0], $0xffff  }
0x449: {  	v10 =	vld.idx.msk [tilespmem:v10+s21+$0x0], $0xffff  }
0x44a: {  	v13 =	vld.idx.msk [tilespmem:v41+s21+$0x0], $0xffff  }
0x44b: {  	v11 =	vld.idx.msk [tilespmem:v41+s20+$0x0], $0xffff  }
0x44c: {  	v9 =	vor.u32 $0x3, v9;
	_ =	sdelay $0x1  }
0x44d: {  	v8 =	vsub.f32 v8, v12;
	v7 =	vsub.f32 v7, v10;
	_ =	sdelay $0x1  }
0x44e: {  	v42 =	vsub.f32 v11, v13;
	v8 =	vmul.f32 v8, v8;
	v7 =	vmul.f32 v7, v7  }
0x44f: {  	v43 =	vld.idx.msk [tilespmem:v9+s20+$0x0], $0xffff  }
0x450: {  	v7 =	vadd.f32 v7, v8;
	v8 =	vmul.f32 v42, v42  }
0x451: {  	v9 =	vld.idx.msk [tilespmem:v9+s21+$0x0], $0xffff  }
0x452: {  	v7 =	vadd.f32 v8, v7;
	_ =	sdelay $0x1  }
0x453: {  	v8 =	vmul.f32 $1.000000000e+01, v43;
	v7 =	vadd.f32 $9.999999960e-13, v7;
	_ =	sdelay $0x1  }
0x454: {  	v8 =	vadd.f32 v9, v8;
	v44 =	vmul.f32 v7, v7;
	_ =	sdelay $0x1  }
0x455: {  	v8 =	vtrunc.f32 v8;
	v7 =	vmul.f32 v44, v7  }
0x456: {  	v8 =	vcvt.f32.s32 v8  }
0x457: {  	(erf) = vrcp.f32 v7  }
0x458: {  	s0 =	sadd.s32 $0x20, s0  }
0x459: {  	v7 =	vld [tilespmem:s0+$0xFFFFFFF0];
	_ =	sdelay $0x2  }
0x45a: {  	v45 =	vmov s12;
	v8 =	vld.idx.msk [tilespmem:v8+s15+$0x0], $0xffff  }
0x45b: {  	v9 =	vshll.u32 v45, $0x3  }
0x45c: {  	v9 =	vor.u32 v0, v9;
	v7 =	vadd.s32 v2, v7  }
0x45d: {  	v46 =	vor.u32 $0x1, v9  }
0x45e: {  	v47 =	vpop (erf)  }
0x45f: {  	v8 =	vmul.f32 v47, v8;
	_ =	sdelay $0x1  }
0x460: {  	[tilespmem:v7+s13+$0x0] =	vst.idx.add.f32.msk $0xffff, v8;
	v7 =	vor.u32 $0x2, v9  }
0x461: {  	v8 =	vld.idx.msk [tilespmem:v46+s21+$0x0], $0xffff  }
0x462: {  	v48 =	vld.idx.msk [tilespmem:v9+s20+$0x0], $0xffff  }
0x463: {  	v49 =	vld.idx.msk [tilespmem:v9+s21+$0x0], $0xffff  }
0x464: {  	v10 =	vld.idx.msk [tilespmem:v46+s20+$0x0], $0xffff  }
0x465: {  	v50 =	vld.idx.msk [tilespmem:v7+s21+$0x0], $0xffff  }
0x466: {  	v7 =	vld.idx.msk [tilespmem:v7+s20+$0x0], $0xffff  }
0x467: {  	v9 =	vor.u32 $0x3, v9;
	_ =	sdelay $0x1  }
0x468: {  	v11 =	vsub.f32 v48, v49;
	v8 =	vsub.f32 v10, v8;
	_ =	sdelay $0x1  }
0x469: {  	v51 =	vmul.f32 v11, v11;
	v8 =	vmul.f32 v8, v8;
	v7 =	vsub.f32 v7, v50  }
0x46a: {  	v52 =	vld.idx.msk [tilespmem:v9+s20+$0x0], $0xffff  }
0x46b: {  	v8 =	vadd.f32 v8, v51;
	v7 =	vmul.f32 v7, v7  }
0x46c: {  	v9 =	vld.idx.msk [tilespmem:v9+s21+$0x0], $0xffff  }
0x46d: {  	v7 =	vadd.f32 v7, v8;
	_ =	sdelay $0x1  }
0x46e: {  	v8 =	vmul.f32 $1.000000000e+01, v52;
	v7 =	vadd.f32 $9.999999960e-13, v7;
	_ =	sdelay $0x1  }
0x46f: {  	v8 =	vadd.f32 v9, v8;
	v53 =	vmul.f32 v7, v7;
	_ =	sdelay $0x1  }
0x470: {  	v8 =	vtrunc.f32 v8;
	v7 =	vmul.f32 v53, v7  }
0x471: {  	v8 =	vcvt.f32.s32 v8  }
0x472: {  	(erf) = vrcp.f32 v7;
	_ =	sdelay $0x1  }
0x473: {  	v7 =	vld [tilespmem:s0+$0x0];
	_ =	sdelay $0x2  }
0x474: {  	v8 =	vld.idx.msk [tilespmem:v8+s15+$0x0], $0xffff;
	_ =	sdelay $0x1  }
0x475: {  	v7 =	vadd.s32 v2, v7;
	_ =	sdelay $0x1  }
0x476: {  	v54 =	vpop (erf)  }
0x477: {  	v8 =	vmul.f32 v54, v8;
	_ =	sdelay $0x1  }
0x478: {  	[tilespmem:v7+s13+$0x0] =	vst.idx.add.f32.msk $0xffff, v8  }
0x479: {  	v7 =	vld.idx.msk [tilespmem:v3+s20+$0x0], $0xffff  }
0x47a: {  	v8 =	vld.idx.msk [tilespmem:v4+s20+$0x0], $0xffff  }
0x47b: {  	v55 =	vld.idx.msk [tilespmem:v3+s21+$0x0], $0xffff  }
0x47c: {  	v56 =	vld.idx.msk [tilespmem:v4+s21+$0x0], $0xffff  }
0x47d: {  	v57 =	vld.idx.msk [tilespmem:v5+s20+$0x0], $0xffff  }
0x47e: {  	v58 =	vld.idx.msk [tilespmem:v5+s21+$0x0], $0xffff;
	_ =	sdelay $0x2  }
0x47f: {  	v7 =	vsub.f32 v7, v55;
	v8 =	vsub.f32 v8, v56;
	_ =	sdelay $0x1  }
0x480: {  	v59 =	vsub.f32 v57, v58;
	v7 =	vmul.f32 v7, v7;
	v8 =	vmul.f32 v8, v8  }
0x481: {  	v60 =	vld.idx.msk [tilespmem:v6+s20+$0x0], $0xffff  }
0x482: {  	v7 =	vadd.f32 v8, v7;
	v8 =	vmul.f32 v59, v59  }
0x483: {  	v61 =	vld.idx.msk [tilespmem:v6+s21+$0x0], $0xffff  }
0x484: {  	v7 =	vadd.f32 v8, v7;
	_ =	sdelay $0x1  }
0x485: {  	v8 =	vmul.f32 $1.000000000e+01, v60;
	v7 =	vadd.f32 $9.999999960e-13, v7;
	_ =	sdelay $0x1  }
0x486: {  	v8 =	vadd.f32 v61, v8;
	v62 =	vmul.f32 v7, v7;
	_ =	sdelay $0x1  }
0x487: {  	v8 =	vtrunc.f32 v8;
	v7 =	vmul.f32 v62, v7  }
0x488: {  	v8 =	vcvt.f32.s32 v8  }
0x489: {  	(erf) = vrcp.f32 v7;
	_ =	sdelay $0x1  }
0x48a: {  	v7 =	vld [tilespmem:$0x2ED0];
	_ =	sdelay $0x2  }
0x48b: {  	v8 =	vld.idx.msk [tilespmem:v8+s15+$0x0], $0xffff  }
0x48c: {  	s24 =	sadd.s32 $0x1, s24  }
0x48d: {  	p1 =	sne.s32 s24, $0x32;
	v7 =	vadd.s32 v2, v7  }
.Ltmp9:
0x48e: {  	_ = 	snop;
	(pc) =	sbr.rel @p1 .LBB2_4-.Ltmp9, $3  }
0x48f: {  	v63 =	vpop (erf)  }
0x490: {  	v8 =	vmul.f32 v63, v8;
	_ =	sdelay $0x1  }
0x491: {  	[tilespmem:v7+s13+$0x0] =	vst.idx.add.f32.msk $0xffff, v8  }
0x492: {  	v7 =	vld [tilespmem:$0xAC60]  }
0x493: {  	v8 =	vld [tilespmem:$0xACA0]  }
0x494: {  	v9 =	vld [tilespmem:$0xACE0]  }
0x495: {  	v10 =	vld [tilespmem:$0xAD20]  }
0x496: {  	v11 =	vld [tilespmem:$0xAD60]  }
0x497: {  	v12 =	vld [tilespmem:$0xADA0]  }
0x498: {  	v13 =	vld [tilespmem:$0xADE0]  }
0x499: {  	v14 =	vld [tilespmem:$0xAE20]  }
0x49a: {  	v15 =	vld [tilespmem:$0xAE60]  }
0x49b: {  	v16 =	vld [tilespmem:$0xAEA0]  }
0x49c: {  	v17 =	vld [tilespmem:$0xAEE0]  }
0x49d: {  	v18 =	vld [tilespmem:$0xAF20]  }
0x49e: {  	v19 =	vld [tilespmem:$0xAF60]  }
0x49f: {  	v20 =	vld [tilespmem:$0xAFA0]  }
0x4a0: {  	v21 =	vld [tilespmem:$0xAFE0]  }
0x4a1: {  	v22 =	vld [tilespmem:$0xB020]  }
0x4a2: {  	v23 =	vld [tilespmem:$0xAC70]  }
0x4a3: {  	v24 =	vld [tilespmem:$0xACB0]  }
0x4a4: {  	v25 =	vld [tilespmem:$0xACF0]  }
0x4a5: {  	v26 =	vld [tilespmem:$0xAD30]  }
0x4a6: {  	v27 =	vld [tilespmem:$0xAD70]  }
0x4a7: {  	v28 =	vld [tilespmem:$0xADB0]  }
0x4a8: {  	v29 =	vld [tilespmem:$0xADF0]  }
0x4a9: {  	v30 =	vld [tilespmem:$0xAE30]  }
0x4aa: {  	v31 =	vld [tilespmem:$0xAE70]  }
0x4ab: {  	v32 =	vld [tilespmem:$0xAEB0]  }
0x4ac: {  	v33 =	vld [tilespmem:$0xAEF0]  }
0x4ad: {  	v34 =	vld [tilespmem:$0xAF30]  }
0x4ae: {  	v35 =	vld [tilespmem:$0xAF70]  }
0x4af: {  	v36 =	vld [tilespmem:$0xAFB0]  }
0x4b0: {  	v37 =	vld [tilespmem:$0xAFF0]  }
0x4b1: {  	v38 =	vld [tilespmem:$0xB030]  }
0x4b2: {  	v39 =	vld [tilespmem:$0xAC80]  }
0x4b3: {  	v40 =	vld [tilespmem:$0xAC90]  }
0x4b4: {  	v41 =	vld [tilespmem:$0xACC0]  }
0x4b5: {  	v42 =	vld [tilespmem:$0xACD0];
	v7 =	vadd.f32 $0.0e+00, v7  }
0x4b6: {  	v43 =	vld [tilespmem:$0xAD00];
	v23 =	vadd.f32 $0.0e+00, v23  }
0x4b7: {  	v58 =	vld [tilespmem:$0xAD10];
	v7 =	vadd.f32 v8, v7;
	v8 =	vadd.f32 $0.0e+00, v39  }
0x4b8: {  	v59 =	vld [tilespmem:$0xAD40];
	v40 =	vadd.f32 $0.0e+00, v40;
	v23 =	vadd.f32 v24, v23  }
0x4b9: {  	v60 =	vld [tilespmem:$0xAD50];
	v7 =	vadd.f32 v9, v7;
	v8 =	vadd.f32 v41, v8  }
0x4ba: {  	v62 =	vld [tilespmem:$0xAD80];
	v61 =	vadd.f32 v42, v40;
	v23 =	vadd.f32 v25, v23  }
0x4bb: {  	v63 =	vld [tilespmem:$0xAD90];
	v7 =	vadd.f32 v10, v7;
	v8 =	vadd.f32 v43, v8  }
0x4bc: {  	v39 =	vld [tilespmem:$0xADC0];
	v25 =	vadd.f32 v58, v61;
	v23 =	vadd.f32 v26, v23  }
0x4bd: {  	v41 =	vld [tilespmem:$0xADD0];
	v7 =	vadd.f32 v11, v7;
	v8 =	vadd.f32 v59, v8  }
0x4be: {  	v42 =	vld [tilespmem:$0xAE00];
	v9 =	vadd.f32 v60, v25;
	v23 =	vadd.f32 v27, v23  }
0x4bf: {  	v43 =	vld [tilespmem:$0xAE10];
	v7 =	vadd.f32 v12, v7;
	v8 =	vadd.f32 v62, v8  }
0x4c0: {  	v44 =	vld [tilespmem:$0xAE40];
	v9 =	vadd.f32 v63, v9;
	v23 =	vadd.f32 v28, v23  }
0x4c1: {  	v45 =	vld [tilespmem:$0xAE50];
	v7 =	vadd.f32 v13, v7;
	v8 =	vadd.f32 v39, v8  }
0x4c2: {  	v46 =	vld [tilespmem:$0xAE80];
	v9 =	vadd.f32 v41, v9;
	v23 =	vadd.f32 v29, v23  }
0x4c3: {  	v47 =	vld [tilespmem:$0xAE90];
	v7 =	vadd.f32 v14, v7;
	v8 =	vadd.f32 v42, v8  }
0x4c4: {  	v48 =	vld [tilespmem:$0xAEC0];
	v9 =	vadd.f32 v43, v9;
	v23 =	vadd.f32 v30, v23  }
0x4c5: {  	v49 =	vld [tilespmem:$0xAED0];
	v7 =	vadd.f32 v15, v7;
	v8 =	vadd.f32 v44, v8  }
0x4c6: {  	v51 =	vld [tilespmem:$0xAF00];
	v9 =	vadd.f32 v45, v9;
	v50 =	vadd.f32 v31, v23  }
0x4c7: {  	v52 =	vld [tilespmem:$0xAF10];
	v7 =	vadd.f32 v16, v7;
	v8 =	vadd.f32 v46, v8  }
0x4c8: {  	v53 =	vld [tilespmem:$0xAF40];
	v9 =	vadd.f32 v47, v9;
	v15 =	vadd.f32 v32, v50  }
0x4c9: {  	v54 =	vld [tilespmem:$0xAF50];
	v7 =	vadd.f32 v17, v7;
	v8 =	vadd.f32 v48, v8  }
0x4ca: {  	v55 =	vld [tilespmem:$0xAF80];
	v9 =	vadd.f32 v49, v9;
	v15 =	vadd.f32 v33, v15  }
0x4cb: {  	v56 =	vld [tilespmem:$0xAF90];
	v7 =	vadd.f32 v18, v7;
	v8 =	vadd.f32 v51, v8  }
0x4cc: {  	v57 =	vld [tilespmem:$0xAFC0];
	v9 =	vadd.f32 v52, v9;
	v15 =	vadd.f32 v34, v15  }
0x4cd: {  	v58 =	vld [tilespmem:$0xAFD0];
	v7 =	vadd.f32 v19, v7;
	v8 =	vadd.f32 v53, v8  }
0x4ce: {  	v59 =	vld [tilespmem:$0xB000];
	v9 =	vadd.f32 v54, v9;
	v15 =	vadd.f32 v35, v15  }
0x4cf: {  	v60 =	vld [tilespmem:$0xB010];
	v7 =	vadd.f32 v20, v7;
	v8 =	vadd.f32 v55, v8  }
0x4d0: {  	v61 =	vld [tilespmem:$0xB040];
	v9 =	vadd.f32 v56, v9;
	v15 =	vadd.f32 v36, v15  }
0x4d1: {  	v62 =	vld [tilespmem:$0xB050];
	v7 =	vadd.f32 v21, v7;
	v8 =	vadd.f32 v57, v8  }
0x4d2: {  	v9 =	vadd.f32 v58, v9;
	v15 =	vadd.f32 v37, v15  }
0x4d3: {  	v7 =	vadd.f32 v22, v7;
	v8 =	vadd.f32 v59, v8  }
0x4d4: {  	v9 =	vadd.f32 v60, v9;
	v63 =	vadd.f32 v38, v15  }
0x4d5: {  	[tilespmem:$0xB060] =	vst v7;
	v7 =	vadd.f32 v61, v8  }
0x4d6: {  	[tilespmem:$0xB070] =	vst v63;
	v8 =	vadd.f32 v62, v9  }
0x4d7: {  	[tilespmem:$0xB080] =	vst v7  }
0x4d8: {  	s0 =	rddreg [dreg:$0x8];
	s7 =	simm.s32 $0xB060;
	s12 =	simm.s32 $0x8;
	[tilespmem:$0xB090] =	vst v8  }
0x4d9: {  	[spmem:s0] =	stream.linear.scatter [tilespmem:s7], [sflag:$0x8], $0x40, $0x38;
	[tilespmem:$0xB4E0] =	vst v63  }
.Ltmp10:
0x4da: {  	_ =	swait.ge [sflag:s12], $0x40;
	(pc) =	sbr.rel @p0 .LBB2_19-.Ltmp10, $4  }
0x4db: {  	[sflag:s12] =	ssyncset.done $0x0  }
0x4dc: {  	[sflag:s12] =	ssyncadd.s32 $0xFFFFFFC0  }
0x4dd: {  	[bflag:$0x0] =	sbarrier.arrive $0xFFFF  }
0x4de: {  	s18 =	rddreg [dreg:$0xb]  }
0x4df: {  	s0 =	rddreg [dreg:$0x3];
	s7 =	simm.s32 $0xB0A0  }
0x4e0: {  	[tilespmem:s7], [sflag:$0x8] =	stream.linear.gather [spmem:s0], $0x400, $0x38;
	[tilespmem:$0xB4E0] =	vst v63  }
0x4e1: {  	_ =	swait.ge [sflag:s12], $0x400  }
0x4e2: {  	[sflag:s12] =	ssyncset.done $0x0  }
0x4e3: {  	[sflag:s12] =	ssyncadd.s32 $0xFFFFFC00  }
0x4e4: {  	v7 =	vld [tilespmem:$0xB0A0]  }
0x4e5: {  	v8 =	vld [tilespmem:$0xB0E0]  }
0x4e6: {  	v9 =	vld [tilespmem:$0xB120]  }
0x4e7: {  	v10 =	vld [tilespmem:$0xB160]  }
0x4e8: {  	v11 =	vld [tilespmem:$0xB1A0]  }
0x4e9: {  	v12 =	vld [tilespmem:$0xB1E0]  }
0x4ea: {  	v13 =	vld [tilespmem:$0xB220]  }
0x4eb: {  	v14 =	vld [tilespmem:$0xB260]  }
0x4ec: {  	v15 =	vld [tilespmem:$0xB2A0]  }
0x4ed: {  	v16 =	vld [tilespmem:$0xB2E0]  }
0x4ee: {  	v17 =	vld [tilespmem:$0xB320]  }
0x4ef: {  	v18 =	vld [tilespmem:$0xB360]  }
0x4f0: {  	v19 =	vld [tilespmem:$0xB3A0]  }
0x4f1: {  	v20 =	vld [tilespmem:$0xB3E0]  }
0x4f2: {  	v21 =	vld [tilespmem:$0xB420]  }
0x4f3: {  	v22 =	vld [tilespmem:$0xB460]  }
0x4f4: {  	v23 =	vld [tilespmem:$0xB0B0]  }
0x4f5: {  	v24 =	vld [tilespmem:$0xB0F0]  }
0x4f6: {  	v25 =	vld [tilespmem:$0xB130]  }
0x4f7: {  	v26 =	vld [tilespmem:$0xB170]  }
0x4f8: {  	v27 =	vld [tilespmem:$0xB1B0]  }
0x4f9: {  	v28 =	vld [tilespmem:$0xB1F0]  }
0x4fa: {  	v29 =	vld [tilespmem:$0xB230]  }
0x4fb: {  	v30 =	vld [tilespmem:$0xB270]  }
0x4fc: {  	v31 =	vld [tilespmem:$0xB2B0]  }
0x4fd: {  	v32 =	vld [tilespmem:$0xB2F0]  }
0x4fe: {  	v33 =	vld [tilespmem:$0xB330]  }
0x4ff: {  	v34 =	vld [tilespmem:$0xB370]  }
0x500: {  	v35 =	vld [tilespmem:$0xB3B0]  }
0x501: {  	v36 =	vld [tilespmem:$0xB3F0]  }
0x502: {  	v37 =	vld [tilespmem:$0xB430]  }
0x503: {  	v38 =	vld [tilespmem:$0xB470]  }
0x504: {  	v39 =	vld [tilespmem:$0xB0C0]  }
0x505: {  	v40 =	vld [tilespmem:$0xB0D0]  }
0x506: {  	v41 =	vld [tilespmem:$0xB100]  }
0x507: {  	v42 =	vld [tilespmem:$0xB110];
	v7 =	vadd.f32 $0.0e+00, v7  }
0x508: {  	v43 =	vld [tilespmem:$0xB140];
	v23 =	vadd.f32 $0.0e+00, v23  }
0x509: {  	v58 =	vld [tilespmem:$0xB150];
	v7 =	vadd.f32 v8, v7;
	v8 =	vadd.f32 $0.0e+00, v39  }
0x50a: {  	v59 =	vld [tilespmem:$0xB180];
	v40 =	vadd.f32 $0.0e+00, v40;
	v23 =	vadd.f32 v24, v23  }
0x50b: {  	v60 =	vld [tilespmem:$0xB190];
	v7 =	vadd.f32 v9, v7;
	v8 =	vadd.f32 v41, v8  }
0x50c: {  	v62 =	vld [tilespmem:$0xB1C0];
	v61 =	vadd.f32 v42, v40;
	v23 =	vadd.f32 v25, v23  }
0x50d: {  	v63 =	vld [tilespmem:$0xB1D0];
	v7 =	vadd.f32 v10, v7;
	v8 =	vadd.f32 v43, v8  }
0x50e: {  	v39 =	vld [tilespmem:$0xB200];
	v25 =	vadd.f32 v58, v61;
	v23 =	vadd.f32 v26, v23  }
0x50f: {  	v41 =	vld [tilespmem:$0xB210];
	v7 =	vadd.f32 v11, v7;
	v8 =	vadd.f32 v59, v8  }
0x510: {  	v42 =	vld [tilespmem:$0xB240];
	v9 =	vadd.f32 v60, v25;
	v23 =	vadd.f32 v27, v23  }
0x511: {  	v43 =	vld [tilespmem:$0xB250];
	v7 =	vadd.f32 v12, v7;
	v8 =	vadd.f32 v62, v8  }
0x512: {  	v44 =	vld [tilespmem:$0xB280];
	v9 =	vadd.f32 v63, v9;
	v23 =	vadd.f32 v28, v23  }
0x513: {  	v45 =	vld [tilespmem:$0xB290];
	v7 =	vadd.f32 v13, v7;
	v8 =	vadd.f32 v39, v8  }
0x514: {  	v46 =	vld [tilespmem:$0xB2C0];
	v9 =	vadd.f32 v41, v9;
	v23 =	vadd.f32 v29, v23  }
0x515: {  	v47 =	vld [tilespmem:$0xB2D0];
	v7 =	vadd.f32 v14, v7;
	v8 =	vadd.f32 v42, v8  }
0x516: {  	v48 =	vld [tilespmem:$0xB300];
	v9 =	vadd.f32 v43, v9;
	v23 =	vadd.f32 v30, v23  }
0x517: {  	v49 =	vld [tilespmem:$0xB310];
	v7 =	vadd.f32 v15, v7;
	v8 =	vadd.f32 v44, v8  }
0x518: {  	v51 =	vld [tilespmem:$0xB340];
	v9 =	vadd.f32 v45, v9;
	v50 =	vadd.f32 v31, v23  }
0x519: {  	v52 =	vld [tilespmem:$0xB350];
	v7 =	vadd.f32 v16, v7;
	v8 =	vadd.f32 v46, v8  }
0x51a: {  	v53 =	vld [tilespmem:$0xB380];
	v9 =	vadd.f32 v47, v9;
	v15 =	vadd.f32 v32, v50  }
0x51b: {  	v54 =	vld [tilespmem:$0xB390];
	v7 =	vadd.f32 v17, v7;
	v8 =	vadd.f32 v48, v8  }
0x51c: {  	v55 =	vld [tilespmem:$0xB3C0];
	v9 =	vadd.f32 v49, v9;
	v15 =	vadd.f32 v33, v15  }
0x51d: {  	v56 =	vld [tilespmem:$0xB3D0];
	v7 =	vadd.f32 v18, v7;
	v8 =	vadd.f32 v51, v8  }
0x51e: {  	v57 =	vld [tilespmem:$0xB400];
	v9 =	vadd.f32 v52, v9;
	v15 =	vadd.f32 v34, v15  }
0x51f: {  	v58 =	vld [tilespmem:$0xB410];
	v7 =	vadd.f32 v19, v7;
	v8 =	vadd.f32 v53, v8  }
0x520: {  	v59 =	vld [tilespmem:$0xB440];
	v9 =	vadd.f32 v54, v9;
	v15 =	vadd.f32 v35, v15  }
0x521: {  	v60 =	vld [tilespmem:$0xB450];
	v7 =	vadd.f32 v20, v7;
	v8 =	vadd.f32 v55, v8  }
0x522: {  	v61 =	vld [tilespmem:$0xB480];
	v9 =	vadd.f32 v56, v9;
	v15 =	vadd.f32 v36, v15  }
0x523: {  	v62 =	vld [tilespmem:$0xB490];
	v7 =	vadd.f32 v21, v7;
	v8 =	vadd.f32 v57, v8  }
0x524: {  	v9 =	vadd.f32 v58, v9;
	v15 =	vadd.f32 v37, v15  }
0x525: {  	v7 =	vadd.f32 v22, v7;
	v8 =	vadd.f32 v59, v8  }
0x526: {  	v9 =	vadd.f32 v60, v9;
	v63 =	vadd.f32 v38, v15  }
0x527: {  	[tilespmem:$0xB060] =	vst v7;
	v7 =	vadd.f32 v61, v8  }
0x528: {  	[tilespmem:$0xB070] =	vst v63;
	v8 =	vadd.f32 v62, v9  }
0x529: {  	[tilespmem:$0xB080] =	vst v7  }
.Ltmp11:
0x52a: {  	s24 =	simm.s32 $0xB060;
	s7 =	rddreg [dreg:$0x9];
	[tilespmem:$0xB090] =	vst v8;
	(pc) =	sbr.rel .LBB2_19-.Ltmp11, $4  }
0x52b: {  	[hbm4b:s7+s4] =	stream.linear.scatter [tilespmem:s24], [sflag:$0x8], $0x40, $0x38;
	[tilespmem:$0xB4E0] =	vst v63  }
0x52c: {  	_ =	swait.ge [sflag:s12], $0x40  }
0x52d: {  	[sflag:s12] =	ssyncset.done $0x0  }
0x52e: {  	[sflag:s12] =	ssyncadd.s32 $0xFFFFFFC0  }
.LBB2_20:
0x52f: {  	_ =	sfence.sel $0x180000  }
0x530: {  	[bflag:$0x0] =	sbarrier.arrive $0xFFFF  }
0x531: {  	_ =	strace $0x9000004A  }
0x532: {  	[bflag:$0x2] =	sbarrier.arrive $0xFFFF  }
0x533: {  	s0 =	rddreg [dreg:$0x4]  }
0x534: {  	s0 =	sadd.s32 @!p0 $0x100000, s0  }
0x535: {  	[sflag:s0] =	ssyncadd.tile.s32 @!p0 $0x1;
	_ =	shalt  }
.Lfunc_end2:
_tile_overlayer_lowered:
.L_overlay_start_2:
0x536: {  	(tag) =	ssettag $0x2  }
0x537: {  	s0 =	rddreg [dreg:$0x0];
	s2 =	stileid.u32  }
0x538: {  	s1 =	rddreg [dreg:$0x1];
	p0 =	sne.s32 s2, $0x0  }
0x539: {  	s3 =	rddreg [dreg:$0x2];
	[bflag:$0x3] =	sbarrier.arrive $0xFFFF;
	s2 =	simm.s32 @!p0 $0x1C08  }
0x53a: {  	[timem:s3], [sflag:s2] =	dma.local @!p0 [hbm:s0], s1  }
0x53b: {  	s0 =	simm.s32 @!p0 $0x8  }
0x53c: {  	_ =	swait.ge @!p0 [sflag:s0], s1  }
0x53d: {  	s1 =	ssub.s32 @!p0 $0x0, s1;
	[sflag:s0] =	ssyncset.done @!p0 $0x0  }
0x53e: {  	[sflag:s0] =	ssyncadd.s32 @!p0 s1  }
0x53f: {  	[bflag:$0x3] =	sbarrier.arrive $0xFFFF  }
0x540: {  	_ =	shalt  }

// kernel: sparse-core-data-format-call.cloned.1.call-start
scs
called_computation_lowered:
.L_overlay_start_0:
0x0: {  	s2 =	sld [smem:$0x3FD9]  }
0x1: {  	s3 =	sld [smem:$0x3FFE];
	_ =	sdelay $0x1  }
0x2: {  	s1 =	srdreg.scid  }
0x3: {  	s0 =	sand.u32 $0x1, s1  }
0x4: {  	s18 =	sshll.u32 s0, $0xA;
	s2 =	sadd.s32 s3, s2  }
0x5: {  	s2 =	sadd.s32 s2, s18  }
0x6: {  	[smem:$0x3FC3] =	sst s2  }
0x7: {  	_ = 	snop  }
0x8: {  	s2 =	sld [smem:$0x3FC7];
	(tm) =	ssettm $0x1  }
0x9: {  	s19 =	sld [smem:$0x3FFB];
	_ =	sdelay $0x3  }
0xa: {  	_ =	strace s19  }
0xb: {  	s3 =	sld [smem:$0x3FFC];
	_ =	sdelay $0x3  }
0xc: {  	_ =	strace s3  }
0xd: {  	s3 =	sld [smem:$0x3FFD];
	_ =	sdelay $0x3  }
0xe: {  	_ =	strace s3  }
0xf: {  	_ =	strace $0x8FFFFFFF  }
0x10: {  	s20 =	sld [smem:$0x3FDB];
	_ =	sdelay $0x1  }
0x11: {  	s4 =	simm.s32 $_scs_section_size  }
0x12: {  	s5 =	simm.s32 $_size__tile_overlayer_lowered;
	s6 =	simm.s32 $_tile_overlayer_lowered  }
0x13: {  	s23 =	simm.s32 $0x1BFF;
	s22 =	sshll.u32 s6, $0x1;
	s3 =	sadd.s32 s4, s20  }
0x14: {  	s7 =	simm.s32 $0x0;
	s21 =	sshll.u32 s5, $0x1;
	s5 =	sadd.s32 s22, s3  }
0x15: {  	[timem:s7], [sflag:s23] =	dma.local [hbm:s5], s21  }
0x16: {  	_ =	swait.ge [sflag:s23], s21  }
0x17: {  	s4 =	ssub.s32 $0x0, s21;
	[sflag:s23] =	ssyncset.done $0x0  }
0x18: {  	[sflag:s23] =	ssyncadd.s32 s4;
	_ =	sdelay $0x1  }
0x19: {  	s24 =	simm.s32 $0x1B8B  }
0x1a: {  	_ =	swait.ge [sflag:s24], $0x1  }
0x1b: {  	[sflag:s24] =	ssyncset.done $0x0  }
0x1c: {  	s26 =	simm.s32 $0x1B8E;
	s25 =	sld [smem:$0x3FFE];
	[sflag:s24] =	ssyncadd.s32 $0xFFFFFFFF  }
0x1d: {  	s27 =	simm.s32 $execute0_lowered;
	[smem:$0x3FD2] =	sst s26  }
0x1e: {  	s5 =	sshll.u32 s27, $0x1;
	_ =	strace $0x80000046;
	[dreg:$0x1] =	wrdreg $0xFFFFFFFF  }
0x1f: {  	s28 =	simm.s32 $_size_execute0_lowered;
	s3 =	sadd.s32 s3, s5;
	[dreg:$0x0] =	wrdreg $0x0  }
0x20: {  	s5 =	sshll.u32 s28, $0x1;
	[dreg:$0x2] =	wrdreg s3  }
0x21: {  	[dreg:$0x3] =	wrdreg s5  }
0x22: {  	[dreg:$0x4] =	wrdreg $0xC0  }
0x23: {  	_ =	task [dreg:s7], $0x5FFFF  }
0x24: {  	[dreg:$0x1] =	wrdreg $0xFFFFFFFF  }
0x25: {  	[dreg:$0x0] =	wrdreg $0x60  }
0x26: {  	[dreg:$0x2] =	wrdreg s2  }
0x27: {  	[dreg:$0x3] =	wrdreg s25  }
0x28: {  	[dreg:$0x4] =	wrdreg $0x9  }
0x29: {  	_ =	task.clear_ibuf [dreg:s7], $0x5FFFF;
	_ =	strace $0x90000046  }
0x2a: {  	s29 =	simm.s32 $0x9;
	_ =	strace $0x80000048  }
0x2b: {  	_ =	swait.ge [sflag:s29], $0x1  }
0x2c: {  	[sflag:s29] =	ssyncadd.s32 $0xFFFFFFFF  }
0x2d: {  	_ =	strace $0x90000048  }
0x2e: {  	_ =	sfence  }
0x2f: {  	s30 =	sld [smem:$0x0];
	_ =	sdelay $0x2  }
0x30: {  	s31 =	sshll.u32 s1, $0xD;
	s1 =	sshrl.u32 s1, $0x2  }
0x31: {  	s3 =	sand.u32 $0x4000, s31;
	s1 =	sadd.s32 s1, s30  }
0x32: {  	s0 =	sor.u32 s3, s0;
	s1 =	sshll.u32 s1, $0x11  }
0x33: {  	s0 =	sor.u32 s1, s0  }
0x34: {  	s0 =	sadd.s32 $0x8F2B, s0  }
0x35: {  	[sflag:s0] =	ssyncadd.remote.s32 $0x1  }
0x36: {  	_ =	sfence.sel $0xFFFF  }
0x37: {  	[dreg:$0x0] =	wrdreg $0xFFFFFFFF;
	(pc) =	sbr.abs _section_cstart, $3  }
0x38: {  	[dreg:$0x1] =	wrdreg $0xFFFFFFFF  }
0x39: {  	_ =	task.clear_ibuf [dreg:s7], $0x2FFFF;
	_ =	strace $0x9FFFFFFF  }
0x3a: {  	(tm) =	ssettm $0x7FFFFFFF  }
0x3b: {  	_ =	shalt  }
tec
execute0_lowered:
.L_overlay_start_1:
0x0: {  	(tag) =	ssettag $0x1  }
0x1: {  	s0 =	stileid.u32;
	s7 =	rddreg [dreg:$0x0]  }
0x2: {  	s1 =	srdreg.scid;
	s4 =	rddreg [dreg:$0x1]  }
0x3: {  	s30 =	simm.s32 $0x2;
	s10 =	simm.s32 $0x0;
	s14 =	simm.s32 $0x0  }
0x4: {  	s15 =	simm.s32 $0x0;
	s11 =	simm.s32 $0x0;
	s13 =	simm.s32 $0x0  }
0x5: {  	s2 =	sand.u32 $0x1, s1;
	s3 =	sshll.u32 s0, $0x7;
	s1 =	rddreg [dreg:$0x2]  }
0x6: {  	_ =	strace $0x80000047;
	s5 =	ssub.s32 $0xC300, s3;
	s6 =	ssub.s32 $0x2, s2  }
.Ltmp0:
0x7: {  	s5 =	sshrl.u32 s5, $0xB;
	s8 =	sshrl.u32 s6, $0x1;
	(pc) =	sbr.rel .LBB1_1-.Ltmp0, $4  }
0x8: {  	s4 =	sadd.s32 $0xE00, s4;
	s9 =	sadd.s32 $0x1, s5;
	s6 =	ssub.s32 s6, s8  }
0x9: {  	s31 =	sshll.u32 s2, $0x4;
	s5 =	simm.s32 $0x1;
	s6 =	smul.u32 s9, s6  }
0xa: {  	s12 =	smov.u32 s3;
	s7 =	sadd.s32 s7, s31;
	[sflag:s5] =	ssyncpa.u1 $0x0  }
0xb: {  	s9 =	simm.s32 $0x0;
	[sflag:s30] =	ssyncpa.u1 $0x0;
	s8 =	sadd.s32 $0x1, s6  }
.LBB1_4:
0xc: {  	s21 =	simm.s32 $0x0  }
.LBB1_8:
0xd: {  	_ =	sdelay $0x3  }
0xe: {  	v6 =	vld [tilespmem:s18+$0xFFFFFFC0];
	[tilespmem:v0+s20+$0x30 ss:$0x1] =	vst.idx.msk @p0 $0xffff, v2  }
0xf: {  	v58 =	vld [tilespmem:s18+$0xFFFFFFD0];
	[tilespmem:v0+s20+$0x40 ss:$0x1] =	vst.idx.msk @p0 $0xffff, v3;
	s21 =	sadd.s32 @p0 $0x80, s21  }
0x10: {  	v59 =	vld [tilespmem:s18+$0xFFFFFFE0];
	[tilespmem:v0+s20+$0x50 ss:$0x1] =	vst.idx.msk @p0 $0xffff, v5;
	s19 =	smov.u32 @p0 s21  }
0x11: {  	v60 =	vld [tilespmem:s18+$0xFFFFFFF0];
	[tilespmem:v0+s20+$0x60 ss:$0x1] =	vst.idx.msk @p0 $0xffff, v4;
	s19 =	sand.u32 $0x3F80, s19  }
0x12: {  	v61 =	vld [tilespmem:s18+$0x0];
	[tilespmem:v0+s19+$0x70 ss:$0x1] =	vst.idx.msk $0xffff, v1  }
0x13: {  	v62 =	vld [tilespmem:s18+$0x10];
	[tilespmem:v0+s19+$0x0 ss:$0x1] =	vst.idx.msk $0xffff, v6  }
0x14: {  	v63 =	vld [tilespmem:s18+$0x20];
	[tilespmem:v0+s19+$0x10 ss:$0x1] =	vst.idx.msk $0xffff, v58  }
0x15: {  	[tilespmem:v0+s19+$0x20 ss:$0x1] =	vst.idx.msk $0xffff, v59  }
0x16: {  	[tilespmem:v0+s19+$0x30 ss:$0x1] =	vst.idx.msk $0xffff, v60  }
0x17: {  	[tilespmem:v0+s19+$0x40 ss:$0x1] =	vst.idx.msk $0xffff, v61  }
0x18: {  	[tilespmem:v0+s19+$0x50 ss:$0x1] =	vst.idx.msk $0xffff, v62  }
0x19: {  	[tilespmem:v0+s19+$0x60 ss:$0x1] =	vst.idx.msk $0xffff, v63  }
.LBB1_9:
0x1a: {  	s18 =	sand.u32 $0x1FFFFFF, s11  }
0x1b: {  	s19 =	smulhi.u32 $0x14F8B59, s18;
	_ =	sdelay $0x1  }
0x1c: {  	s19 =	sshrl.u32 s19, $0x8  }
0x1d: {  	s19 =	smul.u32 $0xC350, s19  }
0x1e: {  	s15 =	smul.u32 $0xC3500, s15  }
0x1f: {  	s18 =	ssub.s32 s18, s19  }
0x20: {  	s15 =	sadd.s32 s4, s15;
	s18 =	sshll.u32 s18, $0x4  }
0x21: {  	s15 =	sadd.s32 s18, s15  }
0x22: {  	[hbm4b:s15+s9] =	stream.linear.scatter [tilespmem:s17], [sflag:$0x2], s16, $0x38;
	[tilespmem:$0x10000] =	vst v63  }
.LBB1_10:
0x23: {  	p0 =	slt.u32 s13, $0x2  }
0x24: {  	p1 =	sgt.s32 @!p0 s14, $0xC2D0  }
0x25: {  	s15 =	smov.u32 s14;
	s16 =	sshra.s32 @!p0 s14, $0x1F;
	p1 =	por !p1, p0  }
0x26: {  	s14 =	sand.u32 @!p0 s16, s14;
	s15 =	simm.s32 @p1 $0xC2D0  }
0x27: {  	s14 =	ssub.s32 @!p0 s15, s14  }
0x28: {  	s14 =	sadd.s32 @!p0 $0xFFFF3D30, s14  }
0x29: {  	s15 =	sshll.u32 @!p0 s14, $0x7  }
0x2a: {  	p1 =	sgt.s32 @!p0 s14, $0x7F;
	s14 =	ssub.s32 @!p0 $0x4000, s15  }
0x2b: {  	s16 =	sadd.s32 $0x800, s12;
	p1 =	por !p1, p0;
	s14 =	sand.u32 @!p0 $0x3FFFFF80, s14  }
0x2c: {  	s14 =	simm.s32 @!p1 $0x0;
	p1 =	sgt.s32 s16, $0xC34F  }
0x2d: {  	s16 =	smov.u32 @p1 s3;
	p1 =	sne.s32 s13, s8  }
.Ltmp1:
0x2e: {  	_ = 	snop;
	(pc) =	sbr.rel @!p1 .LBB1_11-.Ltmp1, $4  }
0x2f: {  	s10 =	sadd.s32 $0x4000, s10;
	s15 =	simm.s32 @!p0 $0x2  }
0x30: {  	_ =	swait.ge @!p0 [sflag:s15], s14;
	s17 =	ssub.s32 @!p0 $0x0, s14;
	s14 =	smov.u32 s11  }
0x31: {  	s13 =	sadd.s32 $0x1, s13;
	s11 =	smov.u32 s12;
	[sflag:s15] =	ssyncset.done @!p0 $0x0  }
0x32: {  	s12 =	smov.u32 s16;
	[sflag:s15] =	ssyncadd.s32 @!p0 s17;
	s15 =	smov.u32 s2  }
.LBB1_1:
0x33: {  	p0 =	sge.u32 s13, s6  }
0x34: {  	p1 =	sgt.s32 @!p0 s12, $0xC2D0  }
0x35: {  	s16 =	smov.u32 s12;
	s17 =	sshra.s32 @!p0 s12, $0x1F;
	p1 =	por !p1, p0  }
0x36: {  	s17 =	sand.u32 @!p0 s17, s12;
	s16 =	simm.s32 @p1 $0xC2D0  }
0x37: {  	s16 =	ssub.s32 @!p0 s16, s17  }
0x38: {  	s31 =	sadd.s32 $0xFFFFFFFF, s13;
	s18 =	sxor.u32 @!p0 $0xFFFFFFFF, s13;
	s16 =	sadd.s32 @!p0 $0xFFFF3D30, s16  }
0x39: {  	s19 =	simm.s32 @!p0 $0x80;
	s20 =	simm.s32 @!p0 $0x100;
	s17 =	sshll.u32 @!p0 s16, $0x7  }
0x3a: {  	p1 =	sgt.s32 @!p0 s16, $0x7F;
	s16 =	ssub.s32 @!p0 $0x4000, s17;
	s17 =	sshll.u32 @!p0 s18, $0xE  }
0x3b: {  	p1 =	por !p1, p0;
	s18 =	sshll.u32 @!p0 s12, $0x5;
	s16 =	sand.u32 @!p0 $0x3FFFFF80, s16  }
0x3c: {  	s17 =	sand.u32 @!p0 $0x4000, s17;
	s18 =	sadd.s32 @!p0 s18, s7;
	s16 =	simm.s32 @!p1 $0x0  }
0x3d: {  	[tilespmem:s17], [sflag:$0x1] =	stream.strided.gather @!p0 [hbm4b:s18+s19], s16, s20, s19, $0x38;
	[tilespmem:$0x10000] =	vst v63  }
0x3e: {  	p0 =	sge.u32 s31, s6  }
.Ltmp2:
0x3f: {  	_ = 	snop;
	(pc) =	sbr.rel @p0 .LBB1_10-.Ltmp2, $1  }
0x40: {  	_ =	sdelay $0x3  }
0x41: {  	p0 =	sgt.s32 s11, $0xC2D0;
	s16 =	smov.u32 s11;
	s17 =	sshra.s32 s11, $0x1F  }
0x42: {  	s16 =	simm.s32 @!p0 $0xC2D0;
	s17 =	sand.u32 s17, s11  }
0x43: {  	s16 =	ssub.s32 s16, s17  }
0x44: {  	s16 =	sadd.s32 $0xFFFF3D30, s16  }
0x45: {  	s30 =	sshll.u32 s16, $0x7  }
0x46: {  	s17 =	ssub.s32 $0x4000, s30  }
0x47: {  	p0 =	sgt.s32 s16, $0x7F;
	s16 =	sand.u32 $0x3FFFFF80, s17;
	s17 =	sadd.s32 $0x80, s11  }
0x48: {  	s16 =	simm.s32 @p0 $0x0;
	p0 =	slt.s32 s17, $0xC350  }
0x49: {  	s17 =	simm.s32 @!p0 $0xC350  }
0x4a: {  	s20 =	ssub.s32 s17, s11  }
0x4b: {  	p0 =	slt.s32 s20, $0x1  }
.Ltmp3:
0x4c: {  	_ = 	snop;
	(pc) =	sbr.rel @p0 .LBB1_9-.Ltmp3, $4  }
0x4d: {  	_ = 	snop  }
0x4e: {  	s19 =	sshll.u32 s13, $0xE;
	_ =	swait.ge [sflag:s5], s16  }
0x4f: {  	s31 =	sand.u32 $0x4000, s19;
	s18 =	ssub.s32 $0x0, s16;
	[sflag:s5] =	ssyncset.done $0x0  }
0x50: {  	s17 =	sor.u32 $0x8000, s31;
	[sflag:s5] =	ssyncadd.s32 s18  }
0x51: {  	p1 =	sne.s32 s20, $0x1  }
.Ltmp4:
0x52: {  	v0 =	vmov s17;
	(pc) =	sbr.rel @!p1 .LBB1_4-.Ltmp4, $4  }
0x53: {  	_ = 	snop  }
0x54: {  	s18 =	sand.u32 $0x4000, s10  }
0x55: {  	s18 =	sor.u32 $0x40, s18  }
0x56: {  	s19 =	simm.s32 $0x0;
	s21 =	sadd.s32 $0xFFFFFFFF, s20;
	p0 =	por $0x0, $0x0;
	v1 =	vld [tilespmem:s18+$0x30]  }
0x57: {  	v4 =	vld [tilespmem:s18+$0xFFFFFFC0]  }
0x58: {  	v6 =	vld [tilespmem:s18+$0xFFFFFFD0]  }
0x59: {  	v7 =	vld [tilespmem:s18+$0xFFFFFFE0];
	p1 =	sne.s32 s21, $0x1  }
.Ltmp5:
0x5a: {  	v2 =	vld [tilespmem:s18+$0xFFFFFFF0];
	s20 =	sand.u32 $0x3F80, s19;
	(pc) =	sbr.rel @!p1 .LBB1_6-.Ltmp5, $4  }
0x5b: {  	v3 =	vld [tilespmem:s18+$0x0];
	[tilespmem:v0+s20+$0x70 ss:$0x1] =	vst.idx.msk $0xffff, v1  }
0x5c: {  	v5 =	vld [tilespmem:s18+$0x10];
	[tilespmem:v0+s20+$0x0 ss:$0x1] =	vst.idx.msk $0xffff, v4  }
0x5d: {  	v4 =	vld [tilespmem:s18+$0x20];
	[tilespmem:v0+s20+$0x10 ss:$0x1] =	vst.idx.msk $0xffff, v6;
	s18 =	sadd.s32 $0x80, s18  }
0x5e: {  	s22 =	sadd.s32 $0xFFFFFFFF, s21;
	p0 =	por $0x1, $0x1;
	s21 =	simm.s32 $0x0;
	[tilespmem:v0+s20+$0x20 ss:$0x1] =	vst.idx.msk $0xffff, v7;
	v1 =	vld [tilespmem:s18+$0x30]  }
.LBB1_7:
0x5f: {  	p1 =	sne.s32 s22, $0x1;
	v6 =	vld [tilespmem:s18+$0xFFFFFFC0];
	[tilespmem:v0+s20+$0x30 ss:$0x1] =	vst.idx.msk $0xffff, v2  }
0x60: {  	v7 =	vld [tilespmem:s18+$0xFFFFFFD0];
	[tilespmem:v0+s20+$0x40 ss:$0x1] =	vst.idx.msk $0xffff, v3  }
0x61: {  	s21 =	sadd.s32 $0x80, s21;
	v8 =	vld [tilespmem:s18+$0xFFFFFFE0];
	[tilespmem:v0+s20+$0x50 ss:$0x1] =	vst.idx.msk $0xffff, v5  }
.Ltmp6:
0x62: {  	v2 =	vld [tilespmem:s18+$0xFFFFFFF0];
	[tilespmem:v0+s20+$0x60 ss:$0x1] =	vst.idx.msk $0xffff, v4;
	s20 =	sand.u32 $0x3F80, s21;
	(pc) =	sbr.rel @p1 .LBB1_7-.Ltmp6, $4  }
0x63: {  	v3 =	vld [tilespmem:s18+$0x0];
	[tilespmem:v0+s20+$0x70 ss:$0x1] =	vst.idx.msk $0xffff, v1  }
0x64: {  	[tilespmem:v0+s20+$0x0 ss:$0x1] =	vst.idx.msk $0xffff, v6;
	v5 =	vld [tilespmem:s18+$0x10]  }
0x65: {  	[tilespmem:v0+s20+$0x10 ss:$0x1] =	vst.idx.msk $0xffff, v7;
	v4 =	vld [tilespmem:s18+$0x20];
	s18 =	sadd.s32 $0x80, s18  }
0x66: {  	s22 =	sadd.s32 $0xFFFFFFFF, s22;
	v1 =	vld [tilespmem:s18+$0x30];
	[tilespmem:v0+s20+$0x20 ss:$0x1] =	vst.idx.msk $0xffff, v8  }
.Ltmp7:
0x67: {  	_ = 	snop;
	(pc) =	sbr.rel .LBB1_8-.Ltmp7, $1  }
0x68: {  	_ =	sdelay $0x3  }
.LBB1_6:
.Ltmp8:
0x69: {  	(pc) =	sbr.rel .LBB1_8-.Ltmp8, $2  }
0x6a: {  	_ =	sdelay $0x2  }
0x6b: {  	s21 =	simm.s32 $0x0  }
.LBB1_11:
0x6c: {  	_ =	sfence.sel $0x180000  }
0x6d: {  	s2 =	simm.s32 $0x1;
	[bflag:$0x0] =	sbarrier.arrive $0xFFFF  }
0x6e: {  	s31 =	simm.s32 $0x2;
	[sflag:s2] =	ssyncpa.u1 $0x1  }
0x6f: {  	[sflag:s31] =	ssyncpa.u1 $0x1  }
0x70: {  	p0 =	sne.s32 s0, $0x0;
	_ =	strace $0x90000047  }
0x71: {  	s0 =	sadd.s32 @!p0 $0x100000, s1;
	[bflag:$0x2] =	sbarrier.arrive $0xFFFF  }
0x72: {  	[sflag:s0] =	ssyncadd.tile.s32 @!p0 $0x1;
	_ =	shalt  }
.Lfunc_end1:
_tile_overlayer_lowered:
.L_overlay_start_2:
0x73: {  	(tag) =	ssettag $0x2  }
0x74: {  	s0 =	rddreg [dreg:$0x0];
	s2 =	stileid.u32  }
0x75: {  	s1 =	rddreg [dreg:$0x1];
	p0 =	sne.s32 s2, $0x0  }
0x76: {  	s3 =	rddreg [dreg:$0x2];
	[bflag:$0x3] =	sbarrier.arrive $0xFFFF;
	s2 =	simm.s32 @!p0 $0x1C01  }
0x77: {  	[timem:s3], [sflag:s2] =	dma.local @!p0 [hbm:s0], s1  }
0x78: {  	s0 =	simm.s32 @!p0 $0x1  }
0x79: {  	_ =	swait.ge @!p0 [sflag:s0], s1  }
0x7a: {  	s1 =	ssub.s32 @!p0 $0x0, s1;
	[sflag:s0] =	ssyncset.done @!p0 $0x0  }
0x7b: {  	[sflag:s0] =	ssyncadd.s32 @!p0 s1  }
0x7c: {  	[bflag:$0x3] =	sbarrier.arrive $0xFFFF  }
0x7d: {  	_ =	shalt  }

</sc_bundles>
